<compile_context>
chip_gen: v7x
topology: tpu7x:2x2x1
jax: 0.10.2.dev20260603
libtpu: 0.0.44.dev20260713+nightly
codegen_flags: <defaults>
</compile_context>

<pallas_src>
import functools

import jax
import jax.numpy as jnp
from jax import lax
from jax.experimental import pallas as pl
from jax.experimental.pallas import tpu as pltpu
from jax.experimental.pallas import tpu_sc as plsc

_B, _C, _N, _K, _D = 4, 128, 4096, 16, 128
_R = 256
_NB = 512
_G = 128
_NC, _NS = 2, 16
_NW = _NC * _NS
_SB = 2048


_CH = 4
_RC = _R // _CH


def _knn_body(pos_all_ref, pos_blk_ref, idx_ref):
    p_all = pos_all_ref[0]
    p_blk = pos_blk_ref[0]
    inner = lax.dot_general(
        p_blk, p_all, (((0,), (0,)), ((), ())),
        preferred_element_type=jnp.float32)
    xx_all = jnp.sum(p_all * p_all, axis=0, keepdims=True)
    xx_blk = jnp.sum(p_blk * p_blk, axis=0)[:, None]
    nd_full = 2.0 * inner - xx_blk - xx_all
    fiota = lax.broadcasted_iota(jnp.int32, (_RC, _N), 1).astype(jnp.float32)
    big = jnp.float32(_N)
    neg = jnp.float32(-jnp.inf)
    nds = [nd_full[c * _RC:(c + 1) * _RC] for c in range(_CH)]
    for t in range(_K):
        for c in range(_CH):
            nd = nds[c]
            m = jnp.max(nd, axis=1, keepdims=True)
            cand = jnp.where(nd == m, fiota, big)
            j = jnp.min(cand, axis=1, keepdims=True)
            idx_ref[0, c * _RC:(c + 1) * _RC, t:t + 1] = j.astype(jnp.int32)
            nds[c] = jnp.where(cand == j, neg, nd)


def _knn_call(pos_pad):
    return pl.pallas_call(
        _knn_body,
        grid=(_B, _N // _R),
        in_specs=[
            pl.BlockSpec((1, 8, _N), lambda b, i: (b, 0, 0)),
            pl.BlockSpec((1, 8, _R), lambda b, i: (b, 0, i)),
        ],
        out_specs=pl.BlockSpec((1, _R, _K), lambda b, i: (b, i, 0)),
        out_shape=jax.ShapeDtypeStruct((_B, _N, _K), jnp.int32),
    )(pos_pad, pos_pad)


def _proj_body(x_ref, w_ref, y_ref, t0_ref):
    xb = x_ref[0]
    w = w_ref[...]
    for k in range(_K):
        y_ref[0, k] = lax.dot_general(
            xb, w[k], (((0,), (0,)), ((), ())),
            preferred_element_type=jnp.float32)
    wsum = jnp.sum(w, axis=0)
    t0_ref[0] = -lax.dot_general(
        xb, wsum, (((0,), (0,)), ((), ())),
        preferred_element_type=jnp.float32)


def _proj_call(x, w):
    return pl.pallas_call(
        _proj_body,
        grid=(_B, _N // _NB),
        in_specs=[
            pl.BlockSpec((1, _C, _NB), lambda b, i: (b, 0, i)),
            pl.BlockSpec((_K, _C, _D), lambda b, i: (0, 0, 0)),
        ],
        out_specs=[
            pl.BlockSpec((1, _K, _NB, _D), lambda b, i: (b, 0, i, 0)),
            pl.BlockSpec((1, _NB, _D), lambda b, i: (b, i, 0)),
        ],
        out_shape=[
            jax.ShapeDtypeStruct((_B, _K, _N, _D), jnp.float32),
            jax.ShapeDtypeStruct((_B, _N, _D), jnp.float32),
        ],
    )(x, w)


def _sc_gather_call(y, idx, t0):
    rows_per_w = _N // (_NW // _B)
    chunks = rows_per_w // _G
    wpb = _NW // _B

    mesh = plsc.VectorSubcoreMesh(core_axis_name="c", subcore_axis_name="s",
                                  num_cores=_NC, num_subcores=_NS)

    @functools.partial(
        pl.kernel,
        mesh=mesh,
        out_type=jax.ShapeDtypeStruct((_B, _N, _D), jnp.float32),
        scratch_types=[
            pltpu.VMEM((_K, _G), jnp.int32),
            pltpu.VMEM((_G, _D), jnp.float32),
            pltpu.SemaphoreType.DMA,
        ],
    )
    def sc_kernel(y_hbm, idx_hbm, t0_hbm, out_hbm, idxv, accv, sem):
        cid = lax.axis_index("c")
        sid = lax.axis_index("s")
        w = sid * _NC + cid
        b = w // wpb
        nbase = (w % wpb) * rows_per_w

        def chunk(j, carry):
            n0 = nbase + j * _G
            pltpu.sync_copy(idx_hbm.at[b, :, pl.ds(n0, _G)], idxv)
            pltpu.sync_copy(t0_hbm.at[b, pl.ds(n0, _G)], accv)
            descs = [
                pltpu.async_copy(y_hbm.at[b, k].at[idxv.at[k]], accv, sem,
                                 add=True)
                for k in range(_K)
            ]
            for d in descs:
                d.wait()
            pltpu.sync_copy(accv, out_hbm.at[b, pl.ds(n0, _G)])
            return carry

        lax.fori_loop(0, chunks, chunk, 0)

    return sc_kernel(y, idx, t0)


def _stats_body(o_ref, s_ref):
    @pl.when(pl.program_id(0) == 0)
    def _():
        s_ref[...] = jnp.zeros_like(s_ref)

    blk = o_ref[...]
    s_ref[0:1, :] += jnp.sum(blk, axis=0, keepdims=True)
    s_ref[1:2, :] += jnp.sum(blk * blk, axis=0, keepdims=True)


def _stats_call(o2d):
    return pl.pallas_call(
        _stats_body,
        grid=(_B * _N // _SB,),
        in_specs=[pl.BlockSpec((_SB, _D), lambda i: (i, 0))],
        out_specs=pl.BlockSpec((8, _D), lambda i: (0, 0)),
        out_shape=jax.ShapeDtypeStruct((8, _D), jnp.float32),
    )(o2d)


def _norm_body(o_ref, s_ref, gb_ref, y_ref):
    inv_n = jnp.float32(1.0 / (_B * _N))
    mean = s_ref[0:1, :] * inv_n
    var = s_ref[1:2, :] * inv_n - mean * mean
    scale = gb_ref[0:1, :] * lax.rsqrt(var + 1e-5)
    bias = gb_ref[1:2, :] - scale * mean
    y_ref[0] = jnp.transpose(o_ref[0] * scale + bias, (1, 0))


def _norm_call(o3d, sums, gb):
    return pl.pallas_call(
        _norm_body,
        grid=(_B, _N // _SB),
        in_specs=[
            pl.BlockSpec((1, _SB, _D), lambda b, i: (b, i, 0)),
            pl.BlockSpec((8, _D), lambda b, i: (0, 0)),
            pl.BlockSpec((8, _D), lambda b, i: (0, 0)),
        ],
        out_specs=pl.BlockSpec((1, _D, _SB), lambda b, i: (b, 0, i)),
        out_shape=jax.ShapeDtypeStruct((_B, _D, _N), jnp.float32),
    )(o3d, sums, gb)


def kernel(x, pos, spectral_filter, bn_gamma, bn_beta):
    pos_pad = jnp.concatenate(
        [pos, jnp.zeros((_B, 8 - pos.shape[1], _N), jnp.float32)], axis=1)
    idx = jnp.transpose(_knn_call(pos_pad), (0, 2, 1))
    y, t0neg = _proj_call(x, spectral_filter)
    out = _sc_gather_call(y, idx, t0neg)
    sums = _stats_call(out.reshape(_B * _N, _D))
    gb = jnp.zeros((8, _D), jnp.float32)
    gb = gb.at[0].set(bn_gamma).at[1].set(bn_beta)
    return _norm_call(out, sums, gb)

# --- scband reference (transcript-rebuilt; emitter-appended) ---
"""Pipeline reference for scband-spectral-graph-conv-66597762892575 (READ-ONLY COPY).

The authoritative reference and input builder live on the scoring server;
editing this copy changes nothing except your own understanding.
"""

import jax, jax.numpy as jnp
import numpy as np

B, C, N, K, D = 4, 128, 4096, 16, 128


def setup_inputs(seed: int = 0) -> dict:
    key = jax.random.key(seed)
    k1, k2, k3 = jax.random.split(key, 3)
    x = jax.random.normal(k1, (B, C, N), dtype=jnp.float32)
    pos = jax.random.normal(k2, (B, 3, N), dtype=jnp.float32)
    spectral_filter = jax.random.normal(k3, (K, C, D), dtype=jnp.float32)
    bn_gamma = jnp.ones((D,), dtype=jnp.float32)
    bn_beta = jnp.zeros((D,), dtype=jnp.float32)
    return {"x": x, "pos": pos, "spectral_filter": spectral_filter,
            "bn_gamma": bn_gamma, "bn_beta": bn_beta}


def _knn(pos, k):
    # DGCNN-style kNN: pos (B, 3, N) -> idx (B, N, k)
    inner = jnp.einsum('bcn,bcm->bnm', pos, pos)
    xx = jnp.sum(pos * pos, axis=1)  # (B, N)
    neg_dist = 2.0 * inner - xx[:, :, None] - xx[:, None, :]
    _, idx = jax.lax.top_k(neg_dist, k)
    return idx


def reference(x, pos, spectral_filter, bn_gamma, bn_beta):
    k = spectral_filter.shape[0]
    idx = _knn(pos, k)  # (B, N, k)
    x_t = jnp.transpose(x, (0, 2, 1))  # (B, N, C)
    # indexing_neighbor: gather neighbor features -> (B, N, k, C)
    gathered = jax.vmap(lambda xt, ind: xt[ind])(x_t, idx)
    edge = gathered - x_t[:, :, None, :]  # (B, N, k, C) edge features
    out = jnp.einsum('bnkc,kcd->bnd', edge, spectral_filter)  # (B, N, D)
    out = jnp.transpose(out, (0, 2, 1))  # (B, D, N)
    # BatchNorm1d (training-mode batch statistics over B and N)
    mean = jnp.mean(out, axis=(0, 2), keepdims=True)
    var = jnp.var(out, axis=(0, 2), keepdims=True)
    xhat = (out - mean) / jnp.sqrt(var + 1e-5)
    return bn_gamma[None, :, None] * xhat + bn_beta[None, :, None]

if __name__ == "__main__":
    import jax
    _d = setup_inputs()
    print(jax.jit(kernel)(*tuple(_d.values())))

</pallas_src>

<mosaic_0001>
#map = affine_map<(d0, d1) -> (0, 0, 0, 0)>
#map1 = affine_map<(d0, d1) -> (0, 0, 0)>
module attributes {stable_mosaic.version = 14 : i64} {
  func.func @sc_kernel(%arg0: i32, %arg1: i32, %arg2: memref<4x16x4096x128xf32, #tpu.memory_space<hbm>>, %arg3: memref<4x16x4096xi32, #tpu.memory_space<hbm>>, %arg4: memref<4x4096x128xf32, #tpu.memory_space<hbm>>, %arg5: memref<4x4096x128xf32, #tpu.memory_space<hbm>>, %arg6: memref<16x128xi32, #tpu.memory_space<vmem>>, %arg7: memref<128x128xf32, #tpu.memory_space<vmem>>, %arg8: memref<!tpu.dma_semaphore, #tpu.memory_space<semaphore_mem>>) attributes {dimension_semantics = [#tpu.dimension_semantics<core_parallel>, #tpu.dimension_semantics<subcore_parallel>], iteration_bounds = array<i64: 2, 16>, scalar_prefetch = 0 : i64, scratch_operands = 3 : i64, tpu.core_type = #tpu.core_type<sc_vector_subcore>, window_params = [{transform_indices = #map}, {transform_indices = #map1}, {transform_indices = #map1}, {transform_indices = #map1}]} {
    %mul3A = arith.constant 2 : i32
    %mul3A_0 = arith.muli %arg1, %mul3A : i32
    %add3A = arith.addi %mul3A_0, %arg0 : i32
    %jit3A = arith.constant 8 : i32
    %div3A = arith.divsi %add3A, %jit3A : i32
    %sign3A = arith.constant 0 : i32
    %sign3A_1 = arith.cmpi sgt, %add3A, %sign3A : i32
    %sign3A_2 = arith.extui %sign3A_1 : i1 to i32
    %sign3A_3 = arith.constant 0 : i32
    %sign3A_4 = arith.cmpi slt, %add3A, %sign3A_3 : i32
    %sign3A_5 = arith.extui %sign3A_4 : i1 to i32
    %sign3A_6 = arith.subi %sign3A_2, %sign3A_5 : i32
    %sign3A_7 = arith.constant 0 : i32
    %sign3A_8 = arith.cmpi sgt, %jit3A, %sign3A_7 : i32
    %sign3A_9 = arith.extui %sign3A_8 : i1 to i32
    %sign3A_10 = arith.constant 0 : i32
    %sign3A_11 = arith.cmpi slt, %jit3A, %sign3A_10 : i32
    %sign3A_12 = arith.extui %sign3A_11 : i1 to i32
    %sign3A_13 = arith.subi %sign3A_9, %sign3A_12 : i32
    %ne3A = arith.cmpi ne, %sign3A_6, %sign3A_13 : i32
    %rem3A = arith.remsi %add3A, %jit3A : i32
    %ne3A_14 = arith.constant 0 : i32
    %ne3A_15 = arith.cmpi ne, %rem3A, %ne3A_14 : i32
    %and3A = arith.andi %ne3A, %ne3A_15 : i1
    %sub3A = arith.constant 1 : i32
    %sub3A_16 = arith.subi %div3A, %sub3A : i32
    %select_n3A = arith.select %and3A, %sub3A_16, %div3A : i32
    %jit3A_17 = arith.constant 8 : i32
    %eq3A = arith.constant 0 : i32
    %eq3A_18 = arith.cmpi eq, %jit3A_17, %eq3A : i32
    %jit3A_19 = arith.constant 1 : i32
    %select_n3A_20 = arith.select %eq3A_18, %jit3A_19, %jit3A_17 : i32
    %rem3A_21 = arith.remsi %add3A, %select_n3A_20 : i32
    %ne3A_22 = arith.constant 0 : i32
    %ne3A_23 = arith.cmpi ne, %rem3A_21, %ne3A_22 : i32
    %lt3A = arith.constant 0 : i32
    %lt3A_24 = arith.cmpi slt, %rem3A_21, %lt3A : i32
    %lt3A_25 = arith.constant 0 : i32
    %lt3A_26 = arith.cmpi slt, %select_n3A_20, %lt3A_25 : i32
    %ne3A_27 = arith.xori %lt3A_24, %lt3A_26 : i1
    %and3A_28 = arith.andi %ne3A_27, %ne3A_23 : i1
    %add3A_29 = arith.addi %rem3A_21, %select_n3A_20 : i32
    %select_n3A_30 = arith.select %and3A_28, %add3A_29, %rem3A_21 : i32
    %mul3A_31 = arith.constant 512 : i32
    %mul3A_32 = arith.muli %select_n3A_30, %mul3A_31 : i32
    %scan3A = arith.constant 0 : i32
    %scan3A_33 = arith.constant 0 : i32
    %scan3A_34 = arith.constant 4 : i32
    %scan3A_35 = arith.addi %scan3A_33, %scan3A_34 : i32
    %scan3A_36 = arith.constant 1 : i32
    scf.for %scan3A_38 = %scan3A_33 to %scan3A_35 step %scan3A_36  : i32 {
      %mul3A_39 = arith.constant 128 : i32
      %mul3A_40 = arith.muli %scan3A_38, %mul3A_39 : i32
      %add3A_41 = arith.addi %mul3A_32, %mul3A_40 : i32
      "tpu.region"() ({
        %run_scoped3A = tpu.sem_alloc : memref<!tpu.dma_semaphore, #tpu.memory_space<semaphore_mem>>
        %dma_start3A_424 = arith.constant 0 : i32
        %dma_start3A_425 = tpu.memref_slice %arg3[%select_n3A, %dma_start3A_424, %add3A_41] : memref<4x16x4096xi32, #tpu.memory_space<hbm>> -> memref<1x16x128xi32, #tpu.memory_space<hbm>>
        %dma_start3A_426 = tpu.memref_squeeze %dma_start3A_425 : memref<1x16x128xi32, #tpu.memory_space<hbm>> -> memref<16x128xi32, #tpu.memory_space<hbm>>
        %dma_start3A_427 = arith.constant 0 : i32
        %dma_start3A_428 = tpu.memref_slice %arg3[%select_n3A, %dma_start3A_427, %add3A_41] : memref<4x16x4096xi32, #tpu.memory_space<hbm>> -> memref<1x16x128xi32, #tpu.memory_space<hbm>>
        %dma_start3A_429 = tpu.memref_squeeze %dma_start3A_428 : memref<1x16x128xi32, #tpu.memory_space<hbm>> -> memref<16x128xi32, #tpu.memory_space<hbm>>
        tpu.enqueue_dma source(%dma_start3A_429 : memref<16x128xi32, #tpu.memory_space<hbm>>) target(%arg6 : memref<16x128xi32, #tpu.memory_space<vmem>>) target_semaphore(%run_scoped3A : memref<!tpu.dma_semaphore, #tpu.memory_space<semaphore_mem>>)
        %dma_wait3A_430 = arith.constant 0 : i32
        %dma_wait3A_431 = tpu.memref_slice %arg3[%select_n3A, %dma_wait3A_430, %add3A_41] : memref<4x16x4096xi32, #tpu.memory_space<hbm>> -> memref<1x16x128xi32, #tpu.memory_space<hbm>>
        %dma_wait3A_432 = tpu.memref_squeeze %dma_wait3A_431 : memref<1x16x128xi32, #tpu.memory_space<hbm>> -> memref<16x128xi32, #tpu.memory_space<hbm>>
        %dma_wait3A_433 = arith.constant 0 : i32
        %dma_wait3A_434 = tpu.memref_slice %arg3[%select_n3A, %dma_wait3A_433, %add3A_41] : memref<4x16x4096xi32, #tpu.memory_space<hbm>> -> memref<1x16x128xi32, #tpu.memory_space<hbm>>
        %dma_wait3A_435 = tpu.memref_squeeze %dma_wait3A_434 : memref<1x16x128xi32, #tpu.memory_space<hbm>> -> memref<16x128xi32, #tpu.memory_space<hbm>>
        tpu.wait_dma2 semaphore(%run_scoped3A : memref<!tpu.dma_semaphore, #tpu.memory_space<semaphore_mem>>) src(%dma_wait3A_435 : memref<16x128xi32, #tpu.memory_space<hbm>>) dst(%arg6 : memref<16x128xi32, #tpu.memory_space<vmem>>)
        tpu.yield
      }) : () -> ()
      "tpu.region"() ({
        %run_scoped3A = tpu.sem_alloc : memref<!tpu.dma_semaphore, #tpu.memory_space<semaphore_mem>>
        %dma_start3A_424 = arith.constant 0 : i32
        %dma_start3A_425 = tpu.memref_slice %arg4[%select_n3A, %add3A_41, %dma_start3A_424] : memref<4x4096x128xf32, #tpu.memory_space<hbm>> -> memref<1x128x128xf32, #tpu.memory_space<hbm>>
        %dma_start3A_426 = tpu.memref_squeeze %dma_start3A_425 : memref<1x128x128xf32, #tpu.memory_space<hbm>> -> memref<128x128xf32, #tpu.memory_space<hbm>>
        %dma_start3A_427 = arith.constant 0 : i32
        %dma_start3A_428 = tpu.memref_slice %arg4[%select_n3A, %add3A_41, %dma_start3A_427] : memref<4x4096x128xf32, #tpu.memory_space<hbm>> -> memref<1x128x128xf32, #tpu.memory_space<hbm>>
        %dma_start3A_429 = tpu.memref_squeeze %dma_start3A_428 : memref<1x128x128xf32, #tpu.memory_space<hbm>> -> memref<128x128xf32, #tpu.memory_space<hbm>>
        tpu.enqueue_dma source(%dma_start3A_429 : memref<128x128xf32, #tpu.memory_space<hbm>>) target(%arg7 : memref<128x128xf32, #tpu.memory_space<vmem>>) target_semaphore(%run_scoped3A : memref<!tpu.dma_semaphore, #tpu.memory_space<semaphore_mem>>)
        %dma_wait3A_430 = arith.constant 0 : i32
        %dma_wait3A_431 = tpu.memref_slice %arg4[%select_n3A, %add3A_41, %dma_wait3A_430] : memref<4x4096x128xf32, #tpu.memory_space<hbm>> -> memref<1x128x128xf32, #tpu.memory_space<hbm>>
        %dma_wait3A_432 = tpu.memref_squeeze %dma_wait3A_431 : memref<1x128x128xf32, #tpu.memory_space<hbm>> -> memref<128x128xf32, #tpu.memory_space<hbm>>
        %dma_wait3A_433 = arith.constant 0 : i32
        %dma_wait3A_434 = tpu.memref_slice %arg4[%select_n3A, %add3A_41, %dma_wait3A_433] : memref<4x4096x128xf32, #tpu.memory_space<hbm>> -> memref<1x128x128xf32, #tpu.memory_space<hbm>>
        %dma_wait3A_435 = tpu.memref_squeeze %dma_wait3A_434 : memref<1x128x128xf32, #tpu.memory_space<hbm>> -> memref<128x128xf32, #tpu.memory_space<hbm>>
        tpu.wait_dma2 semaphore(%run_scoped3A : memref<!tpu.dma_semaphore, #tpu.memory_space<semaphore_mem>>) src(%dma_wait3A_435 : memref<128x128xf32, #tpu.memory_space<hbm>>) dst(%arg7 : memref<128x128xf32, #tpu.memory_space<vmem>>)
        tpu.yield
      }) : () -> ()
      %dma_start3A = arith.constant 0 : i32
      %dma_start3A_42 = arith.constant 0 : i32
      %dma_start3A_43 = arith.constant 0 : i32
      %dma_start3A_44 = tpu.memref_slice %arg6[%dma_start3A_42, %dma_start3A_43] : memref<16x128xi32, #tpu.memory_space<vmem>> -> memref<1x128xi32, #tpu.memory_space<vmem>>
      %dma_start3A_45 = tpu.memref_squeeze %dma_start3A_44 : memref<1x128xi32, #tpu.memory_space<vmem>> -> memref<128xi32, #tpu.memory_space<vmem>>
      %dma_start3A_46 = arith.constant 0 : i32
      %dma_start3A_47 = arith.constant 0 : i32
      %dma_start3A_48 = tpu.memref_slice %arg2[%select_n3A, %dma_start3A, %dma_start3A_46, %dma_start3A_47] : memref<4x16x4096x128xf32, #tpu.memory_space<hbm>> -> memref<1x1x4096x128xf32, #tpu.memory_space<hbm>>
      %dma_start3A_49 = tpu.memref_squeeze %dma_start3A_48 : memref<1x1x4096x128xf32, #tpu.memory_space<hbm>> -> memref<4096x128xf32, #tpu.memory_space<hbm>>
      %dma_start3A_50 = arith.constant 0 : i32
      %dma_start3A_51 = arith.constant 0 : i32
      %dma_start3A_52 = tpu.memref_slice %dma_start3A_49[%dma_start3A_50, %dma_start3A_51] : memref<4096x128xf32, #tpu.memory_space<hbm>> -> memref<4096x128xf32, #tpu.memory_space<hbm>>
      tpu.enqueue_indirect_dma source(%dma_start3A_52 : memref<4096x128xf32, #tpu.memory_space<hbm>>) target(%arg7 : memref<128x128xf32, #tpu.memory_space<vmem>>) offsets(%dma_start3A_45 : memref<128xi32, #tpu.memory_space<vmem>>) semaphore(%arg8 : memref<!tpu.dma_semaphore, #tpu.memory_space<semaphore_mem>>) {add = true}
      %dma_start3A_53 = arith.constant 1 : i32
      %dma_start3A_54 = arith.constant 1 : i32
      %dma_start3A_55 = arith.constant 0 : i32
      %dma_start3A_56 = tpu.memref_slice %arg6[%dma_start3A_54, %dma_start3A_55] : memref<16x128xi32, #tpu.memory_space<vmem>> -> memref<1x128xi32, #tpu.memory_space<vmem>>
      %dma_start3A_57 = tpu.memref_squeeze %dma_start3A_56 : memref<1x128xi32, #tpu.memory_space<vmem>> -> memref<128xi32, #tpu.memory_space<vmem>>
      %dma_start3A_58 = arith.constant 0 : i32
      %dma_start3A_59 = arith.constant 0 : i32
      %dma_start3A_60 = tpu.memref_slice %arg2[%select_n3A, %dma_start3A_53, %dma_start3A_58, %dma_start3A_59] : memref<4x16x4096x128xf32, #tpu.memory_space<hbm>> -> memref<1x1x4096x128xf32, #tpu.memory_space<hbm>>
      %dma_start3A_61 = tpu.memref_squeeze %dma_start3A_60 : memref<1x1x4096x128xf32, #tpu.memory_space<hbm>> -> memref<4096x128xf32, #tpu.memory_space<hbm>>
      %dma_start3A_62 = arith.constant 0 : i32
      %dma_start3A_63 = arith.constant 0 : i32
      %dma_start3A_64 = tpu.memref_slice %dma_start3A_61[%dma_start3A_62, %dma_start3A_63] : memref<4096x128xf32, #tpu.memory_space<hbm>> -> memref<4096x128xf32, #tpu.memory_space<hbm>>
      tpu.enqueue_indirect_dma source(%dma_start3A_64 : memref<4096x128xf32, #tpu.memory_space<hbm>>) target(%arg7 : memref<128x128xf32, #tpu.memory_space<vmem>>) offsets(%dma_start3A_57 : memref<128xi32, #tpu.memory_space<vmem>>) semaphore(%arg8 : memref<!tpu.dma_semaphore, #tpu.memory_space<semaphore_mem>>) {add = true}
      %dma_start3A_65 = arith.constant 2 : i32
      %dma_start3A_66 = arith.constant 2 : i32
      %dma_start3A_67 = arith.constant 0 : i32
      %dma_start3A_68 = tpu.memref_slice %arg6[%dma_start3A_66, %dma_start3A_67] : memref<16x128xi32, #tpu.memory_space<vmem>> -> memref<1x128xi32, #tpu.memory_space<vmem>>
      %dma_start3A_69 = tpu.memref_squeeze %dma_start3A_68 : memref<1x128xi32, #tpu.memory_space<vmem>> -> memref<128xi32, #tpu.memory_space<vmem>>
      %dma_start3A_70 = arith.constant 0 : i32
      %dma_start3A_71 = arith.constant 0 : i32
      %dma_start3A_72 = tpu.memref_slice %arg2[%select_n3A, %dma_start3A_65, %dma_start3A_70, %dma_start3A_71] : memref<4x16x4096x128xf32, #tpu.memory_space<hbm>> -> memref<1x1x4096x128xf32, #tpu.memory_space<hbm>>
      %dma_start3A_73 = tpu.memref_squeeze %dma_start3A_72 : memref<1x1x4096x128xf32, #tpu.memory_space<hbm>> -> memref<4096x128xf32, #tpu.memory_space<hbm>>
      %dma_start3A_74 = arith.constant 0 : i32
      %dma_start3A_75 = arith.constant 0 : i32
      %dma_start3A_76 = tpu.memref_slice %dma_start3A_73[%dma_start3A_74, %dma_start3A_75] : memref<4096x128xf32, #tpu.memory_space<hbm>> -> memref<4096x128xf32, #tpu.memory_space<hbm>>
      tpu.enqueue_indirect_dma source(%dma_start3A_76 : memref<4096x128xf32, #tpu.memory_space<hbm>>) target(%arg7 : memref<128x128xf32, #tpu.memory_space<vmem>>) offsets(%dma_start3A_69 : memref<128xi32, #tpu.memory_space<vmem>>) semaphore(%arg8 : memref<!tpu.dma_semaphore, #tpu.memory_space<semaphore_mem>>) {add = true}
      %dma_start3A_77 = arith.constant 3 : i32
      %dma_start3A_78 = arith.constant 3 : i32
      %dma_start3A_79 = arith.constant 0 : i32
      %dma_start3A_80 = tpu.memref_slice %arg6[%dma_start3A_78, %dma_start3A_79] : memref<16x128xi32, #tpu.memory_space<vmem>> -> memref<1x128xi32, #tpu.memory_space<vmem>>
      %dma_start3A_81 = tpu.memref_squeeze %dma_start3A_80 : memref<1x128xi32, #tpu.memory_space<vmem>> -> memref<128xi32, #tpu.memory_space<vmem>>
      %dma_start3A_82 = arith.constant 0 : i32
      %dma_start3A_83 = arith.constant 0 : i32
      %dma_start3A_84 = tpu.memref_slice %arg2[%select_n3A, %dma_start3A_77, %dma_start3A_82, %dma_start3A_83] : memref<4x16x4096x128xf32, #tpu.memory_space<hbm>> -> memref<1x1x4096x128xf32, #tpu.memory_space<hbm>>
      %dma_start3A_85 = tpu.memref_squeeze %dma_start3A_84 : memref<1x1x4096x128xf32, #tpu.memory_space<hbm>> -> memref<4096x128xf32, #tpu.memory_space<hbm>>
      %dma_start3A_86 = arith.constant 0 : i32
      %dma_start3A_87 = arith.constant 0 : i32
      %dma_start3A_88 = tpu.memref_slice %dma_start3A_85[%dma_start3A_86, %dma_start3A_87] : memref<4096x128xf32, #tpu.memory_space<hbm>> -> memref<4096x128xf32, #tpu.memory_space<hbm>>
      tpu.enqueue_indirect_dma source(%dma_start3A_88 : memref<4096x128xf32, #tpu.memory_space<hbm>>) target(%arg7 : memref<128x128xf32, #tpu.memory_space<vmem>>) offsets(%dma_start3A_81 : memref<128xi32, #tpu.memory_space<vmem>>) semaphore(%arg8 : memref<!tpu.dma_semaphore, #tpu.memory_space<semaphore_mem>>) {add = true}
      %dma_start3A_89 = arith.constant 4 : i32
      %dma_start3A_90 = arith.constant 4 : i32
      %dma_start3A_91 = arith.constant 0 : i32
      %dma_start3A_92 = tpu.memref_slice %arg6[%dma_start3A_90, %dma_start3A_91] : memref<16x128xi32, #tpu.memory_space<vmem>> -> memref<1x128xi32, #tpu.memory_space<vmem>>
      %dma_start3A_93 = tpu.memref_squeeze %dma_start3A_92 : memref<1x128xi32, #tpu.memory_space<vmem>> -> memref<128xi32, #tpu.memory_space<vmem>>
      %dma_start3A_94 = arith.constant 0 : i32
      %dma_start3A_95 = arith.constant 0 : i32
      %dma_start3A_96 = tpu.memref_slice %arg2[%select_n3A, %dma_start3A_89, %dma_start3A_94, %dma_start3A_95] : memref<4x16x4096x128xf32, #tpu.memory_space<hbm>> -> memref<1x1x4096x128xf32, #tpu.memory_space<hbm>>
      %dma_start3A_97 = tpu.memref_squeeze %dma_start3A_96 : memref<1x1x4096x128xf32, #tpu.memory_space<hbm>> -> memref<4096x128xf32, #tpu.memory_space<hbm>>
      %dma_start3A_98 = arith.constant 0 : i32
      %dma_start3A_99 = arith.constant 0 : i32
      %dma_start3A_100 = tpu.memref_slice %dma_start3A_97[%dma_start3A_98, %dma_start3A_99] : memref<4096x128xf32, #tpu.memory_space<hbm>> -> memref<4096x128xf32, #tpu.memory_space<hbm>>
      tpu.enqueue_indirect_dma source(%dma_start3A_100 : memref<4096x128xf32, #tpu.memory_space<hbm>>) target(%arg7 : memref<128x128xf32, #tpu.memory_space<vmem>>) offsets(%dma_start3A_93 : memref<128xi32, #tpu.memory_space<vmem>>) semaphore(%arg8 : memref<!tpu.dma_semaphore, #tpu.memory_space<semaphore_mem>>) {add = true}
      %dma_start3A_101 = arith.constant 5 : i32
      %dma_start3A_102 = arith.constant 5 : i32
      %dma_start3A_103 = arith.constant 0 : i32
      %dma_start3A_104 = tpu.memref_slice %arg6[%dma_start3A_102, %dma_start3A_103] : memref<16x128xi32, #tpu.memory_space<vmem>> -> memref<1x128xi32, #tpu.memory_space<vmem>>
      %dma_start3A_105 = tpu.memref_squeeze %dma_start3A_104 : memref<1x128xi32, #tpu.memory_space<vmem>> -> memref<128xi32, #tpu.memory_space<vmem>>
      %dma_start3A_106 = arith.constant 0 : i32
      %dma_start3A_107 = arith.constant 0 : i32
      %dma_start3A_108 = tpu.memref_slice %arg2[%select_n3A, %dma_start3A_101, %dma_start3A_106, %dma_start3A_107] : memref<4x16x4096x128xf32, #tpu.memory_space<hbm>> -> memref<1x1x4096x128xf32, #tpu.memory_space<hbm>>
      %dma_start3A_109 = tpu.memref_squeeze %dma_start3A_108 : memref<1x1x4096x128xf32, #tpu.memory_space<hbm>> -> memref<4096x128xf32, #tpu.memory_space<hbm>>
      %dma_start3A_110 = arith.constant 0 : i32
      %dma_start3A_111 = arith.constant 0 : i32
      %dma_start3A_112 = tpu.memref_slice %dma_start3A_109[%dma_start3A_110, %dma_start3A_111] : memref<4096x128xf32, #tpu.memory_space<hbm>> -> memref<4096x128xf32, #tpu.memory_space<hbm>>
      tpu.enqueue_indirect_dma source(%dma_start3A_112 : memref<4096x128xf32, #tpu.memory_space<hbm>>) target(%arg7 : memref<128x128xf32, #tpu.memory_space<vmem>>) offsets(%dma_start3A_105 : memref<128xi32, #tpu.memory_space<vmem>>) semaphore(%arg8 : memref<!tpu.dma_semaphore, #tpu.memory_space<semaphore_mem>>) {add = true}
      %dma_start3A_113 = arith.constant 6 : i32
      %dma_start3A_114 = arith.constant 6 : i32
      %dma_start3A_115 = arith.constant 0 : i32
      %dma_start3A_116 = tpu.memref_slice %arg6[%dma_start3A_114, %dma_start3A_115] : memref<16x128xi32, #tpu.memory_space<vmem>> -> memref<1x128xi32, #tpu.memory_space<vmem>>
      %dma_start3A_117 = tpu.memref_squeeze %dma_start3A_116 : memref<1x128xi32, #tpu.memory_space<vmem>> -> memref<128xi32, #tpu.memory_space<vmem>>
      %dma_start3A_118 = arith.constant 0 : i32
      %dma_start3A_119 = arith.constant 0 : i32
      %dma_start3A_120 = tpu.memref_slice %arg2[%select_n3A, %dma_start3A_113, %dma_start3A_118, %dma_start3A_119] : memref<4x16x4096x128xf32, #tpu.memory_space<hbm>> -> memref<1x1x4096x128xf32, #tpu.memory_space<hbm>>
      %dma_start3A_121 = tpu.memref_squeeze %dma_start3A_120 : memref<1x1x4096x128xf32, #tpu.memory_space<hbm>> -> memref<4096x128xf32, #tpu.memory_space<hbm>>
      %dma_start3A_122 = arith.constant 0 : i32
      %dma_start3A_123 = arith.constant 0 : i32
      %dma_start3A_124 = tpu.memref_slice %dma_start3A_121[%dma_start3A_122, %dma_start3A_123] : memref<4096x128xf32, #tpu.memory_space<hbm>> -> memref<4096x128xf32, #tpu.memory_space<hbm>>
      tpu.enqueue_indirect_dma source(%dma_start3A_124 : memref<4096x128xf32, #tpu.memory_space<hbm>>) target(%arg7 : memref<128x128xf32, #tpu.memory_space<vmem>>) offsets(%dma_start3A_117 : memref<128xi32, #tpu.memory_space<vmem>>) semaphore(%arg8 : memref<!tpu.dma_semaphore, #tpu.memory_space<semaphore_mem>>) {add = true}
      %dma_start3A_125 = arith.constant 7 : i32
      %dma_start3A_126 = arith.constant 7 : i32
      %dma_start3A_127 = arith.constant 0 : i32
      %dma_start3A_128 = tpu.memref_slice %arg6[%dma_start3A_126, %dma_start3A_127] : memref<16x128xi32, #tpu.memory_space<vmem>> -> memref<1x128xi32, #tpu.memory_space<vmem>>
      %dma_start3A_129 = tpu.memref_squeeze %dma_start3A_128 : memref<1x128xi32, #tpu.memory_space<vmem>> -> memref<128xi32, #tpu.memory_space<vmem>>
      %dma_start3A_130 = arith.constant 0 : i32
      %dma_start3A_131 = arith.constant 0 : i32
      %dma_start3A_132 = tpu.memref_slice %arg2[%select_n3A, %dma_start3A_125, %dma_start3A_130, %dma_start3A_131] : memref<4x16x4096x128xf32, #tpu.memory_space<hbm>> -> memref<1x1x4096x128xf32, #tpu.memory_space<hbm>>
      %dma_start3A_133 = tpu.memref_squeeze %dma_start3A_132 : memref<1x1x4096x128xf32, #tpu.memory_space<hbm>> -> memref<4096x128xf32, #tpu.memory_space<hbm>>
      %dma_start3A_134 = arith.constant 0 : i32
      %dma_start3A_135 = arith.constant 0 : i32
      %dma_start3A_136 = tpu.memref_slice %dma_start3A_133[%dma_start3A_134, %dma_start3A_135] : memref<4096x128xf32, #tpu.memory_space<hbm>> -> memref<4096x128xf32, #tpu.memory_space<hbm>>
      tpu.enqueue_indirect_dma source(%dma_start3A_136 : memref<4096x128xf32, #tpu.memory_space<hbm>>) target(%arg7 : memref<128x128xf32, #tpu.memory_space<vmem>>) offsets(%dma_start3A_129 : memref<128xi32, #tpu.memory_space<vmem>>) semaphore(%arg8 : memref<!tpu.dma_semaphore, #tpu.memory_space<semaphore_mem>>) {add = true}
      %dma_start3A_137 = arith.constant 8 : i32
      %dma_start3A_138 = arith.constant 8 : i32
      %dma_start3A_139 = arith.constant 0 : i32
      %dma_start3A_140 = tpu.memref_slice %arg6[%dma_start3A_138, %dma_start3A_139] : memref<16x128xi32, #tpu.memory_space<vmem>> -> memref<1x128xi32, #tpu.memory_space<vmem>>
      %dma_start3A_141 = tpu.memref_squeeze %dma_start3A_140 : memref<1x128xi32, #tpu.memory_space<vmem>> -> memref<128xi32, #tpu.memory_space<vmem>>
      %dma_start3A_142 = arith.constant 0 : i32
      %dma_start3A_143 = arith.constant 0 : i32
      %dma_start3A_144 = tpu.memref_slice %arg2[%select_n3A, %dma_start3A_137, %dma_start3A_142, %dma_start3A_143] : memref<4x16x4096x128xf32, #tpu.memory_space<hbm>> -> memref<1x1x4096x128xf32, #tpu.memory_space<hbm>>
      %dma_start3A_145 = tpu.memref_squeeze %dma_start3A_144 : memref<1x1x4096x128xf32, #tpu.memory_space<hbm>> -> memref<4096x128xf32, #tpu.memory_space<hbm>>
      %dma_start3A_146 = arith.constant 0 : i32
      %dma_start3A_147 = arith.constant 0 : i32
      %dma_start3A_148 = tpu.memref_slice %dma_start3A_145[%dma_start3A_146, %dma_start3A_147] : memref<4096x128xf32, #tpu.memory_space<hbm>> -> memref<4096x128xf32, #tpu.memory_space<hbm>>
      tpu.enqueue_indirect_dma source(%dma_start3A_148 : memref<4096x128xf32, #tpu.memory_space<hbm>>) target(%arg7 : memref<128x128xf32, #tpu.memory_space<vmem>>) offsets(%dma_start3A_141 : memref<128xi32, #tpu.memory_space<vmem>>) semaphore(%arg8 : memref<!tpu.dma_semaphore, #tpu.memory_space<semaphore_mem>>) {add = true}
      %dma_start3A_149 = arith.constant 9 : i32
      %dma_start3A_150 = arith.constant 9 : i32
      %dma_start3A_151 = arith.constant 0 : i32
      %dma_start3A_152 = tpu.memref_slice %arg6[%dma_start3A_150, %dma_start3A_151] : memref<16x128xi32, #tpu.memory_space<vmem>> -> memref<1x128xi32, #tpu.memory_space<vmem>>
      %dma_start3A_153 = tpu.memref_squeeze %dma_start3A_152 : memref<1x128xi32, #tpu.memory_space<vmem>> -> memref<128xi32, #tpu.memory_space<vmem>>
      %dma_start3A_154 = arith.constant 0 : i32
      %dma_start3A_155 = arith.constant 0 : i32
      %dma_start3A_156 = tpu.memref_slice %arg2[%select_n3A, %dma_start3A_149, %dma_start3A_154, %dma_start3A_155] : memref<4x16x4096x128xf32, #tpu.memory_space<hbm>> -> memref<1x1x4096x128xf32, #tpu.memory_space<hbm>>
      %dma_start3A_157 = tpu.memref_squeeze %dma_start3A_156 : memref<1x1x4096x128xf32, #tpu.memory_space<hbm>> -> memref<4096x128xf32, #tpu.memory_space<hbm>>
      %dma_start3A_158 = arith.constant 0 : i32
      %dma_start3A_159 = arith.constant 0 : i32
      %dma_start3A_160 = tpu.memref_slice %dma_start3A_157[%dma_start3A_158, %dma_start3A_159] : memref<4096x128xf32, #tpu.memory_space<hbm>> -> memref<4096x128xf32, #tpu.memory_space<hbm>>
      tpu.enqueue_indirect_dma source(%dma_start3A_160 : memref<4096x128xf32, #tpu.memory_space<hbm>>) target(%arg7 : memref<128x128xf32, #tpu.memory_space<vmem>>) offsets(%dma_start3A_153 : memref<128xi32, #tpu.memory_space<vmem>>) semaphore(%arg8 : memref<!tpu.dma_semaphore, #tpu.memory_space<semaphore_mem>>) {add = true}
      %dma_start3A_161 = arith.constant 10 : i32
      %dma_start3A_162 = arith.constant 10 : i32
      %dma_start3A_163 = arith.constant 0 : i32
      %dma_start3A_164 = tpu.memref_slice %arg6[%dma_start3A_162, %dma_start3A_163] : memref<16x128xi32, #tpu.memory_space<vmem>> -> memref<1x128xi32, #tpu.memory_space<vmem>>
      %dma_start3A_165 = tpu.memref_squeeze %dma_start3A_164 : memref<1x128xi32, #tpu.memory_space<vmem>> -> memref<128xi32, #tpu.memory_space<vmem>>
      %dma_start3A_166 = arith.constant 0 : i32
      %dma_start3A_167 = arith.constant 0 : i32
      %dma_start3A_168 = tpu.memref_slice %arg2[%select_n3A, %dma_start3A_161, %dma_start3A_166, %dma_start3A_167] : memref<4x16x4096x128xf32, #tpu.memory_space<hbm>> -> memref<1x1x4096x128xf32, #tpu.memory_space<hbm>>
      %dma_start3A_169 = tpu.memref_squeeze %dma_start3A_168 : memref<1x1x4096x128xf32, #tpu.memory_space<hbm>> -> memref<4096x128xf32, #tpu.memory_space<hbm>>
      %dma_start3A_170 = arith.constant 0 : i32
      %dma_start3A_171 = arith.constant 0 : i32
      %dma_start3A_172 = tpu.memref_slice %dma_start3A_169[%dma_start3A_170, %dma_start3A_171] : memref<4096x128xf32, #tpu.memory_space<hbm>> -> memref<4096x128xf32, #tpu.memory_space<hbm>>
      tpu.enqueue_indirect_dma source(%dma_start3A_172 : memref<4096x128xf32, #tpu.memory_space<hbm>>) target(%arg7 : memref<128x128xf32, #tpu.memory_space<vmem>>) offsets(%dma_start3A_165 : memref<128xi32, #tpu.memory_space<vmem>>) semaphore(%arg8 : memref<!tpu.dma_semaphore, #tpu.memory_space<semaphore_mem>>) {add = true}
      %dma_start3A_173 = arith.constant 11 : i32
      %dma_start3A_174 = arith.constant 11 : i32
      %dma_start3A_175 = arith.constant 0 : i32
      %dma_start3A_176 = tpu.memref_slice %arg6[%dma_start3A_174, %dma_start3A_175] : memref<16x128xi32, #tpu.memory_space<vmem>> -> memref<1x128xi32, #tpu.memory_space<vmem>>
      %dma_start3A_177 = tpu.memref_squeeze %dma_start3A_176 : memref<1x128xi32, #tpu.memory_space<vmem>> -> memref<128xi32, #tpu.memory_space<vmem>>
      %dma_start3A_178 = arith.constant 0 : i32
      %dma_start3A_179 = arith.constant 0 : i32
      %dma_start3A_180 = tpu.memref_slice %arg2[%select_n3A, %dma_start3A_173, %dma_start3A_178, %dma_start3A_179] : memref<4x16x4096x128xf32, #tpu.memory_space<hbm>> -> memref<1x1x4096x128xf32, #tpu.memory_space<hbm>>
      %dma_start3A_181 = tpu.memref_squeeze %dma_start3A_180 : memref<1x1x4096x128xf32, #tpu.memory_space<hbm>> -> memref<4096x128xf32, #tpu.memory_space<hbm>>
      %dma_start3A_182 = arith.constant 0 : i32
      %dma_start3A_183 = arith.constant 0 : i32
      %dma_start3A_184 = tpu.memref_slice %dma_start3A_181[%dma_start3A_182, %dma_start3A_183] : memref<4096x128xf32, #tpu.memory_space<hbm>> -> memref<4096x128xf32, #tpu.memory_space<hbm>>
      tpu.enqueue_indirect_dma source(%dma_start3A_184 : memref<4096x128xf32, #tpu.memory_space<hbm>>) target(%arg7 : memref<128x128xf32, #tpu.memory_space<vmem>>) offsets(%dma_start3A_177 : memref<128xi32, #tpu.memory_space<vmem>>) semaphore(%arg8 : memref<!tpu.dma_semaphore, #tpu.memory_space<semaphore_mem>>) {add = true}
      %dma_start3A_185 = arith.constant 12 : i32
      %dma_start3A_186 = arith.constant 12 : i32
      %dma_start3A_187 = arith.constant 0 : i32
      %dma_start3A_188 = tpu.memref_slice %arg6[%dma_start3A_186, %dma_start3A_187] : memref<16x128xi32, #tpu.memory_space<vmem>> -> memref<1x128xi32, #tpu.memory_space<vmem>>
      %dma_start3A_189 = tpu.memref_squeeze %dma_start3A_188 : memref<1x128xi32, #tpu.memory_space<vmem>> -> memref<128xi32, #tpu.memory_space<vmem>>
      %dma_start3A_190 = arith.constant 0 : i32
      %dma_start3A_191 = arith.constant 0 : i32
      %dma_start3A_192 = tpu.memref_slice %arg2[%select_n3A, %dma_start3A_185, %dma_start3A_190, %dma_start3A_191] : memref<4x16x4096x128xf32, #tpu.memory_space<hbm>> -> memref<1x1x4096x128xf32, #tpu.memory_space<hbm>>
      %dma_start3A_193 = tpu.memref_squeeze %dma_start3A_192 : memref<1x1x4096x128xf32, #tpu.memory_space<hbm>> -> memref<4096x128xf32, #tpu.memory_space<hbm>>
      %dma_start3A_194 = arith.constant 0 : i32
      %dma_start3A_195 = arith.constant 0 : i32
      %dma_start3A_196 = tpu.memref_slice %dma_start3A_193[%dma_start3A_194, %dma_start3A_195] : memref<4096x128xf32, #tpu.memory_space<hbm>> -> memref<4096x128xf32, #tpu.memory_space<hbm>>
      tpu.enqueue_indirect_dma source(%dma_start3A_196 : memref<4096x128xf32, #tpu.memory_space<hbm>>) target(%arg7 : memref<128x128xf32, #tpu.memory_space<vmem>>) offsets(%dma_start3A_189 : memref<128xi32, #tpu.memory_space<vmem>>) semaphore(%arg8 : memref<!tpu.dma_semaphore, #tpu.memory_space<semaphore_mem>>) {add = true}
      %dma_start3A_197 = arith.constant 13 : i32
      %dma_start3A_198 = arith.constant 13 : i32
      %dma_start3A_199 = arith.constant 0 : i32
      %dma_start3A_200 = tpu.memref_slice %arg6[%dma_start3A_198, %dma_start3A_199] : memref<16x128xi32, #tpu.memory_space<vmem>> -> memref<1x128xi32, #tpu.memory_space<vmem>>
      %dma_start3A_201 = tpu.memref_squeeze %dma_start3A_200 : memref<1x128xi32, #tpu.memory_space<vmem>> -> memref<128xi32, #tpu.memory_space<vmem>>
      %dma_start3A_202 = arith.constant 0 : i32
      %dma_start3A_203 = arith.constant 0 : i32
      %dma_start3A_204 = tpu.memref_slice %arg2[%select_n3A, %dma_start3A_197, %dma_start3A_202, %dma_start3A_203] : memref<4x16x4096x128xf32, #tpu.memory_space<hbm>> -> memref<1x1x4096x128xf32, #tpu.memory_space<hbm>>
      %dma_start3A_205 = tpu.memref_squeeze %dma_start3A_204 : memref<1x1x4096x128xf32, #tpu.memory_space<hbm>> -> memref<4096x128xf32, #tpu.memory_space<hbm>>
      %dma_start3A_206 = arith.constant 0 : i32
      %dma_start3A_207 = arith.constant 0 : i32
      %dma_start3A_208 = tpu.memref_slice %dma_start3A_205[%dma_start3A_206, %dma_start3A_207] : memref<4096x128xf32, #tpu.memory_space<hbm>> -> memref<4096x128xf32, #tpu.memory_space<hbm>>
      tpu.enqueue_indirect_dma source(%dma_start3A_208 : memref<4096x128xf32, #tpu.memory_space<hbm>>) target(%arg7 : memref<128x128xf32, #tpu.memory_space<vmem>>) offsets(%dma_start3A_201 : memref<128xi32, #tpu.memory_space<vmem>>) semaphore(%arg8 : memref<!tpu.dma_semaphore, #tpu.memory_space<semaphore_mem>>) {add = true}
      %dma_start3A_209 = arith.constant 14 : i32
      %dma_start3A_210 = arith.constant 14 : i32
      %dma_start3A_211 = arith.constant 0 : i32
      %dma_start3A_212 = tpu.memref_slice %arg6[%dma_start3A_210, %dma_start3A_211] : memref<16x128xi32, #tpu.memory_space<vmem>> -> memref<1x128xi32, #tpu.memory_space<vmem>>
      %dma_start3A_213 = tpu.memref_squeeze %dma_start3A_212 : memref<1x128xi32, #tpu.memory_space<vmem>> -> memref<128xi32, #tpu.memory_space<vmem>>
      %dma_start3A_214 = arith.constant 0 : i32
      %dma_start3A_215 = arith.constant 0 : i32
      %dma_start3A_216 = tpu.memref_slice %arg2[%select_n3A, %dma_start3A_209, %dma_start3A_214, %dma_start3A_215] : memref<4x16x4096x128xf32, #tpu.memory_space<hbm>> -> memref<1x1x4096x128xf32, #tpu.memory_space<hbm>>
      %dma_start3A_217 = tpu.memref_squeeze %dma_start3A_216 : memref<1x1x4096x128xf32, #tpu.memory_space<hbm>> -> memref<4096x128xf32, #tpu.memory_space<hbm>>
      %dma_start3A_218 = arith.constant 0 : i32
      %dma_start3A_219 = arith.constant 0 : i32
      %dma_start3A_220 = tpu.memref_slice %dma_start3A_217[%dma_start3A_218, %dma_start3A_219] : memref<4096x128xf32, #tpu.memory_space<hbm>> -> memref<4096x128xf32, #tpu.memory_space<hbm>>
      tpu.enqueue_indirect_dma source(%dma_start3A_220 : memref<4096x128xf32, #tpu.memory_space<hbm>>) target(%arg7 : memref<128x128xf32, #tpu.memory_space<vmem>>) offsets(%dma_start3A_213 : memref<128xi32, #tpu.memory_space<vmem>>) semaphore(%arg8 : memref<!tpu.dma_semaphore, #tpu.memory_space<semaphore_mem>>) {add = true}
      %dma_start3A_221 = arith.constant 15 : i32
      %dma_start3A_222 = arith.constant 15 : i32
      %dma_start3A_223 = arith.constant 0 : i32
      %dma_start3A_224 = tpu.memref_slice %arg6[%dma_start3A_222, %dma_start3A_223] : memref<16x128xi32, #tpu.memory_space<vmem>> -> memref<1x128xi32, #tpu.memory_space<vmem>>
      %dma_start3A_225 = tpu.memref_squeeze %dma_start3A_224 : memref<1x128xi32, #tpu.memory_space<vmem>> -> memref<128xi32, #tpu.memory_space<vmem>>
      %dma_start3A_226 = arith.constant 0 : i32
      %dma_start3A_227 = arith.constant 0 : i32
      %dma_start3A_228 = tpu.memref_slice %arg2[%select_n3A, %dma_start3A_221, %dma_start3A_226, %dma_start3A_227] : memref<4x16x4096x128xf32, #tpu.memory_space<hbm>> -> memref<1x1x4096x128xf32, #tpu.memory_space<hbm>>
      %dma_start3A_229 = tpu.memref_squeeze %dma_start3A_228 : memref<1x1x4096x128xf32, #tpu.memory_space<hbm>> -> memref<4096x128xf32, #tpu.memory_space<hbm>>
      %dma_start3A_230 = arith.constant 0 : i32
      %dma_start3A_231 = arith.constant 0 : i32
      %dma_start3A_232 = tpu.memref_slice %dma_start3A_229[%dma_start3A_230, %dma_start3A_231] : memref<4096x128xf32, #tpu.memory_space<hbm>> -> memref<4096x128xf32, #tpu.memory_space<hbm>>
      tpu.enqueue_indirect_dma source(%dma_start3A_232 : memref<4096x128xf32, #tpu.memory_space<hbm>>) target(%arg7 : memref<128x128xf32, #tpu.memory_space<vmem>>) offsets(%dma_start3A_225 : memref<128xi32, #tpu.memory_space<vmem>>) semaphore(%arg8 : memref<!tpu.dma_semaphore, #tpu.memory_space<semaphore_mem>>) {add = true}
      %dma_wait3A = arith.constant 0 : i32
      %dma_wait3A_233 = arith.constant 0 : i32
      %dma_wait3A_234 = arith.constant 0 : i32
      %dma_wait3A_235 = tpu.memref_slice %arg6[%dma_wait3A_233, %dma_wait3A_234] : memref<16x128xi32, #tpu.memory_space<vmem>> -> memref<1x128xi32, #tpu.memory_space<vmem>>
      %dma_wait3A_236 = tpu.memref_squeeze %dma_wait3A_235 : memref<1x128xi32, #tpu.memory_space<vmem>> -> memref<128xi32, #tpu.memory_space<vmem>>
      %dma_wait3A_237 = arith.constant 0 : i32
      %dma_wait3A_238 = arith.constant 0 : i32
      %dma_wait3A_239 = tpu.memref_slice %arg2[%select_n3A, %dma_wait3A, %dma_wait3A_237, %dma_wait3A_238] : memref<4x16x4096x128xf32, #tpu.memory_space<hbm>> -> memref<1x1x4096x128xf32, #tpu.memory_space<hbm>>
      %dma_wait3A_240 = tpu.memref_squeeze %dma_wait3A_239 : memref<1x1x4096x128xf32, #tpu.memory_space<hbm>> -> memref<4096x128xf32, #tpu.memory_space<hbm>>
      %dma_wait3A_241 = arith.constant 0 : i32
      %dma_wait3A_242 = arith.constant 0 : i32
      %dma_wait3A_243 = tpu.memref_slice %dma_wait3A_240[%dma_wait3A_241, %dma_wait3A_242] : memref<4096x128xf32, #tpu.memory_space<hbm>> -> memref<4096x128xf32, #tpu.memory_space<hbm>>
      tpu.wait_indirect_dma semaphore(%arg8 : memref<!tpu.dma_semaphore, #tpu.memory_space<semaphore_mem>>) src(%dma_wait3A_243 : memref<4096x128xf32, #tpu.memory_space<hbm>>) dst(%arg7 : memref<128x128xf32, #tpu.memory_space<vmem>>)
      %dma_wait3A_244 = arith.constant 1 : i32
      %dma_wait3A_245 = arith.constant 1 : i32
      %dma_wait3A_246 = arith.constant 0 : i32
      %dma_wait3A_247 = tpu.memref_slice %arg6[%dma_wait3A_245, %dma_wait3A_246] : memref<16x128xi32, #tpu.memory_space<vmem>> -> memref<1x128xi32, #tpu.memory_space<vmem>>
      %dma_wait3A_248 = tpu.memref_squeeze %dma_wait3A_247 : memref<1x128xi32, #tpu.memory_space<vmem>> -> memref<128xi32, #tpu.memory_space<vmem>>
      %dma_wait3A_249 = arith.constant 0 : i32
      %dma_wait3A_250 = arith.constant 0 : i32
      %dma_wait3A_251 = tpu.memref_slice %arg2[%select_n3A, %dma_wait3A_244, %dma_wait3A_249, %dma_wait3A_250] : memref<4x16x4096x128xf32, #tpu.memory_space<hbm>> -> memref<1x1x4096x128xf32, #tpu.memory_space<hbm>>
      %dma_wait3A_252 = tpu.memref_squeeze %dma_wait3A_251 : memref<1x1x4096x128xf32, #tpu.memory_space<hbm>> -> memref<4096x128xf32, #tpu.memory_space<hbm>>
      %dma_wait3A_253 = arith.constant 0 : i32
      %dma_wait3A_254 = arith.constant 0 : i32
      %dma_wait3A_255 = tpu.memref_slice %dma_wait3A_252[%dma_wait3A_253, %dma_wait3A_254] : memref<4096x128xf32, #tpu.memory_space<hbm>> -> memref<4096x128xf32, #tpu.memory_space<hbm>>
      tpu.wait_indirect_dma semaphore(%arg8 : memref<!tpu.dma_semaphore, #tpu.memory_space<semaphore_mem>>) src(%dma_wait3A_255 : memref<4096x128xf32, #tpu.memory_space<hbm>>) dst(%arg7 : memref<128x128xf32, #tpu.memory_space<vmem>>)
      %dma_wait3A_256 = arith.constant 2 : i32
      %dma_wait3A_257 = arith.constant 2 : i32
      %dma_wait3A_258 = arith.constant 0 : i32
      %dma_wait3A_259 = tpu.memref_slice %arg6[%dma_wait3A_257, %dma_wait3A_258] : memref<16x128xi32, #tpu.memory_space<vmem>> -> memref<1x128xi32, #tpu.memory_space<vmem>>
      %dma_wait3A_260 = tpu.memref_squeeze %dma_wait3A_259 : memref<1x128xi32, #tpu.memory_space<vmem>> -> memref<128xi32, #tpu.memory_space<vmem>>
      %dma_wait3A_261 = arith.constant 0 : i32
      %dma_wait3A_262 = arith.constant 0 : i32
      %dma_wait3A_263 = tpu.memref_slice %arg2[%select_n3A, %dma_wait3A_256, %dma_wait3A_261, %dma_wait3A_262] : memref<4x16x4096x128xf32, #tpu.memory_space<hbm>> -> memref<1x1x4096x128xf32, #tpu.memory_space<hbm>>
      %dma_wait3A_264 = tpu.memref_squeeze %dma_wait3A_263 : memref<1x1x4096x128xf32, #tpu.memory_space<hbm>> -> memref<4096x128xf32, #tpu.memory_space<hbm>>
      %dma_wait3A_265 = arith.constant 0 : i32
      %dma_wait3A_266 = arith.constant 0 : i32
      %dma_wait3A_267 = tpu.memref_slice %dma_wait3A_264[%dma_wait3A_265, %dma_wait3A_266] : memref<4096x128xf32, #tpu.memory_space<hbm>> -> memref<4096x128xf32, #tpu.memory_space<hbm>>
      tpu.wait_indirect_dma semaphore(%arg8 : memref<!tpu.dma_semaphore, #tpu.memory_space<semaphore_mem>>) src(%dma_wait3A_267 : memref<4096x128xf32, #tpu.memory_space<hbm>>) dst(%arg7 : memref<128x128xf32, #tpu.memory_space<vmem>>)
      %dma_wait3A_268 = arith.constant 3 : i32
      %dma_wait3A_269 = arith.constant 3 : i32
      %dma_wait3A_270 = arith.constant 0 : i32
      %dma_wait3A_271 = tpu.memref_slice %arg6[%dma_wait3A_269, %dma_wait3A_270] : memref<16x128xi32, #tpu.memory_space<vmem>> -> memref<1x128xi32, #tpu.memory_space<vmem>>
      %dma_wait3A_272 = tpu.memref_squeeze %dma_wait3A_271 : memref<1x128xi32, #tpu.memory_space<vmem>> -> memref<128xi32, #tpu.memory_space<vmem>>
      %dma_wait3A_273 = arith.constant 0 : i32
      %dma_wait3A_274 = arith.constant 0 : i32
      %dma_wait3A_275 = tpu.memref_slice %arg2[%select_n3A, %dma_wait3A_268, %dma_wait3A_273, %dma_wait3A_274] : memref<4x16x4096x128xf32, #tpu.memory_space<hbm>> -> memref<1x1x4096x128xf32, #tpu.memory_space<hbm>>
      %dma_wait3A_276 = tpu.memref_squeeze %dma_wait3A_275 : memref<1x1x4096x128xf32, #tpu.memory_space<hbm>> -> memref<4096x128xf32, #tpu.memory_space<hbm>>
      %dma_wait3A_277 = arith.constant 0 : i32
      %dma_wait3A_278 = arith.constant 0 : i32
      %dma_wait3A_279 = tpu.memref_slice %dma_wait3A_276[%dma_wait3A_277, %dma_wait3A_278] : memref<4096x128xf32, #tpu.memory_space<hbm>> -> memref<4096x128xf32, #tpu.memory_space<hbm>>
      tpu.wait_indirect_dma semaphore(%arg8 : memref<!tpu.dma_semaphore, #tpu.memory_space<semaphore_mem>>) src(%dma_wait3A_279 : memref<4096x128xf32, #tpu.memory_space<hbm>>) dst(%arg7 : memref<128x128xf32, #tpu.memory_space<vmem>>)
      %dma_wait3A_280 = arith.constant 4 : i32
      %dma_wait3A_281 = arith.constant 4 : i32
      %dma_wait3A_282 = arith.constant 0 : i32
      %dma_wait3A_283 = tpu.memref_slice %arg6[%dma_wait3A_281, %dma_wait3A_282] : memref<16x128xi32, #tpu.memory_space<vmem>> -> memref<1x128xi32, #tpu.memory_space<vmem>>
      %dma_wait3A_284 = tpu.memref_squeeze %dma_wait3A_283 : memref<1x128xi32, #tpu.memory_space<vmem>> -> memref<128xi32, #tpu.memory_space<vmem>>
      %dma_wait3A_285 = arith.constant 0 : i32
      %dma_wait3A_286 = arith.constant 0 : i32
      %dma_wait3A_287 = tpu.memref_slice %arg2[%select_n3A, %dma_wait3A_280, %dma_wait3A_285, %dma_wait3A_286] : memref<4x16x4096x128xf32, #tpu.memory_space<hbm>> -> memref<1x1x4096x128xf32, #tpu.memory_space<hbm>>
      %dma_wait3A_288 = tpu.memref_squeeze %dma_wait3A_287 : memref<1x1x4096x128xf32, #tpu.memory_space<hbm>> -> memref<4096x128xf32, #tpu.memory_space<hbm>>
      %dma_wait3A_289 = arith.constant 0 : i32
      %dma_wait3A_290 = arith.constant 0 : i32
      %dma_wait3A_291 = tpu.memref_slice %dma_wait3A_288[%dma_wait3A_289, %dma_wait3A_290] : memref<4096x128xf32, #tpu.memory_space<hbm>> -> memref<4096x128xf32, #tpu.memory_space<hbm>>
      tpu.wait_indirect_dma semaphore(%arg8 : memref<!tpu.dma_semaphore, #tpu.memory_space<semaphore_mem>>) src(%dma_wait3A_291 : memref<4096x128xf32, #tpu.memory_space<hbm>>) dst(%arg7 : memref<128x128xf32, #tpu.memory_space<vmem>>)
      %dma_wait3A_292 = arith.constant 5 : i32
      %dma_wait3A_293 = arith.constant 5 : i32
      %dma_wait3A_294 = arith.constant 0 : i32
      %dma_wait3A_295 = tpu.memref_slice %arg6[%dma_wait3A_293, %dma_wait3A_294] : memref<16x128xi32, #tpu.memory_space<vmem>> -> memref<1x128xi32, #tpu.memory_space<vmem>>
      %dma_wait3A_296 = tpu.memref_squeeze %dma_wait3A_295 : memref<1x128xi32, #tpu.memory_space<vmem>> -> memref<128xi32, #tpu.memory_space<vmem>>
      %dma_wait3A_297 = arith.constant 0 : i32
      %dma_wait3A_298 = arith.constant 0 : i32
      %dma_wait3A_299 = tpu.memref_slice %arg2[%select_n3A, %dma_wait3A_292, %dma_wait3A_297, %dma_wait3A_298] : memref<4x16x4096x128xf32, #tpu.memory_space<hbm>> -> memref<1x1x4096x128xf32, #tpu.memory_space<hbm>>
      %dma_wait3A_300 = tpu.memref_squeeze %dma_wait3A_299 : memref<1x1x4096x128xf32, #tpu.memory_space<hbm>> -> memref<4096x128xf32, #tpu.memory_space<hbm>>
      %dma_wait3A_301 = arith.constant 0 : i32
      %dma_wait3A_302 = arith.constant 0 : i32
      %dma_wait3A_303 = tpu.memref_slice %dma_wait3A_300[%dma_wait3A_301, %dma_wait3A_302] : memref<4096x128xf32, #tpu.memory_space<hbm>> -> memref<4096x128xf32, #tpu.memory_space<hbm>>
      tpu.wait_indirect_dma semaphore(%arg8 : memref<!tpu.dma_semaphore, #tpu.memory_space<semaphore_mem>>) src(%dma_wait3A_303 : memref<4096x128xf32, #tpu.memory_space<hbm>>) dst(%arg7 : memref<128x128xf32, #tpu.memory_space<vmem>>)
      %dma_wait3A_304 = arith.constant 6 : i32
      %dma_wait3A_305 = arith.constant 6 : i32
      %dma_wait3A_306 = arith.constant 0 : i32
      %dma_wait3A_307 = tpu.memref_slice %arg6[%dma_wait3A_305, %dma_wait3A_306] : memref<16x128xi32, #tpu.memory_space<vmem>> -> memref<1x128xi32, #tpu.memory_space<vmem>>
      %dma_wait3A_308 = tpu.memref_squeeze %dma_wait3A_307 : memref<1x128xi32, #tpu.memory_space<vmem>> -> memref<128xi32, #tpu.memory_space<vmem>>
      %dma_wait3A_309 = arith.constant 0 : i32
      %dma_wait3A_310 = arith.constant 0 : i32
      %dma_wait3A_311 = tpu.memref_slice %arg2[%select_n3A, %dma_wait3A_304, %dma_wait3A_309, %dma_wait3A_310] : memref<4x16x4096x128xf32, #tpu.memory_space<hbm>> -> memref<1x1x4096x128xf32, #tpu.memory_space<hbm>>
      %dma_wait3A_312 = tpu.memref_squeeze %dma_wait3A_311 : memref<1x1x4096x128xf32, #tpu.memory_space<hbm>> -> memref<4096x128xf32, #tpu.memory_space<hbm>>
      %dma_wait3A_313 = arith.constant 0 : i32
      %dma_wait3A_314 = arith.constant 0 : i32
      %dma_wait3A_315 = tpu.memref_slice %dma_wait3A_312[%dma_wait3A_313, %dma_wait3A_314] : memref<4096x128xf32, #tpu.memory_space<hbm>> -> memref<4096x128xf32, #tpu.memory_space<hbm>>
      tpu.wait_indirect_dma semaphore(%arg8 : memref<!tpu.dma_semaphore, #tpu.memory_space<semaphore_mem>>) src(%dma_wait3A_315 : memref<4096x128xf32, #tpu.memory_space<hbm>>) dst(%arg7 : memref<128x128xf32, #tpu.memory_space<vmem>>)
      %dma_wait3A_316 = arith.constant 7 : i32
      %dma_wait3A_317 = arith.constant 7 : i32
      %dma_wait3A_318 = arith.constant 0 : i32
      %dma_wait3A_319 = tpu.memref_slice %arg6[%dma_wait3A_317, %dma_wait3A_318] : memref<16x128xi32, #tpu.memory_space<vmem>> -> memref<1x128xi32, #tpu.memory_space<vmem>>
      %dma_wait3A_320 = tpu.memref_squeeze %dma_wait3A_319 : memref<1x128xi32, #tpu.memory_space<vmem>> -> memref<128xi32, #tpu.memory_space<vmem>>
      %dma_wait3A_321 = arith.constant 0 : i32
      %dma_wait3A_322 = arith.constant 0 : i32
      %dma_wait3A_323 = tpu.memref_slice %arg2[%select_n3A, %dma_wait3A_316, %dma_wait3A_321, %dma_wait3A_322] : memref<4x16x4096x128xf32, #tpu.memory_space<hbm>> -> memref<1x1x4096x128xf32, #tpu.memory_space<hbm>>
      %dma_wait3A_324 = tpu.memref_squeeze %dma_wait3A_323 : memref<1x1x4096x128xf32, #tpu.memory_space<hbm>> -> memref<4096x128xf32, #tpu.memory_space<hbm>>
      %dma_wait3A_325 = arith.constant 0 : i32
      %dma_wait3A_326 = arith.constant 0 : i32
      %dma_wait3A_327 = tpu.memref_slice %dma_wait3A_324[%dma_wait3A_325, %dma_wait3A_326] : memref<4096x128xf32, #tpu.memory_space<hbm>> -> memref<4096x128xf32, #tpu.memory_space<hbm>>
      tpu.wait_indirect_dma semaphore(%arg8 : memref<!tpu.dma_semaphore, #tpu.memory_space<semaphore_mem>>) src(%dma_wait3A_327 : memref<4096x128xf32, #tpu.memory_space<hbm>>) dst(%arg7 : memref<128x128xf32, #tpu.memory_space<vmem>>)
      %dma_wait3A_328 = arith.constant 8 : i32
      %dma_wait3A_329 = arith.constant 8 : i32
      %dma_wait3A_330 = arith.constant 0 : i32
      %dma_wait3A_331 = tpu.memref_slice %arg6[%dma_wait3A_329, %dma_wait3A_330] : memref<16x128xi32, #tpu.memory_space<vmem>> -> memref<1x128xi32, #tpu.memory_space<vmem>>
      %dma_wait3A_332 = tpu.memref_squeeze %dma_wait3A_331 : memref<1x128xi32, #tpu.memory_space<vmem>> -> memref<128xi32, #tpu.memory_space<vmem>>
      %dma_wait3A_333 = arith.constant 0 : i32
      %dma_wait3A_334 = arith.constant 0 : i32
      %dma_wait3A_335 = tpu.memref_slice %arg2[%select_n3A, %dma_wait3A_328, %dma_wait3A_333, %dma_wait3A_334] : memref<4x16x4096x128xf32, #tpu.memory_space<hbm>> -> memref<1x1x4096x128xf32, #tpu.memory_space<hbm>>
      %dma_wait3A_336 = tpu.memref_squeeze %dma_wait3A_335 : memref<1x1x4096x128xf32, #tpu.memory_space<hbm>> -> memref<4096x128xf32, #tpu.memory_space<hbm>>
      %dma_wait3A_337 = arith.constant 0 : i32
      %dma_wait3A_338 = arith.constant 0 : i32
      %dma_wait3A_339 = tpu.memref_slice %dma_wait3A_336[%dma_wait3A_337, %dma_wait3A_338] : memref<4096x128xf32, #tpu.memory_space<hbm>> -> memref<4096x128xf32, #tpu.memory_space<hbm>>
      tpu.wait_indirect_dma semaphore(%arg8 : memref<!tpu.dma_semaphore, #tpu.memory_space<semaphore_mem>>) src(%dma_wait3A_339 : memref<4096x128xf32, #tpu.memory_space<hbm>>) dst(%arg7 : memref<128x128xf32, #tpu.memory_space<vmem>>)
      %dma_wait3A_340 = arith.constant 9 : i32
      %dma_wait3A_341 = arith.constant 9 : i32
      %dma_wait3A_342 = arith.constant 0 : i32
      %dma_wait3A_343 = tpu.memref_slice %arg6[%dma_wait3A_341, %dma_wait3A_342] : memref<16x128xi32, #tpu.memory_space<vmem>> -> memref<1x128xi32, #tpu.memory_space<vmem>>
      %dma_wait3A_344 = tpu.memref_squeeze %dma_wait3A_343 : memref<1x128xi32, #tpu.memory_space<vmem>> -> memref<128xi32, #tpu.memory_space<vmem>>
      %dma_wait3A_345 = arith.constant 0 : i32
      %dma_wait3A_346 = arith.constant 0 : i32
      %dma_wait3A_347 = tpu.memref_slice %arg2[%select_n3A, %dma_wait3A_340, %dma_wait3A_345, %dma_wait3A_346] : memref<4x16x4096x128xf32, #tpu.memory_space<hbm>> -> memref<1x1x4096x128xf32, #tpu.memory_space<hbm>>
      %dma_wait3A_348 = tpu.memref_squeeze %dma_wait3A_347 : memref<1x1x4096x128xf32, #tpu.memory_space<hbm>> -> memref<4096x128xf32, #tpu.memory_space<hbm>>
      %dma_wait3A_349 = arith.constant 0 : i32
      %dma_wait3A_350 = arith.constant 0 : i32
      %dma_wait3A_351 = tpu.memref_slice %dma_wait3A_348[%dma_wait3A_349, %dma_wait3A_350] : memref<4096x128xf32, #tpu.memory_space<hbm>> -> memref<4096x128xf32, #tpu.memory_space<hbm>>
      tpu.wait_indirect_dma semaphore(%arg8 : memref<!tpu.dma_semaphore, #tpu.memory_space<semaphore_mem>>) src(%dma_wait3A_351 : memref<4096x128xf32, #tpu.memory_space<hbm>>) dst(%arg7 : memref<128x128xf32, #tpu.memory_space<vmem>>)
      %dma_wait3A_352 = arith.constant 10 : i32
      %dma_wait3A_353 = arith.constant 10 : i32
      %dma_wait3A_354 = arith.constant 0 : i32
      %dma_wait3A_355 = tpu.memref_slice %arg6[%dma_wait3A_353, %dma_wait3A_354] : memref<16x128xi32, #tpu.memory_space<vmem>> -> memref<1x128xi32, #tpu.memory_space<vmem>>
      %dma_wait3A_356 = tpu.memref_squeeze %dma_wait3A_355 : memref<1x128xi32, #tpu.memory_space<vmem>> -> memref<128xi32, #tpu.memory_space<vmem>>
      %dma_wait3A_357 = arith.constant 0 : i32
      %dma_wait3A_358 = arith.constant 0 : i32
      %dma_wait3A_359 = tpu.memref_slice %arg2[%select_n3A, %dma_wait3A_352, %dma_wait3A_357, %dma_wait3A_358] : memref<4x16x4096x128xf32, #tpu.memory_space<hbm>> -> memref<1x1x4096x128xf32, #tpu.memory_space<hbm>>
      %dma_wait3A_360 = tpu.memref_squeeze %dma_wait3A_359 : memref<1x1x4096x128xf32, #tpu.memory_space<hbm>> -> memref<4096x128xf32, #tpu.memory_space<hbm>>
      %dma_wait3A_361 = arith.constant 0 : i32
      %dma_wait3A_362 = arith.constant 0 : i32
      %dma_wait3A_363 = tpu.memref_slice %dma_wait3A_360[%dma_wait3A_361, %dma_wait3A_362] : memref<4096x128xf32, #tpu.memory_space<hbm>> -> memref<4096x128xf32, #tpu.memory_space<hbm>>
      tpu.wait_indirect_dma semaphore(%arg8 : memref<!tpu.dma_semaphore, #tpu.memory_space<semaphore_mem>>) src(%dma_wait3A_363 : memref<4096x128xf32, #tpu.memory_space<hbm>>) dst(%arg7 : memref<128x128xf32, #tpu.memory_space<vmem>>)
      %dma_wait3A_364 = arith.constant 11 : i32
      %dma_wait3A_365 = arith.constant 11 : i32
      %dma_wait3A_366 = arith.constant 0 : i32
      %dma_wait3A_367 = tpu.memref_slice %arg6[%dma_wait3A_365, %dma_wait3A_366] : memref<16x128xi32, #tpu.memory_space<vmem>> -> memref<1x128xi32, #tpu.memory_space<vmem>>
      %dma_wait3A_368 = tpu.memref_squeeze %dma_wait3A_367 : memref<1x128xi32, #tpu.memory_space<vmem>> -> memref<128xi32, #tpu.memory_space<vmem>>
      %dma_wait3A_369 = arith.constant 0 : i32
      %dma_wait3A_370 = arith.constant 0 : i32
      %dma_wait3A_371 = tpu.memref_slice %arg2[%select_n3A, %dma_wait3A_364, %dma_wait3A_369, %dma_wait3A_370] : memref<4x16x4096x128xf32, #tpu.memory_space<hbm>> -> memref<1x1x4096x128xf32, #tpu.memory_space<hbm>>
      %dma_wait3A_372 = tpu.memref_squeeze %dma_wait3A_371 : memref<1x1x4096x128xf32, #tpu.memory_space<hbm>> -> memref<4096x128xf32, #tpu.memory_space<hbm>>
      %dma_wait3A_373 = arith.constant 0 : i32
      %dma_wait3A_374 = arith.constant 0 : i32
      %dma_wait3A_375 = tpu.memref_slice %dma_wait3A_372[%dma_wait3A_373, %dma_wait3A_374] : memref<4096x128xf32, #tpu.memory_space<hbm>> -> memref<4096x128xf32, #tpu.memory_space<hbm>>
      tpu.wait_indirect_dma semaphore(%arg8 : memref<!tpu.dma_semaphore, #tpu.memory_space<semaphore_mem>>) src(%dma_wait3A_375 : memref<4096x128xf32, #tpu.memory_space<hbm>>) dst(%arg7 : memref<128x128xf32, #tpu.memory_space<vmem>>)
      %dma_wait3A_376 = arith.constant 12 : i32
      %dma_wait3A_377 = arith.constant 12 : i32
      %dma_wait3A_378 = arith.constant 0 : i32
      %dma_wait3A_379 = tpu.memref_slice %arg6[%dma_wait3A_377, %dma_wait3A_378] : memref<16x128xi32, #tpu.memory_space<vmem>> -> memref<1x128xi32, #tpu.memory_space<vmem>>
      %dma_wait3A_380 = tpu.memref_squeeze %dma_wait3A_379 : memref<1x128xi32, #tpu.memory_space<vmem>> -> memref<128xi32, #tpu.memory_space<vmem>>
      %dma_wait3A_381 = arith.constant 0 : i32
      %dma_wait3A_382 = arith.constant 0 : i32
      %dma_wait3A_383 = tpu.memref_slice %arg2[%select_n3A, %dma_wait3A_376, %dma_wait3A_381, %dma_wait3A_382] : memref<4x16x4096x128xf32, #tpu.memory_space<hbm>> -> memref<1x1x4096x128xf32, #tpu.memory_space<hbm>>
      %dma_wait3A_384 = tpu.memref_squeeze %dma_wait3A_383 : memref<1x1x4096x128xf32, #tpu.memory_space<hbm>> -> memref<4096x128xf32, #tpu.memory_space<hbm>>
      %dma_wait3A_385 = arith.constant 0 : i32
      %dma_wait3A_386 = arith.constant 0 : i32
      %dma_wait3A_387 = tpu.memref_slice %dma_wait3A_384[%dma_wait3A_385, %dma_wait3A_386] : memref<4096x128xf32, #tpu.memory_space<hbm>> -> memref<4096x128xf32, #tpu.memory_space<hbm>>
      tpu.wait_indirect_dma semaphore(%arg8 : memref<!tpu.dma_semaphore, #tpu.memory_space<semaphore_mem>>) src(%dma_wait3A_387 : memref<4096x128xf32, #tpu.memory_space<hbm>>) dst(%arg7 : memref<128x128xf32, #tpu.memory_space<vmem>>)
      %dma_wait3A_388 = arith.constant 13 : i32
      %dma_wait3A_389 = arith.constant 13 : i32
      %dma_wait3A_390 = arith.constant 0 : i32
      %dma_wait3A_391 = tpu.memref_slice %arg6[%dma_wait3A_389, %dma_wait3A_390] : memref<16x128xi32, #tpu.memory_space<vmem>> -> memref<1x128xi32, #tpu.memory_space<vmem>>
      %dma_wait3A_392 = tpu.memref_squeeze %dma_wait3A_391 : memref<1x128xi32, #tpu.memory_space<vmem>> -> memref<128xi32, #tpu.memory_space<vmem>>
      %dma_wait3A_393 = arith.constant 0 : i32
      %dma_wait3A_394 = arith.constant 0 : i32
      %dma_wait3A_395 = tpu.memref_slice %arg2[%select_n3A, %dma_wait3A_388, %dma_wait3A_393, %dma_wait3A_394] : memref<4x16x4096x128xf32, #tpu.memory_space<hbm>> -> memref<1x1x4096x128xf32, #tpu.memory_space<hbm>>
      %dma_wait3A_396 = tpu.memref_squeeze %dma_wait3A_395 : memref<1x1x4096x128xf32, #tpu.memory_space<hbm>> -> memref<4096x128xf32, #tpu.memory_space<hbm>>
      %dma_wait3A_397 = arith.constant 0 : i32
      %dma_wait3A_398 = arith.constant 0 : i32
      %dma_wait3A_399 = tpu.memref_slice %dma_wait3A_396[%dma_wait3A_397, %dma_wait3A_398] : memref<4096x128xf32, #tpu.memory_space<hbm>> -> memref<4096x128xf32, #tpu.memory_space<hbm>>
      tpu.wait_indirect_dma semaphore(%arg8 : memref<!tpu.dma_semaphore, #tpu.memory_space<semaphore_mem>>) src(%dma_wait3A_399 : memref<4096x128xf32, #tpu.memory_space<hbm>>) dst(%arg7 : memref<128x128xf32, #tpu.memory_space<vmem>>)
      %dma_wait3A_400 = arith.constant 14 : i32
      %dma_wait3A_401 = arith.constant 14 : i32
      %dma_wait3A_402 = arith.constant 0 : i32
      %dma_wait3A_403 = tpu.memref_slice %arg6[%dma_wait3A_401, %dma_wait3A_402] : memref<16x128xi32, #tpu.memory_space<vmem>> -> memref<1x128xi32, #tpu.memory_space<vmem>>
      %dma_wait3A_404 = tpu.memref_squeeze %dma_wait3A_403 : memref<1x128xi32, #tpu.memory_space<vmem>> -> memref<128xi32, #tpu.memory_space<vmem>>
      %dma_wait3A_405 = arith.constant 0 : i32
      %dma_wait3A_406 = arith.constant 0 : i32
      %dma_wait3A_407 = tpu.memref_slice %arg2[%select_n3A, %dma_wait3A_400, %dma_wait3A_405, %dma_wait3A_406] : memref<4x16x4096x128xf32, #tpu.memory_space<hbm>> -> memref<1x1x4096x128xf32, #tpu.memory_space<hbm>>
      %dma_wait3A_408 = tpu.memref_squeeze %dma_wait3A_407 : memref<1x1x4096x128xf32, #tpu.memory_space<hbm>> -> memref<4096x128xf32, #tpu.memory_space<hbm>>
      %dma_wait3A_409 = arith.constant 0 : i32
      %dma_wait3A_410 = arith.constant 0 : i32
      %dma_wait3A_411 = tpu.memref_slice %dma_wait3A_408[%dma_wait3A_409, %dma_wait3A_410] : memref<4096x128xf32, #tpu.memory_space<hbm>> -> memref<4096x128xf32, #tpu.memory_space<hbm>>
      tpu.wait_indirect_dma semaphore(%arg8 : memref<!tpu.dma_semaphore, #tpu.memory_space<semaphore_mem>>) src(%dma_wait3A_411 : memref<4096x128xf32, #tpu.memory_space<hbm>>) dst(%arg7 : memref<128x128xf32, #tpu.memory_space<vmem>>)
      %dma_wait3A_412 = arith.constant 15 : i32
      %dma_wait3A_413 = arith.constant 15 : i32
      %dma_wait3A_414 = arith.constant 0 : i32
      %dma_wait3A_415 = tpu.memref_slice %arg6[%dma_wait3A_413, %dma_wait3A_414] : memref<16x128xi32, #tpu.memory_space<vmem>> -> memref<1x128xi32, #tpu.memory_space<vmem>>
      %dma_wait3A_416 = tpu.memref_squeeze %dma_wait3A_415 : memref<1x128xi32, #tpu.memory_space<vmem>> -> memref<128xi32, #tpu.memory_space<vmem>>
      %dma_wait3A_417 = arith.constant 0 : i32
      %dma_wait3A_418 = arith.constant 0 : i32
      %dma_wait3A_419 = tpu.memref_slice %arg2[%select_n3A, %dma_wait3A_412, %dma_wait3A_417, %dma_wait3A_418] : memref<4x16x4096x128xf32, #tpu.memory_space<hbm>> -> memref<1x1x4096x128xf32, #tpu.memory_space<hbm>>
      %dma_wait3A_420 = tpu.memref_squeeze %dma_wait3A_419 : memref<1x1x4096x128xf32, #tpu.memory_space<hbm>> -> memref<4096x128xf32, #tpu.memory_space<hbm>>
      %dma_wait3A_421 = arith.constant 0 : i32
      %dma_wait3A_422 = arith.constant 0 : i32
      %dma_wait3A_423 = tpu.memref_slice %dma_wait3A_420[%dma_wait3A_421, %dma_wait3A_422] : memref<4096x128xf32, #tpu.memory_space<hbm>> -> memref<4096x128xf32, #tpu.memory_space<hbm>>
      tpu.wait_indirect_dma semaphore(%arg8 : memref<!tpu.dma_semaphore, #tpu.memory_space<semaphore_mem>>) src(%dma_wait3A_423 : memref<4096x128xf32, #tpu.memory_space<hbm>>) dst(%arg7 : memref<128x128xf32, #tpu.memory_space<vmem>>)
      "tpu.region"() ({
        %run_scoped3A = tpu.sem_alloc : memref<!tpu.dma_semaphore, #tpu.memory_space<semaphore_mem>>
        %dma_start3A_424 = arith.constant 0 : i32
        %dma_start3A_425 = tpu.memref_slice %arg5[%select_n3A, %add3A_41, %dma_start3A_424] : memref<4x4096x128xf32, #tpu.memory_space<hbm>> -> memref<1x128x128xf32, #tpu.memory_space<hbm>>
        %dma_start3A_426 = tpu.memref_squeeze %dma_start3A_425 : memref<1x128x128xf32, #tpu.memory_space<hbm>> -> memref<128x128xf32, #tpu.memory_space<hbm>>
        %dma_start3A_427 = arith.constant 0 : i32
        %dma_start3A_428 = tpu.memref_slice %arg5[%select_n3A, %add3A_41, %dma_start3A_427] : memref<4x4096x128xf32, #tpu.memory_space<hbm>> -> memref<1x128x128xf32, #tpu.memory_space<hbm>>
        %dma_start3A_429 = tpu.memref_squeeze %dma_start3A_428 : memref<1x128x128xf32, #tpu.memory_space<hbm>> -> memref<128x128xf32, #tpu.memory_space<hbm>>
        tpu.enqueue_dma source(%arg7 : memref<128x128xf32, #tpu.memory_space<vmem>>) target(%dma_start3A_429 : memref<128x128xf32, #tpu.memory_space<hbm>>) target_semaphore(%run_scoped3A : memref<!tpu.dma_semaphore, #tpu.memory_space<semaphore_mem>>)
        %dma_wait3A_430 = arith.constant 0 : i32
        %dma_wait3A_431 = tpu.memref_slice %arg5[%select_n3A, %add3A_41, %dma_wait3A_430] : memref<4x4096x128xf32, #tpu.memory_space<hbm>> -> memref<1x128x128xf32, #tpu.memory_space<hbm>>
        %dma_wait3A_432 = tpu.memref_squeeze %dma_wait3A_431 : memref<1x128x128xf32, #tpu.memory_space<hbm>> -> memref<128x128xf32, #tpu.memory_space<hbm>>
        %dma_wait3A_433 = arith.constant 0 : i32
        %dma_wait3A_434 = tpu.memref_slice %arg5[%select_n3A, %add3A_41, %dma_wait3A_433] : memref<4x4096x128xf32, #tpu.memory_space<hbm>> -> memref<1x128x128xf32, #tpu.memory_space<hbm>>
        %dma_wait3A_435 = tpu.memref_squeeze %dma_wait3A_434 : memref<1x128x128xf32, #tpu.memory_space<hbm>> -> memref<128x128xf32, #tpu.memory_space<hbm>>
        tpu.wait_dma2 semaphore(%run_scoped3A : memref<!tpu.dma_semaphore, #tpu.memory_space<semaphore_mem>>) src(%arg7 : memref<128x128xf32, #tpu.memory_space<vmem>>) dst(%dma_wait3A_435 : memref<128x128xf32, #tpu.memory_space<hbm>>)
        tpu.yield
      }) : () -> ()
    }
    %scan3A_37 = arith.constant 4 : i32
    return
  }
}

module attributes {stable_mosaic.version = 14 : i64} {
  func.func @_knn_body(%arg0: i32, %arg1: i32, %arg2: memref<1x8x4096xf32, #tpu.memory_space<vmem>>, %arg3: memref<1x8x256xf32, #tpu.memory_space<vmem>>, %arg4: memref<1x256x16xi32, #tpu.memory_space<vmem>>) attributes {dimension_semantics = [#tpu.dimension_semantics<arbitrary>, #tpu.dimension_semantics<arbitrary>], iteration_bounds = array<i64: 4, 16>, scalar_prefetch = 0 : i64, scratch_operands = 0 : i64, tpu.core_type = #tpu.core_type<tc>, window_params = [{transform_indices = @transform_0, window_bounds = array<i64: 1, 8, 4096>}, {transform_indices = @transform_1, window_bounds = array<i64: 1, 8, 256>}, {transform_indices = @transform_2, window_bounds = array<i64: 1, 256, 16>}]} {
    %get3A = arith.constant 0 : index
    %get3A_0 = arith.constant 0 : index
    %get3A_1 = arith.constant 0 : index
    %get3A_2 = vector.load %arg2[%get3A, %get3A_0, %get3A_1] : memref<1x8x4096xf32, #tpu.memory_space<vmem>>, vector<1x8x4096xf32>
    %get3A_3 = vector.shape_cast %get3A_2 : vector<1x8x4096xf32> to vector<8x4096xf32>
    %get3A_4 = arith.constant 0 : index
    %get3A_5 = arith.constant 0 : index
    %get3A_6 = arith.constant 0 : index
    %get3A_7 = vector.load %arg3[%get3A_4, %get3A_5, %get3A_6] : memref<1x8x256xf32, #tpu.memory_space<vmem>>, vector<1x8x256xf32>
    %get3A_8 = vector.shape_cast %get3A_7 : vector<1x8x256xf32> to vector<8x256xf32>
    %dot_general3A = arith.constant dense<0.000000e+00> : vector<256x4096xf32>
    %dot_general3A_9 = tpu.matmul %get3A_8, %get3A_3, %dot_general3A {dimension_numbers = #tpu.dot_dimension_numbers<[0], [0], [1], [1], [0, 1, 1, 1], [], []>, transpose_lhs_hint = false} : vector<8x256xf32>, vector<8x4096xf32>, vector<256x4096xf32> -> vector<256x4096xf32>
    %mul3A = arith.mulf %get3A_3, %get3A_3 : vector<8x4096xf32>
    %reduce_sum3A = arith.constant dense<0.000000e+00> : vector<4096xf32>
    %reduce_sum3A_10 = vector.multi_reduction <add>, %mul3A, %reduce_sum3A [0] : vector<8x4096xf32> to vector<4096xf32>
    %broadcast_in_dim3A = vector.shape_cast %reduce_sum3A_10 : vector<4096xf32> to vector<1x4096xf32>
    %mul3A_11 = arith.mulf %get3A_8, %get3A_8 : vector<8x256xf32>
    %reduce_sum3A_12 = arith.constant dense<0.000000e+00> : vector<256xf32>
    %reduce_sum3A_13 = vector.multi_reduction <add>, %mul3A_11, %reduce_sum3A_12 [0] : vector<8x256xf32> to vector<256xf32>
    %broadcast_in_dim3A_14 = vector.shape_cast %reduce_sum3A_13 : vector<256xf32> to vector<256x1xf32>
    %mul3A_15 = arith.constant 2.000000e+00 : f32
    %mul3A_16 = vector.broadcast %mul3A_15 : f32 to vector<256x4096xf32>
    %mul3A_17 = arith.mulf %mul3A_16, %dot_general3A_9 : vector<256x4096xf32>
    %sub3A = vector.broadcast %broadcast_in_dim3A_14 : vector<256x1xf32> to vector<256x4096xf32>
    %sub3A_18 = arith.subf %mul3A_17, %sub3A : vector<256x4096xf32>
    %sub3A_19 = vector.broadcast %broadcast_in_dim3A : vector<1x4096xf32> to vector<256x4096xf32>
    %sub3A_20 = arith.subf %sub3A_18, %sub3A_19 : vector<256x4096xf32>
    %iota3A = tpu.iota {dimensions = array<i32: 1>} : vector<64x4096xi32>
    %convert_element_type3A = arith.sitofp %iota3A : vector<64x4096xi32> to vector<64x4096xf32>
    %slice3A = vector.extract_strided_slice %sub3A_20 {offsets = [0, 0], sizes = [64, 4096], strides = [1, 1]} : vector<256x4096xf32> to vector<64x4096xf32>
    %slice3A_21 = vector.extract_strided_slice %sub3A_20 {offsets = [64, 0], sizes = [64, 4096], strides = [1, 1]} : vector<256x4096xf32> to vector<64x4096xf32>
    %slice3A_22 = vector.extract_strided_slice %sub3A_20 {offsets = [128, 0], sizes = [64, 4096], strides = [1, 1]} : vector<256x4096xf32> to vector<64x4096xf32>
    %slice3A_23 = vector.extract_strided_slice %sub3A_20 {offsets = [192, 0], sizes = [64, 4096], strides = [1, 1]} : vector<256x4096xf32> to vector<64x4096xf32>
    %reduce_max3A = arith.constant dense<0xFF800000> : vector<64xf32>
    %reduce_max3A_24 = vector.multi_reduction <maximumf>, %slice3A, %reduce_max3A [1] : vector<64x4096xf32> to vector<64xf32>
    %broadcast_in_dim3A_25 = vector.shape_cast %reduce_max3A_24 : vector<64xf32> to vector<64x1xf32>
    %eq3A = vector.broadcast %broadcast_in_dim3A_25 : vector<64x1xf32> to vector<64x4096xf32>
    %eq3A_26 = arith.cmpf oeq, %slice3A, %eq3A : vector<64x4096xf32>
    %jit3A = arith.constant 4.096000e+03 : f32
    %broadcast_in_dim3A_27 = vector.broadcast %jit3A : f32 to vector<64x4096xf32>
    %select_n3A = arith.select %eq3A_26, %convert_element_type3A, %broadcast_in_dim3A_27 : vector<64x4096xi1>, vector<64x4096xf32>
    %reduce_min3A = arith.constant dense<0x7F800000> : vector<64xf32>
    %reduce_min3A_28 = vector.multi_reduction <minimumf>, %select_n3A, %reduce_min3A [1] : vector<64x4096xf32> to vector<64xf32>
    %broadcast_in_dim3A_29 = vector.shape_cast %reduce_min3A_28 : vector<64xf32> to vector<64x1xf32>
    %convert_element_type3A_30 = arith.fptosi %broadcast_in_dim3A_29 : vector<64x1xf32> to vector<64x1xi32>
    %swap3A = arith.constant 0 : index
    %swap3A_31 = arith.constant 0 : index
    %swap3A_32 = arith.constant 0 : index
    %swap3A_33 = vector.load %arg4[%swap3A, %swap3A_31, %swap3A_32] : memref<1x256x16xi32, #tpu.memory_space<vmem>>, vector<1x64x1xi32>
    %swap3A_34 = vector.shape_cast %swap3A_33 : vector<1x64x1xi32> to vector<64x1xi32>
    %swap3A_35 = vector.shape_cast %convert_element_type3A_30 : vector<64x1xi32> to vector<1x64x1xi32>
    tpu.vector_store %arg4[%swap3A, %swap3A_31, %swap3A_32], %swap3A_35 {strides = array<i32>} : memref<1x256x16xi32, #tpu.memory_space<vmem>>, vector<1x64x1xi32>,
    %eq3A_36 = vector.broadcast %broadcast_in_dim3A_29 : vector<64x1xf32> to vector<64x4096xf32>
    %eq3A_37 = arith.cmpf oeq, %select_n3A, %eq3A_36 : vector<64x4096xf32>
    %jit3A_38 = arith.constant 0xFF800000 : f32
    %broadcast_in_dim3A_39 = vector.broadcast %jit3A_38 : f32 to vector<64x4096xf32>
    %select_n3A_40 = arith.select %eq3A_37, %broadcast_in_dim3A_39, %slice3A : vector<64x4096xi1>, vector<64x4096xf32>
    %reduce_max3A_41 = arith.constant dense<0xFF800000> : vector<64xf32>
    %reduce_max3A_42 = vector.multi_reduction <maximumf>, %slice3A_21, %reduce_max3A_41 [1] : vector<64x4096xf32> to vector<64xf32>
    %broadcast_in_dim3A_43 = vector.shape_cast %reduce_max3A_42 : vector<64xf32> to vector<64x1xf32>
    %eq3A_44 = vector.broadcast %broadcast_in_dim3A_43 : vector<64x1xf32> to vector<64x4096xf32>
    %eq3A_45 = arith.cmpf oeq, %slice3A_21, %eq3A_44 : vector<64x4096xf32>
    %jit3A_46 = arith.constant 4.096000e+03 : f32
    %broadcast_in_dim3A_47 = vector.broadcast %jit3A_46 : f32 to vector<64x4096xf32>
    %select_n3A_48 = arith.select %eq3A_45, %convert_element_type3A, %broadcast_in_dim3A_47 : vector<64x4096xi1>, vector<64x4096xf32>
    %reduce_min3A_49 = arith.constant dense<0x7F800000> : vector<64xf32>
    %reduce_min3A_50 = vector.multi_reduction <minimumf>, %select_n3A_48, %reduce_min3A_49 [1] : vector<64x4096xf32> to vector<64xf32>
    %broadcast_in_dim3A_51 = vector.shape_cast %reduce_min3A_50 : vector<64xf32> to vector<64x1xf32>
    %convert_element_type3A_52 = arith.fptosi %broadcast_in_dim3A_51 : vector<64x1xf32> to vector<64x1xi32>
    %swap3A_53 = arith.constant 0 : index
    %swap3A_54 = arith.constant 64 : index
    %swap3A_55 = arith.constant 0 : index
    %swap3A_56 = vector.load %arg4[%swap3A_53, %swap3A_54, %swap3A_55] : memref<1x256x16xi32, #tpu.memory_space<vmem>>, vector<1x64x1xi32>
    %swap3A_57 = vector.shape_cast %swap3A_56 : vector<1x64x1xi32> to vector<64x1xi32>
    %swap3A_58 = vector.shape_cast %convert_element_type3A_52 : vector<64x1xi32> to vector<1x64x1xi32>
    tpu.vector_store %arg4[%swap3A_53, %swap3A_54, %swap3A_55], %swap3A_58 {strides = array<i32>} : memref<1x256x16xi32, #tpu.memory_space<vmem>>, vector<1x64x1xi32>,
    %eq3A_59 = vector.broadcast %broadcast_in_dim3A_51 : vector<64x1xf32> to vector<64x4096xf32>
    %eq3A_60 = arith.cmpf oeq, %select_n3A_48, %eq3A_59 : vector<64x4096xf32>
    %jit3A_61 = arith.constant 0xFF800000 : f32
    %broadcast_in_dim3A_62 = vector.broadcast %jit3A_61 : f32 to vector<64x4096xf32>
    %select_n3A_63 = arith.select %eq3A_60, %broadcast_in_dim3A_62, %slice3A_21 : vector<64x4096xi1>, vector<64x4096xf32>
    %reduce_max3A_64 = arith.constant dense<0xFF800000> : vector<64xf32>
    %reduce_max3A_65 = vector.multi_reduction <maximumf>, %slice3A_22, %reduce_max3A_64 [1] : vector<64x4096xf32> to vector<64xf32>
    %broadcast_in_dim3A_66 = vector.shape_cast %reduce_max3A_65 : vector<64xf32> to vector<64x1xf32>
    %eq3A_67 = vector.broadcast %broadcast_in_dim3A_66 : vector<64x1xf32> to vector<64x4096xf32>
    %eq3A_68 = arith.cmpf oeq, %slice3A_22, %eq3A_67 : vector<64x4096xf32>
    %jit3A_69 = arith.constant 4.096000e+03 : f32
    %broadcast_in_dim3A_70 = vector.broadcast %jit3A_69 : f32 to vector<64x4096xf32>
    %select_n3A_71 = arith.select %eq3A_68, %convert_element_type3A, %broadcast_in_dim3A_70 : vector<64x4096xi1>, vector<64x4096xf32>
    %reduce_min3A_72 = arith.constant dense<0x7F800000> : vector<64xf32>
    %reduce_min3A_73 = vector.multi_reduction <minimumf>, %select_n3A_71, %reduce_min3A_72 [1] : vector<64x4096xf32> to vector<64xf32>
    %broadcast_in_dim3A_74 = vector.shape_cast %reduce_min3A_73 : vector<64xf32> to vector<64x1xf32>
    %convert_element_type3A_75 = arith.fptosi %broadcast_in_dim3A_74 : vector<64x1xf32> to vector<64x1xi32>
    %swap3A_76 = arith.constant 0 : index
    %swap3A_77 = arith.constant 128 : index
    %swap3A_78 = arith.constant 0 : index
    %swap3A_79 = vector.load %arg4[%swap3A_76, %swap3A_77, %swap3A_78] : memref<1x256x16xi32, #tpu.memory_space<vmem>>, vector<1x64x1xi32>
    %swap3A_80 = vector.shape_cast %swap3A_79 : vector<1x64x1xi32> to vector<64x1xi32>
    %swap3A_81 = vector.shape_cast %convert_element_type3A_75 : vector<64x1xi32> to vector<1x64x1xi32>
    tpu.vector_store %arg4[%swap3A_76, %swap3A_77, %swap3A_78], %swap3A_81 {strides = array<i32>} : memref<1x256x16xi32, #tpu.memory_space<vmem>>, vector<1x64x1xi32>,
    %eq3A_82 = vector.broadcast %broadcast_in_dim3A_74 : vector<64x1xf32> to vector<64x4096xf32>
    %eq3A_83 = arith.cmpf oeq, %select_n3A_71, %eq3A_82 : vector<64x4096xf32>
    %jit3A_84 = arith.constant 0xFF800000 : f32
    %broadcast_in_dim3A_85 = vector.broadcast %jit3A_84 : f32 to vector<64x4096xf32>
    %select_n3A_86 = arith.select %eq3A_83, %broadcast_in_dim3A_85, %slice3A_22 : vector<64x4096xi1>, vector<64x4096xf32>
    %reduce_max3A_87 = arith.constant dense<0xFF800000> : vector<64xf32>
    %reduce_max3A_88 = vector.multi_reduction <maximumf>, %slice3A_23, %reduce_max3A_87 [1] : vector<64x4096xf32> to vector<64xf32>
    %broadcast_in_dim3A_89 = vector.shape_cast %reduce_max3A_88 : vector<64xf32> to vector<64x1xf32>
    %eq3A_90 = vector.broadcast %broadcast_in_dim3A_89 : vector<64x1xf32> to vector<64x4096xf32>
    %eq3A_91 = arith.cmpf oeq, %slice3A_23, %eq3A_90 : vector<64x4096xf32>
    %jit3A_92 = arith.constant 4.096000e+03 : f32
    %broadcast_in_dim3A_93 = vector.broadcast %jit3A_92 : f32 to vector<64x4096xf32>
    %select_n3A_94 = arith.select %eq3A_91, %convert_element_type3A, %broadcast_in_dim3A_93 : vector<64x4096xi1>, vector<64x4096xf32>
    %reduce_min3A_95 = arith.constant dense<0x7F800000> : vector<64xf32>
    %reduce_min3A_96 = vector.multi_reduction <minimumf>, %select_n3A_94, %reduce_min3A_95 [1] : vector<64x4096xf32> to vector<64xf32>
    %broadcast_in_dim3A_97 = vector.shape_cast %reduce_min3A_96 : vector<64xf32> to vector<64x1xf32>
    %convert_element_type3A_98 = arith.fptosi %broadcast_in_dim3A_97 : vector<64x1xf32> to vector<64x1xi32>
    %swap3A_99 = arith.constant 0 : index
    %swap3A_100 = arith.constant 192 : index
    %swap3A_101 = arith.constant 0 : index
    %swap3A_102 = vector.load %arg4[%swap3A_99, %swap3A_100, %swap3A_101] : memref<1x256x16xi32, #tpu.memory_space<vmem>>, vector<1x64x1xi32>
    %swap3A_103 = vector.shape_cast %swap3A_102 : vector<1x64x1xi32> to vector<64x1xi32>
    %swap3A_104 = vector.shape_cast %convert_element_type3A_98 : vector<64x1xi32> to vector<1x64x1xi32>
    tpu.vector_store %arg4[%swap3A_99, %swap3A_100, %swap3A_101], %swap3A_104 {strides = array<i32>} : memref<1x256x16xi32, #tpu.memory_space<vmem>>, vector<1x64x1xi32>,
    %eq3A_105 = vector.broadcast %broadcast_in_dim3A_97 : vector<64x1xf32> to vector<64x4096xf32>
    %eq3A_106 = arith.cmpf oeq, %select_n3A_94, %eq3A_105 : vector<64x4096xf32>
    %jit3A_107 = arith.constant 0xFF800000 : f32
    %broadcast_in_dim3A_108 = vector.broadcast %jit3A_107 : f32 to vector<64x4096xf32>
    %select_n3A_109 = arith.select %eq3A_106, %broadcast_in_dim3A_108, %slice3A_23 : vector<64x4096xi1>, vector<64x4096xf32>
    %reduce_max3A_110 = arith.constant dense<0xFF800000> : vector<64xf32>
    %reduce_max3A_111 = vector.multi_reduction <maximumf>, %select_n3A_40, %reduce_max3A_110 [1] : vector<64x4096xf32> to vector<64xf32>
    %broadcast_in_dim3A_112 = vector.shape_cast %reduce_max3A_111 : vector<64xf32> to vector<64x1xf32>
    %eq3A_113 = vector.broadcast %broadcast_in_dim3A_112 : vector<64x1xf32> to vector<64x4096xf32>
    %eq3A_114 = arith.cmpf oeq, %select_n3A_40, %eq3A_113 : vector<64x4096xf32>
    %jit3A_115 = arith.constant 4.096000e+03 : f32
    %broadcast_in_dim3A_116 = vector.broadcast %jit3A_115 : f32 to vector<64x4096xf32>
    %select_n3A_117 = arith.select %eq3A_114, %convert_element_type3A, %broadcast_in_dim3A_116 : vector<64x4096xi1>, vector<64x4096xf32>
    %reduce_min3A_118 = arith.constant dense<0x7F800000> : vector<64xf32>
    %reduce_min3A_119 = vector.multi_reduction <minimumf>, %select_n3A_117, %reduce_min3A_118 [1] : vector<64x4096xf32> to vector<64xf32>
    %broadcast_in_dim3A_120 = vector.shape_cast %reduce_min3A_119 : vector<64xf32> to vector<64x1xf32>
    %convert_element_type3A_121 = arith.fptosi %broadcast_in_dim3A_120 : vector<64x1xf32> to vector<64x1xi32>
    %swap3A_122 = arith.constant 0 : index
    %swap3A_123 = arith.constant 0 : index
    %swap3A_124 = arith.constant 1 : index
    %swap3A_125 = vector.load %arg4[%swap3A_122, %swap3A_123, %swap3A_124] : memref<1x256x16xi32, #tpu.memory_space<vmem>>, vector<1x64x1xi32>
    %swap3A_126 = vector.shape_cast %swap3A_125 : vector<1x64x1xi32> to vector<64x1xi32>
    %swap3A_127 = vector.shape_cast %convert_element_type3A_121 : vector<64x1xi32> to vector<1x64x1xi32>
    tpu.vector_store %arg4[%swap3A_122, %swap3A_123, %swap3A_124], %swap3A_127 {strides = array<i32>} : memref<1x256x16xi32, #tpu.memory_space<vmem>>, vector<1x64x1xi32>,
    %eq3A_128 = vector.broadcast %broadcast_in_dim3A_120 : vector<64x1xf32> to vector<64x4096xf32>
    %eq3A_129 = arith.cmpf oeq, %select_n3A_117, %eq3A_128 : vector<64x4096xf32>
    %jit3A_130 = arith.constant 0xFF800000 : f32
    %broadcast_in_dim3A_131 = vector.broadcast %jit3A_130 : f32 to vector<64x4096xf32>
    %select_n3A_132 = arith.select %eq3A_129, %broadcast_in_dim3A_131, %select_n3A_40 : vector<64x4096xi1>, vector<64x4096xf32>
    %reduce_max3A_133 = arith.constant dense<0xFF800000> : vector<64xf32>
    %reduce_max3A_134 = vector.multi_reduction <maximumf>, %select_n3A_63, %reduce_max3A_133 [1] : vector<64x4096xf32> to vector<64xf32>
    %broadcast_in_dim3A_135 = vector.shape_cast %reduce_max3A_134 : vector<64xf32> to vector<64x1xf32>
    %eq3A_136 = vector.broadcast %broadcast_in_dim3A_135 : vector<64x1xf32> to vector<64x4096xf32>
    %eq3A_137 = arith.cmpf oeq, %select_n3A_63, %eq3A_136 : vector<64x4096xf32>
    %jit3A_138 = arith.constant 4.096000e+03 : f32
    %broadcast_in_dim3A_139 = vector.broadcast %jit3A_138 : f32 to vector<64x4096xf32>
    %select_n3A_140 = arith.select %eq3A_137, %convert_element_type3A, %broadcast_in_dim3A_139 : vector<64x4096xi1>, vector<64x4096xf32>
    %reduce_min3A_141 = arith.constant dense<0x7F800000> : vector<64xf32>
    %reduce_min3A_142 = vector.multi_reduction <minimumf>, %select_n3A_140, %reduce_min3A_141 [1] : vector<64x4096xf32> to vector<64xf32>
    %broadcast_in_dim3A_143 = vector.shape_cast %reduce_min3A_142 : vector<64xf32> to vector<64x1xf32>
    %convert_element_type3A_144 = arith.fptosi %broadcast_in_dim3A_143 : vector<64x1xf32> to vector<64x1xi32>
    %swap3A_145 = arith.constant 0 : index
    %swap3A_146 = arith.constant 64 : index
    %swap3A_147 = arith.constant 1 : index
    %swap3A_148 = vector.load %arg4[%swap3A_145, %swap3A_146, %swap3A_147] : memref<1x256x16xi32, #tpu.memory_space<vmem>>, vector<1x64x1xi32>
    %swap3A_149 = vector.shape_cast %swap3A_148 : vector<1x64x1xi32> to vector<64x1xi32>
    %swap3A_150 = vector.shape_cast %convert_element_type3A_144 : vector<64x1xi32> to vector<1x64x1xi32>
    tpu.vector_store %arg4[%swap3A_145, %swap3A_146, %swap3A_147], %swap3A_150 {strides = array<i32>} : memref<1x256x16xi32, #tpu.memory_space<vmem>>, vector<1x64x1xi32>,
    %eq3A_151 = vector.broadcast %broadcast_in_dim3A_143 : vector<64x1xf32> to vector<64x4096xf32>
    %eq3A_152 = arith.cmpf oeq, %select_n3A_140, %eq3A_151 : vector<64x4096xf32>
    %jit3A_153 = arith.constant 0xFF800000 : f32
    %broadcast_in_dim3A_154 = vector.broadcast %jit3A_153 : f32 to vector<64x4096xf32>
    %select_n3A_155 = arith.select %eq3A_152, %broadcast_in_dim3A_154, %select_n3A_63 : vector<64x4096xi1>, vector<64x4096xf32>
    %reduce_max3A_156 = arith.constant dense<0xFF800000> : vector<64xf32>
    %reduce_max3A_157 = vector.multi_reduction <maximumf>, %select_n3A_86, %reduce_max3A_156 [1] : vector<64x4096xf32> to vector<64xf32>
    %broadcast_in_dim3A_158 = vector.shape_cast %reduce_max3A_157 : vector<64xf32> to vector<64x1xf32>
    %eq3A_159 = vector.broadcast %broadcast_in_dim3A_158 : vector<64x1xf32> to vector<64x4096xf32>
    %eq3A_160 = arith.cmpf oeq, %select_n3A_86, %eq3A_159 : vector<64x4096xf32>
    %jit3A_161 = arith.constant 4.096000e+03 : f32
    %broadcast_in_dim3A_162 = vector.broadcast %jit3A_161 : f32 to vector<64x4096xf32>
    %select_n3A_163 = arith.select %eq3A_160, %convert_element_type3A, %broadcast_in_dim3A_162 : vector<64x4096xi1>, vector<64x4096xf32>
    %reduce_min3A_164 = arith.constant dense<0x7F800000> : vector<64xf32>
    %reduce_min3A_165 = vector.multi_reduction <minimumf>, %select_n3A_163, %reduce_min3A_164 [1] : vector<64x4096xf32> to vector<64xf32>
    %broadcast_in_dim3A_166 = vector.shape_cast %reduce_min3A_165 : vector<64xf32> to vector<64x1xf32>
    %convert_element_type3A_167 = arith.fptosi %broadcast_in_dim3A_166 : vector<64x1xf32> to vector<64x1xi32>
    %swap3A_168 = arith.constant 0 : index
    %swap3A_169 = arith.constant 128 : index
    %swap3A_170 = arith.constant 1 : index
    %swap3A_171 = vector.load %arg4[%swap3A_168, %swap3A_169, %swap3A_170] : memref<1x256x16xi32, #tpu.memory_space<vmem>>, vector<1x64x1xi32>
    %swap3A_172 = vector.shape_cast %swap3A_171 : vector<1x64x1xi32> to vector<64x1xi32>
    %swap3A_173 = vector.shape_cast %convert_element_type3A_167 : vector<64x1xi32> to vector<1x64x1xi32>
    tpu.vector_store %arg4[%swap3A_168, %swap3A_169, %swap3A_170], %swap3A_173 {strides = array<i32>} : memref<1x256x16xi32, #tpu.memory_space<vmem>>, vector<1x64x1xi32>,
    %eq3A_174 = vector.broadcast %broadcast_in_dim3A_166 : vector<64x1xf32> to vector<64x4096xf32>
    %eq3A_175 = arith.cmpf oeq, %select_n3A_163, %eq3A_174 : vector<64x4096xf32>
    %jit3A_176 = arith.constant 0xFF800000 : f32
    %broadcast_in_dim3A_177 = vector.broadcast %jit3A_176 : f32 to vector<64x4096xf32>
    %select_n3A_178 = arith.select %eq3A_175, %broadcast_in_dim3A_177, %select_n3A_86 : vector<64x4096xi1>, vector<64x4096xf32>
    %reduce_max3A_179 = arith.constant dense<0xFF800000> : vector<64xf32>
    %reduce_max3A_180 = vector.multi_reduction <maximumf>, %select_n3A_109, %reduce_max3A_179 [1] : vector<64x4096xf32> to vector<64xf32>
    %broadcast_in_dim3A_181 = vector.shape_cast %reduce_max3A_180 : vector<64xf32> to vector<64x1xf32>
    %eq3A_182 = vector.broadcast %broadcast_in_dim3A_181 : vector<64x1xf32> to vector<64x4096xf32>
    %eq3A_183 = arith.cmpf oeq, %select_n3A_109, %eq3A_182 : vector<64x4096xf32>
    %jit3A_184 = arith.constant 4.096000e+03 : f32
    %broadcast_in_dim3A_185 = vector.broadcast %jit3A_184 : f32 to vector<64x4096xf32>
    %select_n3A_186 = arith.select %eq3A_183, %convert_element_type3A, %broadcast_in_dim3A_185 : vector<64x4096xi1>, vector<64x4096xf32>
    %reduce_min3A_187 = arith.constant dense<0x7F800000> : vector<64xf32>
    %reduce_min3A_188 = vector.multi_reduction <minimumf>, %select_n3A_186, %reduce_min3A_187 [1] : vector<64x4096xf32> to vector<64xf32>
    %broadcast_in_dim3A_189 = vector.shape_cast %reduce_min3A_188 : vector<64xf32> to vector<64x1xf32>
    %convert_element_type3A_190 = arith.fptosi %broadcast_in_dim3A_189 : vector<64x1xf32> to vector<64x1xi32>
    %swap3A_191 = arith.constant 0 : index
    %swap3A_192 = arith.constant 192 : index
    %swap3A_193 = arith.constant 1 : index
    %swap3A_194 = vector.load %arg4[%swap3A_191, %swap3A_192, %swap3A_193] : memref<1x256x16xi32, #tpu.memory_space<vmem>>, vector<1x64x1xi32>
    %swap3A_195 = vector.shape_cast %swap3A_194 : vector<1x64x1xi32> to vector<64x1xi32>
    %swap3A_196 = vector.shape_cast %convert_element_type3A_190 : vector<64x1xi32> to vector<1x64x1xi32>
    tpu.vector_store %arg4[%swap3A_191, %swap3A_192, %swap3A_193], %swap3A_196 {strides = array<i32>} : memref<1x256x16xi32, #tpu.memory_space<vmem>>, vector<1x64x1xi32>,
    %eq3A_197 = vector.broadcast %broadcast_in_dim3A_189 : vector<64x1xf32> to vector<64x4096xf32>
    %eq3A_198 = arith.cmpf oeq, %select_n3A_186, %eq3A_197 : vector<64x4096xf32>
    %jit3A_199 = arith.constant 0xFF800000 : f32
    %broadcast_in_dim3A_200 = vector.broadcast %jit3A_199 : f32 to vector<64x4096xf32>
    %select_n3A_201 = arith.select %eq3A_198, %broadcast_in_dim3A_200, %select_n3A_109 : vector<64x4096xi1>, vector<64x4096xf32>
    %reduce_max3A_202 = arith.constant dense<0xFF800000> : vector<64xf32>
    %reduce_max3A_203 = vector.multi_reduction <maximumf>, %select_n3A_132, %reduce_max3A_202 [1] : vector<64x4096xf32> to vector<64xf32>
    %broadcast_in_dim3A_204 = vector.shape_cast %reduce_max3A_203 : vector<64xf32> to vector<64x1xf32>
    %eq3A_205 = vector.broadcast %broadcast_in_dim3A_204 : vector<64x1xf32> to vector<64x4096xf32>
    %eq3A_206 = arith.cmpf oeq, %select_n3A_132, %eq3A_205 : vector<64x4096xf32>
    %jit3A_207 = arith.constant 4.096000e+03 : f32
    %broadcast_in_dim3A_208 = vector.broadcast %jit3A_207 : f32 to vector<64x4096xf32>
    %select_n3A_209 = arith.select %eq3A_206, %convert_element_type3A, %broadcast_in_dim3A_208 : vector<64x4096xi1>, vector<64x4096xf32>
    %reduce_min3A_210 = arith.constant dense<0x7F800000> : vector<64xf32>
    %reduce_min3A_211 = vector.multi_reduction <minimumf>, %select_n3A_209, %reduce_min3A_210 [1] : vector<64x4096xf32> to vector<64xf32>
    %broadcast_in_dim3A_212 = vector.shape_cast %reduce_min3A_211 : vector<64xf32> to vector<64x1xf32>
    %convert_element_type3A_213 = arith.fptosi %broadcast_in_dim3A_212 : vector<64x1xf32> to vector<64x1xi32>
    %swap3A_214 = arith.constant 0 : index
    %swap3A_215 = arith.constant 0 : index
    %swap3A_216 = arith.constant 2 : index
    %swap3A_217 = vector.load %arg4[%swap3A_214, %swap3A_215, %swap3A_216] : memref<1x256x16xi32, #tpu.memory_space<vmem>>, vector<1x64x1xi32>
    %swap3A_218 = vector.shape_cast %swap3A_217 : vector<1x64x1xi32> to vector<64x1xi32>
    %swap3A_219 = vector.shape_cast %convert_element_type3A_213 : vector<64x1xi32> to vector<1x64x1xi32>
    tpu.vector_store %arg4[%swap3A_214, %swap3A_215, %swap3A_216], %swap3A_219 {strides = array<i32>} : memref<1x256x16xi32, #tpu.memory_space<vmem>>, vector<1x64x1xi32>,
    %eq3A_220 = vector.broadcast %broadcast_in_dim3A_212 : vector<64x1xf32> to vector<64x4096xf32>
    %eq3A_221 = arith.cmpf oeq, %select_n3A_209, %eq3A_220 : vector<64x4096xf32>
    %jit3A_222 = arith.constant 0xFF800000 : f32
    %broadcast_in_dim3A_223 = vector.broadcast %jit3A_222 : f32 to vector<64x4096xf32>
    %select_n3A_224 = arith.select %eq3A_221, %broadcast_in_dim3A_223, %select_n3A_132 : vector<64x4096xi1>, vector<64x4096xf32>
    %reduce_max3A_225 = arith.constant dense<0xFF800000> : vector<64xf32>
    %reduce_max3A_226 = vector.multi_reduction <maximumf>, %select_n3A_155, %reduce_max3A_225 [1] : vector<64x4096xf32> to vector<64xf32>
    %broadcast_in_dim3A_227 = vector.shape_cast %reduce_max3A_226 : vector<64xf32> to vector<64x1xf32>
    %eq3A_228 = vector.broadcast %broadcast_in_dim3A_227 : vector<64x1xf32> to vector<64x4096xf32>
    %eq3A_229 = arith.cmpf oeq, %select_n3A_155, %eq3A_228 : vector<64x4096xf32>
    %jit3A_230 = arith.constant 4.096000e+03 : f32
    %broadcast_in_dim3A_231 = vector.broadcast %jit3A_230 : f32 to vector<64x4096xf32>
    %select_n3A_232 = arith.select %eq3A_229, %convert_element_type3A, %broadcast_in_dim3A_231 : vector<64x4096xi1>, vector<64x4096xf32>
    %reduce_min3A_233 = arith.constant dense<0x7F800000> : vector<64xf32>
    %reduce_min3A_234 = vector.multi_reduction <minimumf>, %select_n3A_232, %reduce_min3A_233 [1] : vector<64x4096xf32> to vector<64xf32>
    %broadcast_in_dim3A_235 = vector.shape_cast %reduce_min3A_234 : vector<64xf32> to vector<64x1xf32>
    %convert_element_type3A_236 = arith.fptosi %broadcast_in_dim3A_235 : vector<64x1xf32> to vector<64x1xi32>
    %swap3A_237 = arith.constant 0 : index
    %swap3A_238 = arith.constant 64 : index
    %swap3A_239 = arith.constant 2 : index
    %swap3A_240 = vector.load %arg4[%swap3A_237, %swap3A_238, %swap3A_239] : memref<1x256x16xi32, #tpu.memory_space<vmem>>, vector<1x64x1xi32>
    %swap3A_241 = vector.shape_cast %swap3A_240 : vector<1x64x1xi32> to vector<64x1xi32>
    %swap3A_242 = vector.shape_cast %convert_element_type3A_236 : vector<64x1xi32> to vector<1x64x1xi32>
    tpu.vector_store %arg4[%swap3A_237, %swap3A_238, %swap3A_239], %swap3A_242 {strides = array<i32>} : memref<1x256x16xi32, #tpu.memory_space<vmem>>, vector<1x64x1xi32>,
    %eq3A_243 = vector.broadcast %broadcast_in_dim3A_235 : vector<64x1xf32> to vector<64x4096xf32>
    %eq3A_244 = arith.cmpf oeq, %select_n3A_232, %eq3A_243 : vector<64x4096xf32>
    %jit3A_245 = arith.constant 0xFF800000 : f32
    %broadcast_in_dim3A_246 = vector.broadcast %jit3A_245 : f32 to vector<64x4096xf32>
    %select_n3A_247 = arith.select %eq3A_244, %broadcast_in_dim3A_246, %select_n3A_155 : vector<64x4096xi1>, vector<64x4096xf32>
    %reduce_max3A_248 = arith.constant dense<0xFF800000> : vector<64xf32>
    %reduce_max3A_249 = vector.multi_reduction <maximumf>, %select_n3A_178, %reduce_max3A_248 [1] : vector<64x4096xf32> to vector<64xf32>
    %broadcast_in_dim3A_250 = vector.shape_cast %reduce_max3A_249 : vector<64xf32> to vector<64x1xf32>
    %eq3A_251 = vector.broadcast %broadcast_in_dim3A_250 : vector<64x1xf32> to vector<64x4096xf32>
    %eq3A_252 = arith.cmpf oeq, %select_n3A_178, %eq3A_251 : vector<64x4096xf32>
    %jit3A_253 = arith.constant 4.096000e+03 : f32
    %broadcast_in_dim3A_254 = vector.broadcast %jit3A_253 : f32 to vector<64x4096xf32>
    %select_n3A_255 = arith.select %eq3A_252, %convert_element_type3A, %broadcast_in_dim3A_254 : vector<64x4096xi1>, vector<64x4096xf32>
    %reduce_min3A_256 = arith.constant dense<0x7F800000> : vector<64xf32>
    %reduce_min3A_257 = vector.multi_reduction <minimumf>, %select_n3A_255, %reduce_min3A_256 [1] : vector<64x4096xf32> to vector<64xf32>
    %broadcast_in_dim3A_258 = vector.shape_cast %reduce_min3A_257 : vector<64xf32> to vector<64x1xf32>
    %convert_element_type3A_259 = arith.fptosi %broadcast_in_dim3A_258 : vector<64x1xf32> to vector<64x1xi32>
    %swap3A_260 = arith.constant 0 : index
    %swap3A_261 = arith.constant 128 : index
    %swap3A_262 = arith.constant 2 : index
    %swap3A_263 = vector.load %arg4[%swap3A_260, %swap3A_261, %swap3A_262] : memref<1x256x16xi32, #tpu.memory_space<vmem>>, vector<1x64x1xi32>
    %swap3A_264 = vector.shape_cast %swap3A_263 : vector<1x64x1xi32> to vector<64x1xi32>
    %swap3A_265 = vector.shape_cast %convert_element_type3A_259 : vector<64x1xi32> to vector<1x64x1xi32>
    tpu.vector_store %arg4[%swap3A_260, %swap3A_261, %swap3A_262], %swap3A_265 {strides = array<i32>} : memref<1x256x16xi32, #tpu.memory_space<vmem>>, vector<1x64x1xi32>,
    %eq3A_266 = vector.broadcast %broadcast_in_dim3A_258 : vector<64x1xf32> to vector<64x4096xf32>
    %eq3A_267 = arith.cmpf oeq, %select_n3A_255, %eq3A_266 : vector<64x4096xf32>
    %jit3A_268 = arith.constant 0xFF800000 : f32
    %broadcast_in_dim3A_269 = vector.broadcast %jit3A_268 : f32 to vector<64x4096xf32>
    %select_n3A_270 = arith.select %eq3A_267, %broadcast_in_dim3A_269, %select_n3A_178 : vector<64x4096xi1>, vector<64x4096xf32>
    %reduce_max3A_271 = arith.constant dense<0xFF800000> : vector<64xf32>
    %reduce_max3A_272 = vector.multi_reduction <maximumf>, %select_n3A_201, %reduce_max3A_271 [1] : vector<64x4096xf32> to vector<64xf32>
    %broadcast_in_dim3A_273 = vector.shape_cast %reduce_max3A_272 : vector<64xf32> to vector<64x1xf32>
    %eq3A_274 = vector.broadcast %broadcast_in_dim3A_273 : vector<64x1xf32> to vector<64x4096xf32>
    %eq3A_275 = arith.cmpf oeq, %select_n3A_201, %eq3A_274 : vector<64x4096xf32>
    %jit3A_276 = arith.constant 4.096000e+03 : f32
    %broadcast_in_dim3A_277 = vector.broadcast %jit3A_276 : f32 to vector<64x4096xf32>
    %select_n3A_278 = arith.select %eq3A_275, %convert_element_type3A, %broadcast_in_dim3A_277 : vector<64x4096xi1>, vector<64x4096xf32>
    %reduce_min3A_279 = arith.constant dense<0x7F800000> : vector<64xf32>
    %reduce_min3A_280 = vector.multi_reduction <minimumf>, %select_n3A_278, %reduce_min3A_279 [1] : vector<64x4096xf32> to vector<64xf32>
    %broadcast_in_dim3A_281 = vector.shape_cast %reduce_min3A_280 : vector<64xf32> to vector<64x1xf32>
    %convert_element_type3A_282 = arith.fptosi %broadcast_in_dim3A_281 : vector<64x1xf32> to vector<64x1xi32>
    %swap3A_283 = arith.constant 0 : index
    %swap3A_284 = arith.constant 192 : index
    %swap3A_285 = arith.constant 2 : index
    %swap3A_286 = vector.load %arg4[%swap3A_283, %swap3A_284, %swap3A_285] : memref<1x256x16xi32, #tpu.memory_space<vmem>>, vector<1x64x1xi32>
    %swap3A_287 = vector.shape_cast %swap3A_286 : vector<1x64x1xi32> to vector<64x1xi32>
    %swap3A_288 = vector.shape_cast %convert_element_type3A_282 : vector<64x1xi32> to vector<1x64x1xi32>
    tpu.vector_store %arg4[%swap3A_283, %swap3A_284, %swap3A_285], %swap3A_288 {strides = array<i32>} : memref<1x256x16xi32, #tpu.memory_space<vmem>>, vector<1x64x1xi32>,
    %eq3A_289 = vector.broadcast %broadcast_in_dim3A_281 : vector<64x1xf32> to vector<64x4096xf32>
    %eq3A_290 = arith.cmpf oeq, %select_n3A_278, %eq3A_289 : vector<64x4096xf32>
    %jit3A_291 = arith.constant 0xFF800000 : f32
    %broadcast_in_dim3A_292 = vector.broadcast %jit3A_291 : f32 to vector<64x4096xf32>
    %select_n3A_293 = arith.select %eq3A_290, %broadcast_in_dim3A_292, %select_n3A_201 : vector<64x4096xi1>, vector<64x4096xf32>
    %reduce_max3A_294 = arith.constant dense<0xFF800000> : vector<64xf32>
    %reduce_max3A_295 = vector.multi_reduction <maximumf>, %select_n3A_224, %reduce_max3A_294 [1] : vector<64x4096xf32> to vector<64xf32>
    %broadcast_in_dim3A_296 = vector.shape_cast %reduce_max3A_295 : vector<64xf32> to vector<64x1xf32>
    %eq3A_297 = vector.broadcast %broadcast_in_dim3A_296 : vector<64x1xf32> to vector<64x4096xf32>
    %eq3A_298 = arith.cmpf oeq, %select_n3A_224, %eq3A_297 : vector<64x4096xf32>
    %jit3A_299 = arith.constant 4.096000e+03 : f32
    %broadcast_in_dim3A_300 = vector.broadcast %jit3A_299 : f32 to vector<64x4096xf32>
    %select_n3A_301 = arith.select %eq3A_298, %convert_element_type3A, %broadcast_in_dim3A_300 : vector<64x4096xi1>, vector<64x4096xf32>
    %reduce_min3A_302 = arith.constant dense<0x7F800000> : vector<64xf32>
    %reduce_min3A_303 = vector.multi_reduction <minimumf>, %select_n3A_301, %reduce_min3A_302 [1] : vector<64x4096xf32> to vector<64xf32>
    %broadcast_in_dim3A_304 = vector.shape_cast %reduce_min3A_303 : vector<64xf32> to vector<64x1xf32>
    %convert_element_type3A_305 = arith.fptosi %broadcast_in_dim3A_304 : vector<64x1xf32> to vector<64x1xi32>
    %swap3A_306 = arith.constant 0 : index
    %swap3A_307 = arith.constant 0 : index
    %swap3A_308 = arith.constant 3 : index
    %swap3A_309 = vector.load %arg4[%swap3A_306, %swap3A_307, %swap3A_308] : memref<1x256x16xi32, #tpu.memory_space<vmem>>, vector<1x64x1xi32>
    %swap3A_310 = vector.shape_cast %swap3A_309 : vector<1x64x1xi32> to vector<64x1xi32>
    %swap3A_311 = vector.shape_cast %convert_element_type3A_305 : vector<64x1xi32> to vector<1x64x1xi32>
    tpu.vector_store %arg4[%swap3A_306, %swap3A_307, %swap3A_308], %swap3A_311 {strides = array<i32>} : memref<1x256x16xi32, #tpu.memory_space<vmem>>, vector<1x64x1xi32>,
    %eq3A_312 = vector.broadcast %broadcast_in_dim3A_304 : vector<64x1xf32> to vector<64x4096xf32>
    %eq3A_313 = arith.cmpf oeq, %select_n3A_301, %eq3A_312 : vector<64x4096xf32>
    %jit3A_314 = arith.constant 0xFF800000 : f32
    %broadcast_in_dim3A_315 = vector.broadcast %jit3A_314 : f32 to vector<64x4096xf32>
    %select_n3A_316 = arith.select %eq3A_313, %broadcast_in_dim3A_315, %select_n3A_224 : vector<64x4096xi1>, vector<64x4096xf32>
    %reduce_max3A_317 = arith.constant dense<0xFF800000> : vector<64xf32>
    %reduce_max3A_318 = vector.multi_reduction <maximumf>, %select_n3A_247, %reduce_max3A_317 [1] : vector<64x4096xf32> to vector<64xf32>
    %broadcast_in_dim3A_319 = vector.shape_cast %reduce_max3A_318 : vector<64xf32> to vector<64x1xf32>
    %eq3A_320 = vector.broadcast %broadcast_in_dim3A_319 : vector<64x1xf32> to vector<64x4096xf32>
    %eq3A_321 = arith.cmpf oeq, %select_n3A_247, %eq3A_320 : vector<64x4096xf32>
    %jit3A_322 = arith.constant 4.096000e+03 : f32
    %broadcast_in_dim3A_323 = vector.broadcast %jit3A_322 : f32 to vector<64x4096xf32>
    %select_n3A_324 = arith.select %eq3A_321, %convert_element_type3A, %broadcast_in_dim3A_323 : vector<64x4096xi1>, vector<64x4096xf32>
    %reduce_min3A_325 = arith.constant dense<0x7F800000> : vector<64xf32>
    %reduce_min3A_326 = vector.multi_reduction <minimumf>, %select_n3A_324, %reduce_min3A_325 [1] : vector<64x4096xf32> to vector<64xf32>
    %broadcast_in_dim3A_327 = vector.shape_cast %reduce_min3A_326 : vector<64xf32> to vector<64x1xf32>
    %convert_element_type3A_328 = arith.fptosi %broadcast_in_dim3A_327 : vector<64x1xf32> to vector<64x1xi32>
    %swap3A_329 = arith.constant 0 : index
    %swap3A_330 = arith.constant 64 : index
    %swap3A_331 = arith.constant 3 : index
    %swap3A_332 = vector.load %arg4[%swap3A_329, %swap3A_330, %swap3A_331] : memref<1x256x16xi32, #tpu.memory_space<vmem>>, vector<1x64x1xi32>
    %swap3A_333 = vector.shape_cast %swap3A_332 : vector<1x64x1xi32> to vector<64x1xi32>
    %swap3A_334 = vector.shape_cast %convert_element_type3A_328 : vector<64x1xi32> to vector<1x64x1xi32>
    tpu.vector_store %arg4[%swap3A_329, %swap3A_330, %swap3A_331], %swap3A_334 {strides = array<i32>} : memref<1x256x16xi32, #tpu.memory_space<vmem>>, vector<1x64x1xi32>,
    %eq3A_335 = vector.broadcast %broadcast_in_dim3A_327 : vector<64x1xf32> to vector<64x4096xf32>
    %eq3A_336 = arith.cmpf oeq, %select_n3A_324, %eq3A_335 : vector<64x4096xf32>
    %jit3A_337 = arith.constant 0xFF800000 : f32
    %broadcast_in_dim3A_338 = vector.broadcast %jit3A_337 : f32 to vector<64x4096xf32>
    %select_n3A_339 = arith.select %eq3A_336, %broadcast_in_dim3A_338, %select_n3A_247 : vector<64x4096xi1>, vector<64x4096xf32>
    %reduce_max3A_340 = arith.constant dense<0xFF800000> : vector<64xf32>
    %reduce_max3A_341 = vector.multi_reduction <maximumf>, %select_n3A_270, %reduce_max3A_340 [1] : vector<64x4096xf32> to vector<64xf32>
    %broadcast_in_dim3A_342 = vector.shape_cast %reduce_max3A_341 : vector<64xf32> to vector<64x1xf32>
    %eq3A_343 = vector.broadcast %broadcast_in_dim3A_342 : vector<64x1xf32> to vector<64x4096xf32>
    %eq3A_344 = arith.cmpf oeq, %select_n3A_270, %eq3A_343 : vector<64x4096xf32>
    %jit3A_345 = arith.constant 4.096000e+03 : f32
    %broadcast_in_dim3A_346 = vector.broadcast %jit3A_345 : f32 to vector<64x4096xf32>
    %select_n3A_347 = arith.select %eq3A_344, %convert_element_type3A, %broadcast_in_dim3A_346 : vector<64x4096xi1>, vector<64x4096xf32>
    %reduce_min3A_348 = arith.constant dense<0x7F800000> : vector<64xf32>
    %reduce_min3A_349 = vector.multi_reduction <minimumf>, %select_n3A_347, %reduce_min3A_348 [1] : vector<64x4096xf32> to vector<64xf32>
    %broadcast_in_dim3A_350 = vector.shape_cast %reduce_min3A_349 : vector<64xf32> to vector<64x1xf32>
    %convert_element_type3A_351 = arith.fptosi %broadcast_in_dim3A_350 : vector<64x1xf32> to vector<64x1xi32>
    %swap3A_352 = arith.constant 0 : index
    %swap3A_353 = arith.constant 128 : index
    %swap3A_354 = arith.constant 3 : index
    %swap3A_355 = vector.load %arg4[%swap3A_352, %swap3A_353, %swap3A_354] : memref<1x256x16xi32, #tpu.memory_space<vmem>>, vector<1x64x1xi32>
    %swap3A_356 = vector.shape_cast %swap3A_355 : vector<1x64x1xi32> to vector<64x1xi32>
    %swap3A_357 = vector.shape_cast %convert_element_type3A_351 : vector<64x1xi32> to vector<1x64x1xi32>
    tpu.vector_store %arg4[%swap3A_352, %swap3A_353, %swap3A_354], %swap3A_357 {strides = array<i32>} : memref<1x256x16xi32, #tpu.memory_space<vmem>>, vector<1x64x1xi32>,
    %eq3A_358 = vector.broadcast %broadcast_in_dim3A_350 : vector<64x1xf32> to vector<64x4096xf32>
    %eq3A_359 = arith.cmpf oeq, %select_n3A_347, %eq3A_358 : vector<64x4096xf32>
    %jit3A_360 = arith.constant 0xFF800000 : f32
    %broadcast_in_dim3A_361 = vector.broadcast %jit3A_360 : f32 to vector<64x4096xf32>
    %select_n3A_362 = arith.select %eq3A_359, %broadcast_in_dim3A_361, %select_n3A_270 : vector<64x4096xi1>, vector<64x4096xf32>
    %reduce_max3A_363 = arith.constant dense<0xFF800000> : vector<64xf32>
    %reduce_max3A_364 = vector.multi_reduction <maximumf>, %select_n3A_293, %reduce_max3A_363 [1] : vector<64x4096xf32> to vector<64xf32>
    %broadcast_in_dim3A_365 = vector.shape_cast %reduce_max3A_364 : vector<64xf32> to vector<64x1xf32>
    %eq3A_366 = vector.broadcast %broadcast_in_dim3A_365 : vector<64x1xf32> to vector<64x4096xf32>
    %eq3A_367 = arith.cmpf oeq, %select_n3A_293, %eq3A_366 : vector<64x4096xf32>
    %jit3A_368 = arith.constant 4.096000e+03 : f32
    %broadcast_in_dim3A_369 = vector.broadcast %jit3A_368 : f32 to vector<64x4096xf32>
    %select_n3A_370 = arith.select %eq3A_367, %convert_element_type3A, %broadcast_in_dim3A_369 : vector<64x4096xi1>, vector<64x4096xf32>
    %reduce_min3A_371 = arith.constant dense<0x7F800000> : vector<64xf32>
    %reduce_min3A_372 = vector.multi_reduction <minimumf>, %select_n3A_370, %reduce_min3A_371 [1] : vector<64x4096xf32> to vector<64xf32>
    %broadcast_in_dim3A_373 = vector.shape_cast %reduce_min3A_372 : vector<64xf32> to vector<64x1xf32>
    %convert_element_type3A_374 = arith.fptosi %broadcast_in_dim3A_373 : vector<64x1xf32> to vector<64x1xi32>
    %swap3A_375 = arith.constant 0 : index
    %swap3A_376 = arith.constant 192 : index
    %swap3A_377 = arith.constant 3 : index
    %swap3A_378 = vector.load %arg4[%swap3A_375, %swap3A_376, %swap3A_377] : memref<1x256x16xi32, #tpu.memory_space<vmem>>, vector<1x64x1xi32>
    %swap3A_379 = vector.shape_cast %swap3A_378 : vector<1x64x1xi32> to vector<64x1xi32>
    %swap3A_380 = vector.shape_cast %convert_element_type3A_374 : vector<64x1xi32> to vector<1x64x1xi32>
    tpu.vector_store %arg4[%swap3A_375, %swap3A_376, %swap3A_377], %swap3A_380 {strides = array<i32>} : memref<1x256x16xi32, #tpu.memory_space<vmem>>, vector<1x64x1xi32>,
    %eq3A_381 = vector.broadcast %broadcast_in_dim3A_373 : vector<64x1xf32> to vector<64x4096xf32>
    %eq3A_382 = arith.cmpf oeq, %select_n3A_370, %eq3A_381 : vector<64x4096xf32>
    %jit3A_383 = arith.constant 0xFF800000 : f32
    %broadcast_in_dim3A_384 = vector.broadcast %jit3A_383 : f32 to vector<64x4096xf32>
    %select_n3A_385 = arith.select %eq3A_382, %broadcast_in_dim3A_384, %select_n3A_293 : vector<64x4096xi1>, vector<64x4096xf32>
    %reduce_max3A_386 = arith.constant dense<0xFF800000> : vector<64xf32>
    %reduce_max3A_387 = vector.multi_reduction <maximumf>, %select_n3A_316, %reduce_max3A_386 [1] : vector<64x4096xf32> to vector<64xf32>
    %broadcast_in_dim3A_388 = vector.shape_cast %reduce_max3A_387 : vector<64xf32> to vector<64x1xf32>
    %eq3A_389 = vector.broadcast %broadcast_in_dim3A_388 : vector<64x1xf32> to vector<64x4096xf32>
    %eq3A_390 = arith.cmpf oeq, %select_n3A_316, %eq3A_389 : vector<64x4096xf32>
    %jit3A_391 = arith.constant 4.096000e+03 : f32
    %broadcast_in_dim3A_392 = vector.broadcast %jit3A_391 : f32 to vector<64x4096xf32>
    %select_n3A_393 = arith.select %eq3A_390, %convert_element_type3A, %broadcast_in_dim3A_392 : vector<64x4096xi1>, vector<64x4096xf32>
    %reduce_min3A_394 = arith.constant dense<0x7F800000> : vector<64xf32>
    %reduce_min3A_395 = vector.multi_reduction <minimumf>, %select_n3A_393, %reduce_min3A_394 [1] : vector<64x4096xf32> to vector<64xf32>
    %broadcast_in_dim3A_396 = vector.shape_cast %reduce_min3A_395 : vector<64xf32> to vector<64x1xf32>
    %convert_element_type3A_397 = arith.fptosi %broadcast_in_dim3A_396 : vector<64x1xf32> to vector<64x1xi32>
    %swap3A_398 = arith.constant 0 : index
    %swap3A_399 = arith.constant 0 : index
    %swap3A_400 = arith.constant 4 : index
    %swap3A_401 = vector.load %arg4[%swap3A_398, %swap3A_399, %swap3A_400] : memref<1x256x16xi32, #tpu.memory_space<vmem>>, vector<1x64x1xi32>
    %swap3A_402 = vector.shape_cast %swap3A_401 : vector<1x64x1xi32> to vector<64x1xi32>
    %swap3A_403 = vector.shape_cast %convert_element_type3A_397 : vector<64x1xi32> to vector<1x64x1xi32>
    tpu.vector_store %arg4[%swap3A_398, %swap3A_399, %swap3A_400], %swap3A_403 {strides = array<i32>} : memref<1x256x16xi32, #tpu.memory_space<vmem>>, vector<1x64x1xi32>,
    %eq3A_404 = vector.broadcast %broadcast_in_dim3A_396 : vector<64x1xf32> to vector<64x4096xf32>
    %eq3A_405 = arith.cmpf oeq, %select_n3A_393, %eq3A_404 : vector<64x4096xf32>
    %jit3A_406 = arith.constant 0xFF800000 : f32
    %broadcast_in_dim3A_407 = vector.broadcast %jit3A_406 : f32 to vector<64x4096xf32>
    %select_n3A_408 = arith.select %eq3A_405, %broadcast_in_dim3A_407, %select_n3A_316 : vector<64x4096xi1>, vector<64x4096xf32>
    %reduce_max3A_409 = arith.constant dense<0xFF800000> : vector<64xf32>
    %reduce_max3A_410 = vector.multi_reduction <maximumf>, %select_n3A_339, %reduce_max3A_409 [1] : vector<64x4096xf32> to vector<64xf32>
    %broadcast_in_dim3A_411 = vector.shape_cast %reduce_max3A_410 : vector<64xf32> to vector<64x1xf32>
    %eq3A_412 = vector.broadcast %broadcast_in_dim3A_411 : vector<64x1xf32> to vector<64x4096xf32>
    %eq3A_413 = arith.cmpf oeq, %select_n3A_339, %eq3A_412 : vector<64x4096xf32>
    %jit3A_414 = arith.constant 4.096000e+03 : f32
    %broadcast_in_dim3A_415 = vector.broadcast %jit3A_414 : f32 to vector<64x4096xf32>
    %select_n3A_416 = arith.select %eq3A_413, %convert_element_type3A, %broadcast_in_dim3A_415 : vector<64x4096xi1>, vector<64x4096xf32>
    %reduce_min3A_417 = arith.constant dense<0x7F800000> : vector<64xf32>
    %reduce_min3A_418 = vector.multi_reduction <minimumf>, %select_n3A_416, %reduce_min3A_417 [1] : vector<64x4096xf32> to vector<64xf32>
    %broadcast_in_dim3A_419 = vector.shape_cast %reduce_min3A_418 : vector<64xf32> to vector<64x1xf32>
    %convert_element_type3A_420 = arith.fptosi %broadcast_in_dim3A_419 : vector<64x1xf32> to vector<64x1xi32>
    %swap3A_421 = arith.constant 0 : index
    %swap3A_422 = arith.constant 64 : index
    %swap3A_423 = arith.constant 4 : index
    %swap3A_424 = vector.load %arg4[%swap3A_421, %swap3A_422, %swap3A_423] : memref<1x256x16xi32, #tpu.memory_space<vmem>>, vector<1x64x1xi32>
    %swap3A_425 = vector.shape_cast %swap3A_424 : vector<1x64x1xi32> to vector<64x1xi32>
    %swap3A_426 = vector.shape_cast %convert_element_type3A_420 : vector<64x1xi32> to vector<1x64x1xi32>
    tpu.vector_store %arg4[%swap3A_421, %swap3A_422, %swap3A_423], %swap3A_426 {strides = array<i32>} : memref<1x256x16xi32, #tpu.memory_space<vmem>>, vector<1x64x1xi32>,
    %eq3A_427 = vector.broadcast %broadcast_in_dim3A_419 : vector<64x1xf32> to vector<64x4096xf32>
    %eq3A_428 = arith.cmpf oeq, %select_n3A_416, %eq3A_427 : vector<64x4096xf32>
    %jit3A_429 = arith.constant 0xFF800000 : f32
    %broadcast_in_dim3A_430 = vector.broadcast %jit3A_429 : f32 to vector<64x4096xf32>
    %select_n3A_431 = arith.select %eq3A_428, %broadcast_in_dim3A_430, %select_n3A_339 : vector<64x4096xi1>, vector<64x4096xf32>
    %reduce_max3A_432 = arith.constant dense<0xFF800000> : vector<64xf32>
    %reduce_max3A_433 = vector.multi_reduction <maximumf>, %select_n3A_362, %reduce_max3A_432 [1] : vector<64x4096xf32> to vector<64xf32>
    %broadcast_in_dim3A_434 = vector.shape_cast %reduce_max3A_433 : vector<64xf32> to vector<64x1xf32>
    %eq3A_435 = vector.broadcast %broadcast_in_dim3A_434 : vector<64x1xf32> to vector<64x4096xf32>
    %eq3A_436 = arith.cmpf oeq, %select_n3A_362, %eq3A_435 : vector<64x4096xf32>
    %jit3A_437 = arith.constant 4.096000e+03 : f32
    %broadcast_in_dim3A_438 = vector.broadcast %jit3A_437 : f32 to vector<64x4096xf32>
    %select_n3A_439 = arith.select %eq3A_436, %convert_element_type3A, %broadcast_in_dim3A_438 : vector<64x4096xi1>, vector<64x4096xf32>
    %reduce_min3A_440 = arith.constant dense<0x7F800000> : vector<64xf32>
    %reduce_min3A_441 = vector.multi_reduction <minimumf>, %select_n3A_439, %reduce_min3A_440 [1] : vector<64x4096xf32> to vector<64xf32>
    %broadcast_in_dim3A_442 = vector.shape_cast %reduce_min3A_441 : vector<64xf32> to vector<64x1xf32>
    %convert_element_type3A_443 = arith.fptosi %broadcast_in_dim3A_442 : vector<64x1xf32> to vector<64x1xi32>
    %swap3A_444 = arith.constant 0 : index
    %swap3A_445 = arith.constant 128 : index
    %swap3A_446 = arith.constant 4 : index
    %swap3A_447 = vector.load %arg4[%swap3A_444, %swap3A_445, %swap3A_446] : memref<1x256x16xi32, #tpu.memory_space<vmem>>, vector<1x64x1xi32>
    %swap3A_448 = vector.shape_cast %swap3A_447 : vector<1x64x1xi32> to vector<64x1xi32>
    %swap3A_449 = vector.shape_cast %convert_element_type3A_443 : vector<64x1xi32> to vector<1x64x1xi32>
    tpu.vector_store %arg4[%swap3A_444, %swap3A_445, %swap3A_446], %swap3A_449 {strides = array<i32>} : memref<1x256x16xi32, #tpu.memory_space<vmem>>, vector<1x64x1xi32>,
    %eq3A_450 = vector.broadcast %broadcast_in_dim3A_442 : vector<64x1xf32> to vector<64x4096xf32>
    %eq3A_451 = arith.cmpf oeq, %select_n3A_439, %eq3A_450 : vector<64x4096xf32>
    %jit3A_452 = arith.constant 0xFF800000 : f32
    %broadcast_in_dim3A_453 = vector.broadcast %jit3A_452 : f32 to vector<64x4096xf32>
    %select_n3A_454 = arith.select %eq3A_451, %broadcast_in_dim3A_453, %select_n3A_362 : vector<64x4096xi1>, vector<64x4096xf32>
    %reduce_max3A_455 = arith.constant dense<0xFF800000> : vector<64xf32>
    %reduce_max3A_456 = vector.multi_reduction <maximumf>, %select_n3A_385, %reduce_max3A_455 [1] : vector<64x4096xf32> to vector<64xf32>
    %broadcast_in_dim3A_457 = vector.shape_cast %reduce_max3A_456 : vector<64xf32> to vector<64x1xf32>
    %eq3A_458 = vector.broadcast %broadcast_in_dim3A_457 : vector<64x1xf32> to vector<64x4096xf32>
    %eq3A_459 = arith.cmpf oeq, %select_n3A_385, %eq3A_458 : vector<64x4096xf32>
    %jit3A_460 = arith.constant 4.096000e+03 : f32
    %broadcast_in_dim3A_461 = vector.broadcast %jit3A_460 : f32 to vector<64x4096xf32>
    %select_n3A_462 = arith.select %eq3A_459, %convert_element_type3A, %broadcast_in_dim3A_461 : vector<64x4096xi1>, vector<64x4096xf32>
    %reduce_min3A_463 = arith.constant dense<0x7F800000> : vector<64xf32>
    %reduce_min3A_464 = vector.multi_reduction <minimumf>, %select_n3A_462, %reduce_min3A_463 [1] : vector<64x4096xf32> to vector<64xf32>
    %broadcast_in_dim3A_465 = vector.shape_cast %reduce_min3A_464 : vector<64xf32> to vector<64x1xf32>
    %convert_element_type3A_466 = arith.fptosi %broadcast_in_dim3A_465 : vector<64x1xf32> to vector<64x1xi32>
    %swap3A_467 = arith.constant 0 : index
    %swap3A_468 = arith.constant 192 : index
    %swap3A_469 = arith.constant 4 : index
    %swap3A_470 = vector.load %arg4[%swap3A_467, %swap3A_468, %swap3A_469] : memref<1x256x16xi32, #tpu.memory_space<vmem>>, vector<1x64x1xi32>
    %swap3A_471 = vector.shape_cast %swap3A_470 : vector<1x64x1xi32> to vector<64x1xi32>
    %swap3A_472 = vector.shape_cast %convert_element_type3A_466 : vector<64x1xi32> to vector<1x64x1xi32>
    tpu.vector_store %arg4[%swap3A_467, %swap3A_468, %swap3A_469], %swap3A_472 {strides = array<i32>} : memref<1x256x16xi32, #tpu.memory_space<vmem>>, vector<1x64x1xi32>,
    %eq3A_473 = vector.broadcast %broadcast_in_dim3A_465 : vector<64x1xf32> to vector<64x4096xf32>
    %eq3A_474 = arith.cmpf oeq, %select_n3A_462, %eq3A_473 : vector<64x4096xf32>
    %jit3A_475 = arith.constant 0xFF800000 : f32
    %broadcast_in_dim3A_476 = vector.broadcast %jit3A_475 : f32 to vector<64x4096xf32>
    %select_n3A_477 = arith.select %eq3A_474, %broadcast_in_dim3A_476, %select_n3A_385 : vector<64x4096xi1>, vector<64x4096xf32>
    %reduce_max3A_478 = arith.constant dense<0xFF800000> : vector<64xf32>
    %reduce_max3A_479 = vector.multi_reduction <maximumf>, %select_n3A_408, %reduce_max3A_478 [1] : vector<64x4096xf32> to vector<64xf32>
    %broadcast_in_dim3A_480 = vector.shape_cast %reduce_max3A_479 : vector<64xf32> to vector<64x1xf32>
    %eq3A_481 = vector.broadcast %broadcast_in_dim3A_480 : vector<64x1xf32> to vector<64x4096xf32>
    %eq3A_482 = arith.cmpf oeq, %select_n3A_408, %eq3A_481 : vector<64x4096xf32>
    %jit3A_483 = arith.constant 4.096000e+03 : f32
    %broadcast_in_dim3A_484 = vector.broadcast %jit3A_483 : f32 to vector<64x4096xf32>
    %select_n3A_485 = arith.select %eq3A_482, %convert_element_type3A, %broadcast_in_dim3A_484 : vector<64x4096xi1>, vector<64x4096xf32>
    %reduce_min3A_486 = arith.constant dense<0x7F800000> : vector<64xf32>
    %reduce_min3A_487 = vector.multi_reduction <minimumf>, %select_n3A_485, %reduce_min3A_486 [1] : vector<64x4096xf32> to vector<64xf32>
    %broadcast_in_dim3A_488 = vector.shape_cast %reduce_min3A_487 : vector<64xf32> to vector<64x1xf32>
    %convert_element_type3A_489 = arith.fptosi %broadcast_in_dim3A_488 : vector<64x1xf32> to vector<64x1xi32>
    %swap3A_490 = arith.constant 0 : index
    %swap3A_491 = arith.constant 0 : index
    %swap3A_492 = arith.constant 5 : index
    %swap3A_493 = vector.load %arg4[%swap3A_490, %swap3A_491, %swap3A_492] : memref<1x256x16xi32, #tpu.memory_space<vmem>>, vector<1x64x1xi32>
    %swap3A_494 = vector.shape_cast %swap3A_493 : vector<1x64x1xi32> to vector<64x1xi32>
    %swap3A_495 = vector.shape_cast %convert_element_type3A_489 : vector<64x1xi32> to vector<1x64x1xi32>
    tpu.vector_store %arg4[%swap3A_490, %swap3A_491, %swap3A_492], %swap3A_495 {strides = array<i32>} : memref<1x256x16xi32, #tpu.memory_space<vmem>>, vector<1x64x1xi32>,
    %eq3A_496 = vector.broadcast %broadcast_in_dim3A_488 : vector<64x1xf32> to vector<64x4096xf32>
    %eq3A_497 = arith.cmpf oeq, %select_n3A_485, %eq3A_496 : vector<64x4096xf32>
    %jit3A_498 = arith.constant 0xFF800000 : f32
    %broadcast_in_dim3A_499 = vector.broadcast %jit3A_498 : f32 to vector<64x4096xf32>
    %select_n3A_500 = arith.select %eq3A_497, %broadcast_in_dim3A_499, %select_n3A_408 : vector<64x4096xi1>, vector<64x4096xf32>
    %reduce_max3A_501 = arith.constant dense<0xFF800000> : vector<64xf32>
    %reduce_max3A_502 = vector.multi_reduction <maximumf>, %select_n3A_431, %reduce_max3A_501 [1] : vector<64x4096xf32> to vector<64xf32>
    %broadcast_in_dim3A_503 = vector.shape_cast %reduce_max3A_502 : vector<64xf32> to vector<64x1xf32>
    %eq3A_504 = vector.broadcast %broadcast_in_dim3A_503 : vector<64x1xf32> to vector<64x4096xf32>
    %eq3A_505 = arith.cmpf oeq, %select_n3A_431, %eq3A_504 : vector<64x4096xf32>
    %jit3A_506 = arith.constant 4.096000e+03 : f32
    %broadcast_in_dim3A_507 = vector.broadcast %jit3A_506 : f32 to vector<64x4096xf32>
    %select_n3A_508 = arith.select %eq3A_505, %convert_element_type3A, %broadcast_in_dim3A_507 : vector<64x4096xi1>, vector<64x4096xf32>
    %reduce_min3A_509 = arith.constant dense<0x7F800000> : vector<64xf32>
    %reduce_min3A_510 = vector.multi_reduction <minimumf>, %select_n3A_508, %reduce_min3A_509 [1] : vector<64x4096xf32> to vector<64xf32>
    %broadcast_in_dim3A_511 = vector.shape_cast %reduce_min3A_510 : vector<64xf32> to vector<64x1xf32>
    %convert_element_type3A_512 = arith.fptosi %broadcast_in_dim3A_511 : vector<64x1xf32> to vector<64x1xi32>
    %swap3A_513 = arith.constant 0 : index
    %swap3A_514 = arith.constant 64 : index
    %swap3A_515 = arith.constant 5 : index
    %swap3A_516 = vector.load %arg4[%swap3A_513, %swap3A_514, %swap3A_515] : memref<1x256x16xi32, #tpu.memory_space<vmem>>, vector<1x64x1xi32>
    %swap3A_517 = vector.shape_cast %swap3A_516 : vector<1x64x1xi32> to vector<64x1xi32>
    %swap3A_518 = vector.shape_cast %convert_element_type3A_512 : vector<64x1xi32> to vector<1x64x1xi32>
    tpu.vector_store %arg4[%swap3A_513, %swap3A_514, %swap3A_515], %swap3A_518 {strides = array<i32>} : memref<1x256x16xi32, #tpu.memory_space<vmem>>, vector<1x64x1xi32>,
    %eq3A_519 = vector.broadcast %broadcast_in_dim3A_511 : vector<64x1xf32> to vector<64x4096xf32>
    %eq3A_520 = arith.cmpf oeq, %select_n3A_508, %eq3A_519 : vector<64x4096xf32>
    %jit3A_521 = arith.constant 0xFF800000 : f32
    %broadcast_in_dim3A_522 = vector.broadcast %jit3A_521 : f32 to vector<64x4096xf32>
    %select_n3A_523 = arith.select %eq3A_520, %broadcast_in_dim3A_522, %select_n3A_431 : vector<64x4096xi1>, vector<64x4096xf32>
    %reduce_max3A_524 = arith.constant dense<0xFF800000> : vector<64xf32>
    %reduce_max3A_525 = vector.multi_reduction <maximumf>, %select_n3A_454, %reduce_max3A_524 [1] : vector<64x4096xf32> to vector<64xf32>
    %broadcast_in_dim3A_526 = vector.shape_cast %reduce_max3A_525 : vector<64xf32> to vector<64x1xf32>
    %eq3A_527 = vector.broadcast %broadcast_in_dim3A_526 : vector<64x1xf32> to vector<64x4096xf32>
    %eq3A_528 = arith.cmpf oeq, %select_n3A_454, %eq3A_527 : vector<64x4096xf32>
    %jit3A_529 = arith.constant 4.096000e+03 : f32
    %broadcast_in_dim3A_530 = vector.broadcast %jit3A_529 : f32 to vector<64x4096xf32>
    %select_n3A_531 = arith.select %eq3A_528, %convert_element_type3A, %broadcast_in_dim3A_530 : vector<64x4096xi1>, vector<64x4096xf32>
    %reduce_min3A_532 = arith.constant dense<0x7F800000> : vector<64xf32>
    %reduce_min3A_533 = vector.multi_reduction <minimumf>, %select_n3A_531, %reduce_min3A_532 [1] : vector<64x4096xf32> to vector<64xf32>
    %broadcast_in_dim3A_534 = vector.shape_cast %reduce_min3A_533 : vector<64xf32> to vector<64x1xf32>
    %convert_element_type3A_535 = arith.fptosi %broadcast_in_dim3A_534 : vector<64x1xf32> to vector<64x1xi32>
    %swap3A_536 = arith.constant 0 : index
    %swap3A_537 = arith.constant 128 : index
    %swap3A_538 = arith.constant 5 : index
    %swap3A_539 = vector.load %arg4[%swap3A_536, %swap3A_537, %swap3A_538] : memref<1x256x16xi32, #tpu.memory_space<vmem>>, vector<1x64x1xi32>
    %swap3A_540 = vector.shape_cast %swap3A_539 : vector<1x64x1xi32> to vector<64x1xi32>
    %swap3A_541 = vector.shape_cast %convert_element_type3A_535 : vector<64x1xi32> to vector<1x64x1xi32>
    tpu.vector_store %arg4[%swap3A_536, %swap3A_537, %swap3A_538], %swap3A_541 {strides = array<i32>} : memref<1x256x16xi32, #tpu.memory_space<vmem>>, vector<1x64x1xi32>,
    %eq3A_542 = vector.broadcast %broadcast_in_dim3A_534 : vector<64x1xf32> to vector<64x4096xf32>
    %eq3A_543 = arith.cmpf oeq, %select_n3A_531, %eq3A_542 : vector<64x4096xf32>
    %jit3A_544 = arith.constant 0xFF800000 : f32
    %broadcast_in_dim3A_545 = vector.broadcast %jit3A_544 : f32 to vector<64x4096xf32>
    %select_n3A_546 = arith.select %eq3A_543, %broadcast_in_dim3A_545, %select_n3A_454 : vector<64x4096xi1>, vector<64x4096xf32>
    %reduce_max3A_547 = arith.constant dense<0xFF800000> : vector<64xf32>
    %reduce_max3A_548 = vector.multi_reduction <maximumf>, %select_n3A_477, %reduce_max3A_547 [1] : vector<64x4096xf32> to vector<64xf32>
    %broadcast_in_dim3A_549 = vector.shape_cast %reduce_max3A_548 : vector<64xf32> to vector<64x1xf32>
    %eq3A_550 = vector.broadcast %broadcast_in_dim3A_549 : vector<64x1xf32> to vector<64x4096xf32>
    %eq3A_551 = arith.cmpf oeq, %select_n3A_477, %eq3A_550 : vector<64x4096xf32>
    %jit3A_552 = arith.constant 4.096000e+03 : f32
    %broadcast_in_dim3A_553 = vector.broadcast %jit3A_552 : f32 to vector<64x4096xf32>
    %select_n3A_554 = arith.select %eq3A_551, %convert_element_type3A, %broadcast_in_dim3A_553 : vector<64x4096xi1>, vector<64x4096xf32>
    %reduce_min3A_555 = arith.constant dense<0x7F800000> : vector<64xf32>
    %reduce_min3A_556 = vector.multi_reduction <minimumf>, %select_n3A_554, %reduce_min3A_555 [1] : vector<64x4096xf32> to vector<64xf32>
    %broadcast_in_dim3A_557 = vector.shape_cast %reduce_min3A_556 : vector<64xf32> to vector<64x1xf32>
    %convert_element_type3A_558 = arith.fptosi %broadcast_in_dim3A_557 : vector<64x1xf32> to vector<64x1xi32>
    %swap3A_559 = arith.constant 0 : index
    %swap3A_560 = arith.constant 192 : index
    %swap3A_561 = arith.constant 5 : index
    %swap3A_562 = vector.load %arg4[%swap3A_559, %swap3A_560, %swap3A_561] : memref<1x256x16xi32, #tpu.memory_space<vmem>>, vector<1x64x1xi32>
    %swap3A_563 = vector.shape_cast %swap3A_562 : vector<1x64x1xi32> to vector<64x1xi32>
    %swap3A_564 = vector.shape_cast %convert_element_type3A_558 : vector<64x1xi32> to vector<1x64x1xi32>
    tpu.vector_store %arg4[%swap3A_559, %swap3A_560, %swap3A_561], %swap3A_564 {strides = array<i32>} : memref<1x256x16xi32, #tpu.memory_space<vmem>>, vector<1x64x1xi32>,
    %eq3A_565 = vector.broadcast %broadcast_in_dim3A_557 : vector<64x1xf32> to vector<64x4096xf32>
    %eq3A_566 = arith.cmpf oeq, %select_n3A_554, %eq3A_565 : vector<64x4096xf32>
    %jit3A_567 = arith.constant 0xFF800000 : f32
    %broadcast_in_dim3A_568 = vector.broadcast %jit3A_567 : f32 to vector<64x4096xf32>
    %select_n3A_569 = arith.select %eq3A_566, %broadcast_in_dim3A_568, %select_n3A_477 : vector<64x4096xi1>, vector<64x4096xf32>
    %reduce_max3A_570 = arith.constant dense<0xFF800000> : vector<64xf32>
    %reduce_max3A_571 = vector.multi_reduction <maximumf>, %select_n3A_500, %reduce_max3A_570 [1] : vector<64x4096xf32> to vector<64xf32>
    %broadcast_in_dim3A_572 = vector.shape_cast %reduce_max3A_571 : vector<64xf32> to vector<64x1xf32>
    %eq3A_573 = vector.broadcast %broadcast_in_dim3A_572 : vector<64x1xf32> to vector<64x4096xf32>
    %eq3A_574 = arith.cmpf oeq, %select_n3A_500, %eq3A_573 : vector<64x4096xf32>
    %jit3A_575 = arith.constant 4.096000e+03 : f32
    %broadcast_in_dim3A_576 = vector.broadcast %jit3A_575 : f32 to vector<64x4096xf32>
    %select_n3A_577 = arith.select %eq3A_574, %convert_element_type3A, %broadcast_in_dim3A_576 : vector<64x4096xi1>, vector<64x4096xf32>
    %reduce_min3A_578 = arith.constant dense<0x7F800000> : vector<64xf32>
    %reduce_min3A_579 = vector.multi_reduction <minimumf>, %select_n3A_577, %reduce_min3A_578 [1] : vector<64x4096xf32> to vector<64xf32>
    %broadcast_in_dim3A_580 = vector.shape_cast %reduce_min3A_579 : vector<64xf32> to vector<64x1xf32>
    %convert_element_type3A_581 = arith.fptosi %broadcast_in_dim3A_580 : vector<64x1xf32> to vector<64x1xi32>
    %swap3A_582 = arith.constant 0 : index
    %swap3A_583 = arith.constant 0 : index
    %swap3A_584 = arith.constant 6 : index
    %swap3A_585 = vector.load %arg4[%swap3A_582, %swap3A_583, %swap3A_584] : memref<1x256x16xi32, #tpu.memory_space<vmem>>, vector<1x64x1xi32>
    %swap3A_586 = vector.shape_cast %swap3A_585 : vector<1x64x1xi32> to vector<64x1xi32>
    %swap3A_587 = vector.shape_cast %convert_element_type3A_581 : vector<64x1xi32> to vector<1x64x1xi32>
    tpu.vector_store %arg4[%swap3A_582, %swap3A_583, %swap3A_584], %swap3A_587 {strides = array<i32>} : memref<1x256x16xi32, #tpu.memory_space<vmem>>, vector<1x64x1xi32>,
    %eq3A_588 = vector.broadcast %broadcast_in_dim3A_580 : vector<64x1xf32> to vector<64x4096xf32>
    %eq3A_589 = arith.cmpf oeq, %select_n3A_577, %eq3A_588 : vector<64x4096xf32>
    %jit3A_590 = arith.constant 0xFF800000 : f32
    %broadcast_in_dim3A_591 = vector.broadcast %jit3A_590 : f32 to vector<64x4096xf32>
    %select_n3A_592 = arith.select %eq3A_589, %broadcast_in_dim3A_591, %select_n3A_500 : vector<64x4096xi1>, vector<64x4096xf32>
    %reduce_max3A_593 = arith.constant dense<0xFF800000> : vector<64xf32>
    %reduce_max3A_594 = vector.multi_reduction <maximumf>, %select_n3A_523, %reduce_max3A_593 [1] : vector<64x4096xf32> to vector<64xf32>
    %broadcast_in_dim3A_595 = vector.shape_cast %reduce_max3A_594 : vector<64xf32> to vector<64x1xf32>
    %eq3A_596 = vector.broadcast %broadcast_in_dim3A_595 : vector<64x1xf32> to vector<64x4096xf32>
    %eq3A_597 = arith.cmpf oeq, %select_n3A_523, %eq3A_596 : vector<64x4096xf32>
    %jit3A_598 = arith.constant 4.096000e+03 : f32
    %broadcast_in_dim3A_599 = vector.broadcast %jit3A_598 : f32 to vector<64x4096xf32>
    %select_n3A_600 = arith.select %eq3A_597, %convert_element_type3A, %broadcast_in_dim3A_599 : vector<64x4096xi1>, vector<64x4096xf32>
    %reduce_min3A_601 = arith.constant dense<0x7F800000> : vector<64xf32>
    %reduce_min3A_602 = vector.multi_reduction <minimumf>, %select_n3A_600, %reduce_min3A_601 [1] : vector<64x4096xf32> to vector<64xf32>
    %broadcast_in_dim3A_603 = vector.shape_cast %reduce_min3A_602 : vector<64xf32> to vector<64x1xf32>
    %convert_element_type3A_604 = arith.fptosi %broadcast_in_dim3A_603 : vector<64x1xf32> to vector<64x1xi32>
    %swap3A_605 = arith.constant 0 : index
    %swap3A_606 = arith.constant 64 : index
    %swap3A_607 = arith.constant 6 : index
    %swap3A_608 = vector.load %arg4[%swap3A_605, %swap3A_606, %swap3A_607] : memref<1x256x16xi32, #tpu.memory_space<vmem>>, vector<1x64x1xi32>
    %swap3A_609 = vector.shape_cast %swap3A_608 : vector<1x64x1xi32> to vector<64x1xi32>
    %swap3A_610 = vector.shape_cast %convert_element_type3A_604 : vector<64x1xi32> to vector<1x64x1xi32>
    tpu.vector_store %arg4[%swap3A_605, %swap3A_606, %swap3A_607], %swap3A_610 {strides = array<i32>} : memref<1x256x16xi32, #tpu.memory_space<vmem>>, vector<1x64x1xi32>,
    %eq3A_611 = vector.broadcast %broadcast_in_dim3A_603 : vector<64x1xf32> to vector<64x4096xf32>
    %eq3A_612 = arith.cmpf oeq, %select_n3A_600, %eq3A_611 : vector<64x4096xf32>
    %jit3A_613 = arith.constant 0xFF800000 : f32
    %broadcast_in_dim3A_614 = vector.broadcast %jit3A_613 : f32 to vector<64x4096xf32>
    %select_n3A_615 = arith.select %eq3A_612, %broadcast_in_dim3A_614, %select_n3A_523 : vector<64x4096xi1>, vector<64x4096xf32>
    %reduce_max3A_616 = arith.constant dense<0xFF800000> : vector<64xf32>
    %reduce_max3A_617 = vector.multi_reduction <maximumf>, %select_n3A_546, %reduce_max3A_616 [1] : vector<64x4096xf32> to vector<64xf32>
    %broadcast_in_dim3A_618 = vector.shape_cast %reduce_max3A_617 : vector<64xf32> to vector<64x1xf32>
    %eq3A_619 = vector.broadcast %broadcast_in_dim3A_618 : vector<64x1xf32> to vector<64x4096xf32>
    %eq3A_620 = arith.cmpf oeq, %select_n3A_546, %eq3A_619 : vector<64x4096xf32>
    %jit3A_621 = arith.constant 4.096000e+03 : f32
    %broadcast_in_dim3A_622 = vector.broadcast %jit3A_621 : f32 to vector<64x4096xf32>
    %select_n3A_623 = arith.select %eq3A_620, %convert_element_type3A, %broadcast_in_dim3A_622 : vector<64x4096xi1>, vector<64x4096xf32>
    %reduce_min3A_624 = arith.constant dense<0x7F800000> : vector<64xf32>
    %reduce_min3A_625 = vector.multi_reduction <minimumf>, %select_n3A_623, %reduce_min3A_624 [1] : vector<64x4096xf32> to vector<64xf32>
    %broadcast_in_dim3A_626 = vector.shape_cast %reduce_min3A_625 : vector<64xf32> to vector<64x1xf32>
    %convert_element_type3A_627 = arith.fptosi %broadcast_in_dim3A_626 : vector<64x1xf32> to vector<64x1xi32>
    %swap3A_628 = arith.constant 0 : index
    %swap3A_629 = arith.constant 128 : index
    %swap3A_630 = arith.constant 6 : index
    %swap3A_631 = vector.load %arg4[%swap3A_628, %swap3A_629, %swap3A_630] : memref<1x256x16xi32, #tpu.memory_space<vmem>>, vector<1x64x1xi32>
    %swap3A_632 = vector.shape_cast %swap3A_631 : vector<1x64x1xi32> to vector<64x1xi32>
    %swap3A_633 = vector.shape_cast %convert_element_type3A_627 : vector<64x1xi32> to vector<1x64x1xi32>
    tpu.vector_store %arg4[%swap3A_628, %swap3A_629, %swap3A_630], %swap3A_633 {strides = array<i32>} : memref<1x256x16xi32, #tpu.memory_space<vmem>>, vector<1x64x1xi32>,
    %eq3A_634 = vector.broadcast %broadcast_in_dim3A_626 : vector<64x1xf32> to vector<64x4096xf32>
    %eq3A_635 = arith.cmpf oeq, %select_n3A_623, %eq3A_634 : vector<64x4096xf32>
    %jit3A_636 = arith.constant 0xFF800000 : f32
    %broadcast_in_dim3A_637 = vector.broadcast %jit3A_636 : f32 to vector<64x4096xf32>
    %select_n3A_638 = arith.select %eq3A_635, %broadcast_in_dim3A_637, %select_n3A_546 : vector<64x4096xi1>, vector<64x4096xf32>
    %reduce_max3A_639 = arith.constant dense<0xFF800000> : vector<64xf32>
    %reduce_max3A_640 = vector.multi_reduction <maximumf>, %select_n3A_569, %reduce_max3A_639 [1] : vector<64x4096xf32> to vector<64xf32>
    %broadcast_in_dim3A_641 = vector.shape_cast %reduce_max3A_640 : vector<64xf32> to vector<64x1xf32>
    %eq3A_642 = vector.broadcast %broadcast_in_dim3A_641 : vector<64x1xf32> to vector<64x4096xf32>
    %eq3A_643 = arith.cmpf oeq, %select_n3A_569, %eq3A_642 : vector<64x4096xf32>
    %jit3A_644 = arith.constant 4.096000e+03 : f32
    %broadcast_in_dim3A_645 = vector.broadcast %jit3A_644 : f32 to vector<64x4096xf32>
    %select_n3A_646 = arith.select %eq3A_643, %convert_element_type3A, %broadcast_in_dim3A_645 : vector<64x4096xi1>, vector<64x4096xf32>
    %reduce_min3A_647 = arith.constant dense<0x7F800000> : vector<64xf32>
    %reduce_min3A_648 = vector.multi_reduction <minimumf>, %select_n3A_646, %reduce_min3A_647 [1] : vector<64x4096xf32> to vector<64xf32>
    %broadcast_in_dim3A_649 = vector.shape_cast %reduce_min3A_648 : vector<64xf32> to vector<64x1xf32>
    %convert_element_type3A_650 = arith.fptosi %broadcast_in_dim3A_649 : vector<64x1xf32> to vector<64x1xi32>
    %swap3A_651 = arith.constant 0 : index
    %swap3A_652 = arith.constant 192 : index
    %swap3A_653 = arith.constant 6 : index
    %swap3A_654 = vector.load %arg4[%swap3A_651, %swap3A_652, %swap3A_653] : memref<1x256x16xi32, #tpu.memory_space<vmem>>, vector<1x64x1xi32>
    %swap3A_655 = vector.shape_cast %swap3A_654 : vector<1x64x1xi32> to vector<64x1xi32>
    %swap3A_656 = vector.shape_cast %convert_element_type3A_650 : vector<64x1xi32> to vector<1x64x1xi32>
    tpu.vector_store %arg4[%swap3A_651, %swap3A_652, %swap3A_653], %swap3A_656 {strides = array<i32>} : memref<1x256x16xi32, #tpu.memory_space<vmem>>, vector<1x64x1xi32>,
    %eq3A_657 = vector.broadcast %broadcast_in_dim3A_649 : vector<64x1xf32> to vector<64x4096xf32>
    %eq3A_658 = arith.cmpf oeq, %select_n3A_646, %eq3A_657 : vector<64x4096xf32>
    %jit3A_659 = arith.constant 0xFF800000 : f32
    %broadcast_in_dim3A_660 = vector.broadcast %jit3A_659 : f32 to vector<64x4096xf32>
    %select_n3A_661 = arith.select %eq3A_658, %broadcast_in_dim3A_660, %select_n3A_569 : vector<64x4096xi1>, vector<64x4096xf32>
    %reduce_max3A_662 = arith.constant dense<0xFF800000> : vector<64xf32>
    %reduce_max3A_663 = vector.multi_reduction <maximumf>, %select_n3A_592, %reduce_max3A_662 [1] : vector<64x4096xf32> to vector<64xf32>
    %broadcast_in_dim3A_664 = vector.shape_cast %reduce_max3A_663 : vector<64xf32> to vector<64x1xf32>
    %eq3A_665 = vector.broadcast %broadcast_in_dim3A_664 : vector<64x1xf32> to vector<64x4096xf32>
    %eq3A_666 = arith.cmpf oeq, %select_n3A_592, %eq3A_665 : vector<64x4096xf32>
    %jit3A_667 = arith.constant 4.096000e+03 : f32
    %broadcast_in_dim3A_668 = vector.broadcast %jit3A_667 : f32 to vector<64x4096xf32>
    %select_n3A_669 = arith.select %eq3A_666, %convert_element_type3A, %broadcast_in_dim3A_668 : vector<64x4096xi1>, vector<64x4096xf32>
    %reduce_min3A_670 = arith.constant dense<0x7F800000> : vector<64xf32>
    %reduce_min3A_671 = vector.multi_reduction <minimumf>, %select_n3A_669, %reduce_min3A_670 [1] : vector<64x4096xf32> to vector<64xf32>
    %broadcast_in_dim3A_672 = vector.shape_cast %reduce_min3A_671 : vector<64xf32> to vector<64x1xf32>
    %convert_element_type3A_673 = arith.fptosi %broadcast_in_dim3A_672 : vector<64x1xf32> to vector<64x1xi32>
    %swap3A_674 = arith.constant 0 : index
    %swap3A_675 = arith.constant 0 : index
    %swap3A_676 = arith.constant 7 : index
    %swap3A_677 = vector.load %arg4[%swap3A_674, %swap3A_675, %swap3A_676] : memref<1x256x16xi32, #tpu.memory_space<vmem>>, vector<1x64x1xi32>
    %swap3A_678 = vector.shape_cast %swap3A_677 : vector<1x64x1xi32> to vector<64x1xi32>
    %swap3A_679 = vector.shape_cast %convert_element_type3A_673 : vector<64x1xi32> to vector<1x64x1xi32>
    tpu.vector_store %arg4[%swap3A_674, %swap3A_675, %swap3A_676], %swap3A_679 {strides = array<i32>} : memref<1x256x16xi32, #tpu.memory_space<vmem>>, vector<1x64x1xi32>,
    %eq3A_680 = vector.broadcast %broadcast_in_dim3A_672 : vector<64x1xf32> to vector<64x4096xf32>
    %eq3A_681 = arith.cmpf oeq, %select_n3A_669, %eq3A_680 : vector<64x4096xf32>
    %jit3A_682 = arith.constant 0xFF800000 : f32
    %broadcast_in_dim3A_683 = vector.broadcast %jit3A_682 : f32 to vector<64x4096xf32>
    %select_n3A_684 = arith.select %eq3A_681, %broadcast_in_dim3A_683, %select_n3A_592 : vector<64x4096xi1>, vector<64x4096xf32>
    %reduce_max3A_685 = arith.constant dense<0xFF800000> : vector<64xf32>
    %reduce_max3A_686 = vector.multi_reduction <maximumf>, %select_n3A_615, %reduce_max3A_685 [1] : vector<64x4096xf32> to vector<64xf32>
    %broadcast_in_dim3A_687 = vector.shape_cast %reduce_max3A_686 : vector<64xf32> to vector<64x1xf32>
    %eq3A_688 = vector.broadcast %broadcast_in_dim3A_687 : vector<64x1xf32> to vector<64x4096xf32>
    %eq3A_689 = arith.cmpf oeq, %select_n3A_615, %eq3A_688 : vector<64x4096xf32>
    %jit3A_690 = arith.constant 4.096000e+03 : f32
    %broadcast_in_dim3A_691 = vector.broadcast %jit3A_690 : f32 to vector<64x4096xf32>
    %select_n3A_692 = arith.select %eq3A_689, %convert_element_type3A, %broadcast_in_dim3A_691 : vector<64x4096xi1>, vector<64x4096xf32>
    %reduce_min3A_693 = arith.constant dense<0x7F800000> : vector<64xf32>
    %reduce_min3A_694 = vector.multi_reduction <minimumf>, %select_n3A_692, %reduce_min3A_693 [1] : vector<64x4096xf32> to vector<64xf32>
    %broadcast_in_dim3A_695 = vector.shape_cast %reduce_min3A_694 : vector<64xf32> to vector<64x1xf32>
    %convert_element_type3A_696 = arith.fptosi %broadcast_in_dim3A_695 : vector<64x1xf32> to vector<64x1xi32>
    %swap3A_697 = arith.constant 0 : index
    %swap3A_698 = arith.constant 64 : index
    %swap3A_699 = arith.constant 7 : index
    %swap3A_700 = vector.load %arg4[%swap3A_697, %swap3A_698, %swap3A_699] : memref<1x256x16xi32, #tpu.memory_space<vmem>>, vector<1x64x1xi32>
    %swap3A_701 = vector.shape_cast %swap3A_700 : vector<1x64x1xi32> to vector<64x1xi32>
    %swap3A_702 = vector.shape_cast %convert_element_type3A_696 : vector<64x1xi32> to vector<1x64x1xi32>
    tpu.vector_store %arg4[%swap3A_697, %swap3A_698, %swap3A_699], %swap3A_702 {strides = array<i32>} : memref<1x256x16xi32, #tpu.memory_space<vmem>>, vector<1x64x1xi32>,
    %eq3A_703 = vector.broadcast %broadcast_in_dim3A_695 : vector<64x1xf32> to vector<64x4096xf32>
    %eq3A_704 = arith.cmpf oeq, %select_n3A_692, %eq3A_703 : vector<64x4096xf32>
    %jit3A_705 = arith.constant 0xFF800000 : f32
    %broadcast_in_dim3A_706 = vector.broadcast %jit3A_705 : f32 to vector<64x4096xf32>
    %select_n3A_707 = arith.select %eq3A_704, %broadcast_in_dim3A_706, %select_n3A_615 : vector<64x4096xi1>, vector<64x4096xf32>
    %reduce_max3A_708 = arith.constant dense<0xFF800000> : vector<64xf32>
    %reduce_max3A_709 = vector.multi_reduction <maximumf>, %select_n3A_638, %reduce_max3A_708 [1] : vector<64x4096xf32> to vector<64xf32>
    %broadcast_in_dim3A_710 = vector.shape_cast %reduce_max3A_709 : vector<64xf32> to vector<64x1xf32>
    %eq3A_711 = vector.broadcast %broadcast_in_dim3A_710 : vector<64x1xf32> to vector<64x4096xf32>
    %eq3A_712 = arith.cmpf oeq, %select_n3A_638, %eq3A_711 : vector<64x4096xf32>
    %jit3A_713 = arith.constant 4.096000e+03 : f32
    %broadcast_in_dim3A_714 = vector.broadcast %jit3A_713 : f32 to vector<64x4096xf32>
    %select_n3A_715 = arith.select %eq3A_712, %convert_element_type3A, %broadcast_in_dim3A_714 : vector<64x4096xi1>, vector<64x4096xf32>
    %reduce_min3A_716 = arith.constant dense<0x7F800000> : vector<64xf32>
    %reduce_min3A_717 = vector.multi_reduction <minimumf>, %select_n3A_715, %reduce_min3A_716 [1] : vector<64x4096xf32> to vector<64xf32>
    %broadcast_in_dim3A_718 = vector.shape_cast %reduce_min3A_717 : vector<64xf32> to vector<64x1xf32>
    %convert_element_type3A_719 = arith.fptosi %broadcast_in_dim3A_718 : vector<64x1xf32> to vector<64x1xi32>
    %swap3A_720 = arith.constant 0 : index
    %swap3A_721 = arith.constant 128 : index
    %swap3A_722 = arith.constant 7 : index
    %swap3A_723 = vector.load %arg4[%swap3A_720, %swap3A_721, %swap3A_722] : memref<1x256x16xi32, #tpu.memory_space<vmem>>, vector<1x64x1xi32>
    %swap3A_724 = vector.shape_cast %swap3A_723 : vector<1x64x1xi32> to vector<64x1xi32>
    %swap3A_725 = vector.shape_cast %convert_element_type3A_719 : vector<64x1xi32> to vector<1x64x1xi32>
    tpu.vector_store %arg4[%swap3A_720, %swap3A_721, %swap3A_722], %swap3A_725 {strides = array<i32>} : memref<1x256x16xi32, #tpu.memory_space<vmem>>, vector<1x64x1xi32>,
    %eq3A_726 = vector.broadcast %broadcast_in_dim3A_718 : vector<64x1xf32> to vector<64x4096xf32>
    %eq3A_727 = arith.cmpf oeq, %select_n3A_715, %eq3A_726 : vector<64x4096xf32>
    %jit3A_728 = arith.constant 0xFF800000 : f32
    %broadcast_in_dim3A_729 = vector.broadcast %jit3A_728 : f32 to vector<64x4096xf32>
    %select_n3A_730 = arith.select %eq3A_727, %broadcast_in_dim3A_729, %select_n3A_638 : vector<64x4096xi1>, vector<64x4096xf32>
    %reduce_max3A_731 = arith.constant dense<0xFF800000> : vector<64xf32>
    %reduce_max3A_732 = vector.multi_reduction <maximumf>, %select_n3A_661, %reduce_max3A_731 [1] : vector<64x4096xf32> to vector<64xf32>
    %broadcast_in_dim3A_733 = vector.shape_cast %reduce_max3A_732 : vector<64xf32> to vector<64x1xf32>
    %eq3A_734 = vector.broadcast %broadcast_in_dim3A_733 : vector<64x1xf32> to vector<64x4096xf32>
    %eq3A_735 = arith.cmpf oeq, %select_n3A_661, %eq3A_734 : vector<64x4096xf32>
    %jit3A_736 = arith.constant 4.096000e+03 : f32
    %broadcast_in_dim3A_737 = vector.broadcast %jit3A_736 : f32 to vector<64x4096xf32>
    %select_n3A_738 = arith.select %eq3A_735, %convert_element_type3A, %broadcast_in_dim3A_737 : vector<64x4096xi1>, vector<64x4096xf32>
    %reduce_min3A_739 = arith.constant dense<0x7F800000> : vector<64xf32>
    %reduce_min3A_740 = vector.multi_reduction <minimumf>, %select_n3A_738, %reduce_min3A_739 [1] : vector<64x4096xf32> to vector<64xf32>
    %broadcast_in_dim3A_741 = vector.shape_cast %reduce_min3A_740 : vector<64xf32> to vector<64x1xf32>
    %convert_element_type3A_742 = arith.fptosi %broadcast_in_dim3A_741 : vector<64x1xf32> to vector<64x1xi32>
    %swap3A_743 = arith.constant 0 : index
    %swap3A_744 = arith.constant 192 : index
    %swap3A_745 = arith.constant 7 : index
    %swap3A_746 = vector.load %arg4[%swap3A_743, %swap3A_744, %swap3A_745] : memref<1x256x16xi32, #tpu.memory_space<vmem>>, vector<1x64x1xi32>
    %swap3A_747 = vector.shape_cast %swap3A_746 : vector<1x64x1xi32> to vector<64x1xi32>
    %swap3A_748 = vector.shape_cast %convert_element_type3A_742 : vector<64x1xi32> to vector<1x64x1xi32>
    tpu.vector_store %arg4[%swap3A_743, %swap3A_744, %swap3A_745], %swap3A_748 {strides = array<i32>} : memref<1x256x16xi32, #tpu.memory_space<vmem>>, vector<1x64x1xi32>,
    %eq3A_749 = vector.broadcast %broadcast_in_dim3A_741 : vector<64x1xf32> to vector<64x4096xf32>
    %eq3A_750 = arith.cmpf oeq, %select_n3A_738, %eq3A_749 : vector<64x4096xf32>
    %jit3A_751 = arith.constant 0xFF800000 : f32
    %broadcast_in_dim3A_752 = vector.broadcast %jit3A_751 : f32 to vector<64x4096xf32>
    %select_n3A_753 = arith.select %eq3A_750, %broadcast_in_dim3A_752, %select_n3A_661 : vector<64x4096xi1>, vector<64x4096xf32>
    %reduce_max3A_754 = arith.constant dense<0xFF800000> : vector<64xf32>
    %reduce_max3A_755 = vector.multi_reduction <maximumf>, %select_n3A_684, %reduce_max3A_754 [1] : vector<64x4096xf32> to vector<64xf32>
    %broadcast_in_dim3A_756 = vector.shape_cast %reduce_max3A_755 : vector<64xf32> to vector<64x1xf32>
    %eq3A_757 = vector.broadcast %broadcast_in_dim3A_756 : vector<64x1xf32> to vector<64x4096xf32>
    %eq3A_758 = arith.cmpf oeq, %select_n3A_684, %eq3A_757 : vector<64x4096xf32>
    %jit3A_759 = arith.constant 4.096000e+03 : f32
    %broadcast_in_dim3A_760 = vector.broadcast %jit3A_759 : f32 to vector<64x4096xf32>
    %select_n3A_761 = arith.select %eq3A_758, %convert_element_type3A, %broadcast_in_dim3A_760 : vector<64x4096xi1>, vector<64x4096xf32>
    %reduce_min3A_762 = arith.constant dense<0x7F800000> : vector<64xf32>
    %reduce_min3A_763 = vector.multi_reduction <minimumf>, %select_n3A_761, %reduce_min3A_762 [1] : vector<64x4096xf32> to vector<64xf32>
    %broadcast_in_dim3A_764 = vector.shape_cast %reduce_min3A_763 : vector<64xf32> to vector<64x1xf32>
    %convert_element_type3A_765 = arith.fptosi %broadcast_in_dim3A_764 : vector<64x1xf32> to vector<64x1xi32>
    %swap3A_766 = arith.constant 0 : index
    %swap3A_767 = arith.constant 0 : index
    %swap3A_768 = arith.constant 8 : index
    %swap3A_769 = vector.load %arg4[%swap3A_766, %swap3A_767, %swap3A_768] : memref<1x256x16xi32, #tpu.memory_space<vmem>>, vector<1x64x1xi32>
    %swap3A_770 = vector.shape_cast %swap3A_769 : vector<1x64x1xi32> to vector<64x1xi32>
    %swap3A_771 = vector.shape_cast %convert_element_type3A_765 : vector<64x1xi32> to vector<1x64x1xi32>
    tpu.vector_store %arg4[%swap3A_766, %swap3A_767, %swap3A_768], %swap3A_771 {strides = array<i32>} : memref<1x256x16xi32, #tpu.memory_space<vmem>>, vector<1x64x1xi32>,
    %eq3A_772 = vector.broadcast %broadcast_in_dim3A_764 : vector<64x1xf32> to vector<64x4096xf32>
    %eq3A_773 = arith.cmpf oeq, %select_n3A_761, %eq3A_772 : vector<64x4096xf32>
    %jit3A_774 = arith.constant 0xFF800000 : f32
    %broadcast_in_dim3A_775 = vector.broadcast %jit3A_774 : f32 to vector<64x4096xf32>
    %select_n3A_776 = arith.select %eq3A_773, %broadcast_in_dim3A_775, %select_n3A_684 : vector<64x4096xi1>, vector<64x4096xf32>
    %reduce_max3A_777 = arith.constant dense<0xFF800000> : vector<64xf32>
    %reduce_max3A_778 = vector.multi_reduction <maximumf>, %select_n3A_707, %reduce_max3A_777 [1] : vector<64x4096xf32> to vector<64xf32>
    %broadcast_in_dim3A_779 = vector.shape_cast %reduce_max3A_778 : vector<64xf32> to vector<64x1xf32>
    %eq3A_780 = vector.broadcast %broadcast_in_dim3A_779 : vector<64x1xf32> to vector<64x4096xf32>
    %eq3A_781 = arith.cmpf oeq, %select_n3A_707, %eq3A_780 : vector<64x4096xf32>
    %jit3A_782 = arith.constant 4.096000e+03 : f32
    %broadcast_in_dim3A_783 = vector.broadcast %jit3A_782 : f32 to vector<64x4096xf32>
    %select_n3A_784 = arith.select %eq3A_781, %convert_element_type3A, %broadcast_in_dim3A_783 : vector<64x4096xi1>, vector<64x4096xf32>
    %reduce_min3A_785 = arith.constant dense<0x7F800000> : vector<64xf32>
    %reduce_min3A_786 = vector.multi_reduction <minimumf>, %select_n3A_784, %reduce_min3A_785 [1] : vector<64x4096xf32> to vector<64xf32>
    %broadcast_in_dim3A_787 = vector.shape_cast %reduce_min3A_786 : vector<64xf32> to vector<64x1xf32>
    %convert_element_type3A_788 = arith.fptosi %broadcast_in_dim3A_787 : vector<64x1xf32> to vector<64x1xi32>
    %swap3A_789 = arith.constant 0 : index
    %swap3A_790 = arith.constant 64 : index
    %swap3A_791 = arith.constant 8 : index
    %swap3A_792 = vector.load %arg4[%swap3A_789, %swap3A_790, %swap3A_791] : memref<1x256x16xi32, #tpu.memory_space<vmem>>, vector<1x64x1xi32>
    %swap3A_793 = vector.shape_cast %swap3A_792 : vector<1x64x1xi32> to vector<64x1xi32>
    %swap3A_794 = vector.shape_cast %convert_element_type3A_788 : vector<64x1xi32> to vector<1x64x1xi32>
    tpu.vector_store %arg4[%swap3A_789, %swap3A_790, %swap3A_791], %swap3A_794 {strides = array<i32>} : memref<1x256x16xi32, #tpu.memory_space<vmem>>, vector<1x64x1xi32>,
    %eq3A_795 = vector.broadcast %broadcast_in_dim3A_787 : vector<64x1xf32> to vector<64x4096xf32>
    %eq3A_796 = arith.cmpf oeq, %select_n3A_784, %eq3A_795 : vector<64x4096xf32>
    %jit3A_797 = arith.constant 0xFF800000 : f32
    %broadcast_in_dim3A_798 = vector.broadcast %jit3A_797 : f32 to vector<64x4096xf32>
    %select_n3A_799 = arith.select %eq3A_796, %broadcast_in_dim3A_798, %select_n3A_707 : vector<64x4096xi1>, vector<64x4096xf32>
    %reduce_max3A_800 = arith.constant dense<0xFF800000> : vector<64xf32>
    %reduce_max3A_801 = vector.multi_reduction <maximumf>, %select_n3A_730, %reduce_max3A_800 [1] : vector<64x4096xf32> to vector<64xf32>
    %broadcast_in_dim3A_802 = vector.shape_cast %reduce_max3A_801 : vector<64xf32> to vector<64x1xf32>
    %eq3A_803 = vector.broadcast %broadcast_in_dim3A_802 : vector<64x1xf32> to vector<64x4096xf32>
    %eq3A_804 = arith.cmpf oeq, %select_n3A_730, %eq3A_803 : vector<64x4096xf32>
    %jit3A_805 = arith.constant 4.096000e+03 : f32
    %broadcast_in_dim3A_806 = vector.broadcast %jit3A_805 : f32 to vector<64x4096xf32>
    %select_n3A_807 = arith.select %eq3A_804, %convert_element_type3A, %broadcast_in_dim3A_806 : vector<64x4096xi1>, vector<64x4096xf32>
    %reduce_min3A_808 = arith.constant dense<0x7F800000> : vector<64xf32>
    %reduce_min3A_809 = vector.multi_reduction <minimumf>, %select_n3A_807, %reduce_min3A_808 [1] : vector<64x4096xf32> to vector<64xf32>
    %broadcast_in_dim3A_810 = vector.shape_cast %reduce_min3A_809 : vector<64xf32> to vector<64x1xf32>
    %convert_element_type3A_811 = arith.fptosi %broadcast_in_dim3A_810 : vector<64x1xf32> to vector<64x1xi32>
    %swap3A_812 = arith.constant 0 : index
    %swap3A_813 = arith.constant 128 : index
    %swap3A_814 = arith.constant 8 : index
    %swap3A_815 = vector.load %arg4[%swap3A_812, %swap3A_813, %swap3A_814] : memref<1x256x16xi32, #tpu.memory_space<vmem>>, vector<1x64x1xi32>
    %swap3A_816 = vector.shape_cast %swap3A_815 : vector<1x64x1xi32> to vector<64x1xi32>
    %swap3A_817 = vector.shape_cast %convert_element_type3A_811 : vector<64x1xi32> to vector<1x64x1xi32>
    tpu.vector_store %arg4[%swap3A_812, %swap3A_813, %swap3A_814], %swap3A_817 {strides = array<i32>} : memref<1x256x16xi32, #tpu.memory_space<vmem>>, vector<1x64x1xi32>,
    %eq3A_818 = vector.broadcast %broadcast_in_dim3A_810 : vector<64x1xf32> to vector<64x4096xf32>
    %eq3A_819 = arith.cmpf oeq, %select_n3A_807, %eq3A_818 : vector<64x4096xf32>
    %jit3A_820 = arith.constant 0xFF800000 : f32
    %broadcast_in_dim3A_821 = vector.broadcast %jit3A_820 : f32 to vector<64x4096xf32>
    %select_n3A_822 = arith.select %eq3A_819, %broadcast_in_dim3A_821, %select_n3A_730 : vector<64x4096xi1>, vector<64x4096xf32>
    %reduce_max3A_823 = arith.constant dense<0xFF800000> : vector<64xf32>
    %reduce_max3A_824 = vector.multi_reduction <maximumf>, %select_n3A_753, %reduce_max3A_823 [1] : vector<64x4096xf32> to vector<64xf32>
    %broadcast_in_dim3A_825 = vector.shape_cast %reduce_max3A_824 : vector<64xf32> to vector<64x1xf32>
    %eq3A_826 = vector.broadcast %broadcast_in_dim3A_825 : vector<64x1xf32> to vector<64x4096xf32>
    %eq3A_827 = arith.cmpf oeq, %select_n3A_753, %eq3A_826 : vector<64x4096xf32>
    %jit3A_828 = arith.constant 4.096000e+03 : f32
    %broadcast_in_dim3A_829 = vector.broadcast %jit3A_828 : f32 to vector<64x4096xf32>
    %select_n3A_830 = arith.select %eq3A_827, %convert_element_type3A, %broadcast_in_dim3A_829 : vector<64x4096xi1>, vector<64x4096xf32>
    %reduce_min3A_831 = arith.constant dense<0x7F800000> : vector<64xf32>
    %reduce_min3A_832 = vector.multi_reduction <minimumf>, %select_n3A_830, %reduce_min3A_831 [1] : vector<64x4096xf32> to vector<64xf32>
    %broadcast_in_dim3A_833 = vector.shape_cast %reduce_min3A_832 : vector<64xf32> to vector<64x1xf32>
    %convert_element_type3A_834 = arith.fptosi %broadcast_in_dim3A_833 : vector<64x1xf32> to vector<64x1xi32>
    %swap3A_835 = arith.constant 0 : index
    %swap3A_836 = arith.constant 192 : index
    %swap3A_837 = arith.constant 8 : index
    %swap3A_838 = vector.load %arg4[%swap3A_835, %swap3A_836, %swap3A_837] : memref<1x256x16xi32, #tpu.memory_space<vmem>>, vector<1x64x1xi32>
    %swap3A_839 = vector.shape_cast %swap3A_838 : vector<1x64x1xi32> to vector<64x1xi32>
    %swap3A_840 = vector.shape_cast %convert_element_type3A_834 : vector<64x1xi32> to vector<1x64x1xi32>
    tpu.vector_store %arg4[%swap3A_835, %swap3A_836, %swap3A_837], %swap3A_840 {strides = array<i32>} : memref<1x256x16xi32, #tpu.memory_space<vmem>>, vector<1x64x1xi32>,
    %eq3A_841 = vector.broadcast %broadcast_in_dim3A_833 : vector<64x1xf32> to vector<64x4096xf32>
    %eq3A_842 = arith.cmpf oeq, %select_n3A_830, %eq3A_841 : vector<64x4096xf32>
    %jit3A_843 = arith.constant 0xFF800000 : f32
    %broadcast_in_dim3A_844 = vector.broadcast %jit3A_843 : f32 to vector<64x4096xf32>
    %select_n3A_845 = arith.select %eq3A_842, %broadcast_in_dim3A_844, %select_n3A_753 : vector<64x4096xi1>, vector<64x4096xf32>
    %reduce_max3A_846 = arith.constant dense<0xFF800000> : vector<64xf32>
    %reduce_max3A_847 = vector.multi_reduction <maximumf>, %select_n3A_776, %reduce_max3A_846 [1] : vector<64x4096xf32> to vector<64xf32>
    %broadcast_in_dim3A_848 = vector.shape_cast %reduce_max3A_847 : vector<64xf32> to vector<64x1xf32>
    %eq3A_849 = vector.broadcast %broadcast_in_dim3A_848 : vector<64x1xf32> to vector<64x4096xf32>
    %eq3A_850 = arith.cmpf oeq, %select_n3A_776, %eq3A_849 : vector<64x4096xf32>
    %jit3A_851 = arith.constant 4.096000e+03 : f32
    %broadcast_in_dim3A_852 = vector.broadcast %jit3A_851 : f32 to vector<64x4096xf32>
    %select_n3A_853 = arith.select %eq3A_850, %convert_element_type3A, %broadcast_in_dim3A_852 : vector<64x4096xi1>, vector<64x4096xf32>
    %reduce_min3A_854 = arith.constant dense<0x7F800000> : vector<64xf32>
    %reduce_min3A_855 = vector.multi_reduction <minimumf>, %select_n3A_853, %reduce_min3A_854 [1] : vector<64x4096xf32> to vector<64xf32>
    %broadcast_in_dim3A_856 = vector.shape_cast %reduce_min3A_855 : vector<64xf32> to vector<64x1xf32>
    %convert_element_type3A_857 = arith.fptosi %broadcast_in_dim3A_856 : vector<64x1xf32> to vector<64x1xi32>
    %swap3A_858 = arith.constant 0 : index
    %swap3A_859 = arith.constant 0 : index
    %swap3A_860 = arith.constant 9 : index
    %swap3A_861 = vector.load %arg4[%swap3A_858, %swap3A_859, %swap3A_860] : memref<1x256x16xi32, #tpu.memory_space<vmem>>, vector<1x64x1xi32>
    %swap3A_862 = vector.shape_cast %swap3A_861 : vector<1x64x1xi32> to vector<64x1xi32>
    %swap3A_863 = vector.shape_cast %convert_element_type3A_857 : vector<64x1xi32> to vector<1x64x1xi32>
    tpu.vector_store %arg4[%swap3A_858, %swap3A_859, %swap3A_860], %swap3A_863 {strides = array<i32>} : memref<1x256x16xi32, #tpu.memory_space<vmem>>, vector<1x64x1xi32>,
    %eq3A_864 = vector.broadcast %broadcast_in_dim3A_856 : vector<64x1xf32> to vector<64x4096xf32>
    %eq3A_865 = arith.cmpf oeq, %select_n3A_853, %eq3A_864 : vector<64x4096xf32>
    %jit3A_866 = arith.constant 0xFF800000 : f32
    %broadcast_in_dim3A_867 = vector.broadcast %jit3A_866 : f32 to vector<64x4096xf32>
    %select_n3A_868 = arith.select %eq3A_865, %broadcast_in_dim3A_867, %select_n3A_776 : vector<64x4096xi1>, vector<64x4096xf32>
    %reduce_max3A_869 = arith.constant dense<0xFF800000> : vector<64xf32>
    %reduce_max3A_870 = vector.multi_reduction <maximumf>, %select_n3A_799, %reduce_max3A_869 [1] : vector<64x4096xf32> to vector<64xf32>
    %broadcast_in_dim3A_871 = vector.shape_cast %reduce_max3A_870 : vector<64xf32> to vector<64x1xf32>
    %eq3A_872 = vector.broadcast %broadcast_in_dim3A_871 : vector<64x1xf32> to vector<64x4096xf32>
    %eq3A_873 = arith.cmpf oeq, %select_n3A_799, %eq3A_872 : vector<64x4096xf32>
    %jit3A_874 = arith.constant 4.096000e+03 : f32
    %broadcast_in_dim3A_875 = vector.broadcast %jit3A_874 : f32 to vector<64x4096xf32>
    %select_n3A_876 = arith.select %eq3A_873, %convert_element_type3A, %broadcast_in_dim3A_875 : vector<64x4096xi1>, vector<64x4096xf32>
    %reduce_min3A_877 = arith.constant dense<0x7F800000> : vector<64xf32>
    %reduce_min3A_878 = vector.multi_reduction <minimumf>, %select_n3A_876, %reduce_min3A_877 [1] : vector<64x4096xf32> to vector<64xf32>
    %broadcast_in_dim3A_879 = vector.shape_cast %reduce_min3A_878 : vector<64xf32> to vector<64x1xf32>
    %convert_element_type3A_880 = arith.fptosi %broadcast_in_dim3A_879 : vector<64x1xf32> to vector<64x1xi32>
    %swap3A_881 = arith.constant 0 : index
    %swap3A_882 = arith.constant 64 : index
    %swap3A_883 = arith.constant 9 : index
    %swap3A_884 = vector.load %arg4[%swap3A_881, %swap3A_882, %swap3A_883] : memref<1x256x16xi32, #tpu.memory_space<vmem>>, vector<1x64x1xi32>
    %swap3A_885 = vector.shape_cast %swap3A_884 : vector<1x64x1xi32> to vector<64x1xi32>
    %swap3A_886 = vector.shape_cast %convert_element_type3A_880 : vector<64x1xi32> to vector<1x64x1xi32>
    tpu.vector_store %arg4[%swap3A_881, %swap3A_882, %swap3A_883], %swap3A_886 {strides = array<i32>} : memref<1x256x16xi32, #tpu.memory_space<vmem>>, vector<1x64x1xi32>,
    %eq3A_887 = vector.broadcast %broadcast_in_dim3A_879 : vector<64x1xf32> to vector<64x4096xf32>
    %eq3A_888 = arith.cmpf oeq, %select_n3A_876, %eq3A_887 : vector<64x4096xf32>
    %jit3A_889 = arith.constant 0xFF800000 : f32
    %broadcast_in_dim3A_890 = vector.broadcast %jit3A_889 : f32 to vector<64x4096xf32>
    %select_n3A_891 = arith.select %eq3A_888, %broadcast_in_dim3A_890, %select_n3A_799 : vector<64x4096xi1>, vector<64x4096xf32>
    %reduce_max3A_892 = arith.constant dense<0xFF800000> : vector<64xf32>
    %reduce_max3A_893 = vector.multi_reduction <maximumf>, %select_n3A_822, %reduce_max3A_892 [1] : vector<64x4096xf32> to vector<64xf32>
    %broadcast_in_dim3A_894 = vector.shape_cast %reduce_max3A_893 : vector<64xf32> to vector<64x1xf32>
    %eq3A_895 = vector.broadcast %broadcast_in_dim3A_894 : vector<64x1xf32> to vector<64x4096xf32>
    %eq3A_896 = arith.cmpf oeq, %select_n3A_822, %eq3A_895 : vector<64x4096xf32>
    %jit3A_897 = arith.constant 4.096000e+03 : f32
    %broadcast_in_dim3A_898 = vector.broadcast %jit3A_897 : f32 to vector<64x4096xf32>
    %select_n3A_899 = arith.select %eq3A_896, %convert_element_type3A, %broadcast_in_dim3A_898 : vector<64x4096xi1>, vector<64x4096xf32>
    %reduce_min3A_900 = arith.constant dense<0x7F800000> : vector<64xf32>
    %reduce_min3A_901 = vector.multi_reduction <minimumf>, %select_n3A_899, %reduce_min3A_900 [1] : vector<64x4096xf32> to vector<64xf32>
    %broadcast_in_dim3A_902 = vector.shape_cast %reduce_min3A_901 : vector<64xf32> to vector<64x1xf32>
    %convert_element_type3A_903 = arith.fptosi %broadcast_in_dim3A_902 : vector<64x1xf32> to vector<64x1xi32>
    %swap3A_904 = arith.constant 0 : index
    %swap3A_905 = arith.constant 128 : index
    %swap3A_906 = arith.constant 9 : index
    %swap3A_907 = vector.load %arg4[%swap3A_904, %swap3A_905, %swap3A_906] : memref<1x256x16xi32, #tpu.memory_space<vmem>>, vector<1x64x1xi32>
    %swap3A_908 = vector.shape_cast %swap3A_907 : vector<1x64x1xi32> to vector<64x1xi32>
    %swap3A_909 = vector.shape_cast %convert_element_type3A_903 : vector<64x1xi32> to vector<1x64x1xi32>
    tpu.vector_store %arg4[%swap3A_904, %swap3A_905, %swap3A_906], %swap3A_909 {strides = array<i32>} : memref<1x256x16xi32, #tpu.memory_space<vmem>>, vector<1x64x1xi32>,
    %eq3A_910 = vector.broadcast %broadcast_in_dim3A_902 : vector<64x1xf32> to vector<64x4096xf32>
    %eq3A_911 = arith.cmpf oeq, %select_n3A_899, %eq3A_910 : vector<64x4096xf32>
    %jit3A_912 = arith.constant 0xFF800000 : f32
    %broadcast_in_dim3A_913 = vector.broadcast %jit3A_912 : f32 to vector<64x4096xf32>
    %select_n3A_914 = arith.select %eq3A_911, %broadcast_in_dim3A_913, %select_n3A_822 : vector<64x4096xi1>, vector<64x4096xf32>
    %reduce_max3A_915 = arith.constant dense<0xFF800000> : vector<64xf32>
    %reduce_max3A_916 = vector.multi_reduction <maximumf>, %select_n3A_845, %reduce_max3A_915 [1] : vector<64x4096xf32> to vector<64xf32>
    %broadcast_in_dim3A_917 = vector.shape_cast %reduce_max3A_916 : vector<64xf32> to vector<64x1xf32>
    %eq3A_918 = vector.broadcast %broadcast_in_dim3A_917 : vector<64x1xf32> to vector<64x4096xf32>
    %eq3A_919 = arith.cmpf oeq, %select_n3A_845, %eq3A_918 : vector<64x4096xf32>
    %jit3A_920 = arith.constant 4.096000e+03 : f32
    %broadcast_in_dim3A_921 = vector.broadcast %jit3A_920 : f32 to vector<64x4096xf32>
    %select_n3A_922 = arith.select %eq3A_919, %convert_element_type3A, %broadcast_in_dim3A_921 : vector<64x4096xi1>, vector<64x4096xf32>
    %reduce_min3A_923 = arith.constant dense<0x7F800000> : vector<64xf32>
    %reduce_min3A_924 = vector.multi_reduction <minimumf>, %select_n3A_922, %reduce_min3A_923 [1] : vector<64x4096xf32> to vector<64xf32>
    %broadcast_in_dim3A_925 = vector.shape_cast %reduce_min3A_924 : vector<64xf32> to vector<64x1xf32>
    %convert_element_type3A_926 = arith.fptosi %broadcast_in_dim3A_925 : vector<64x1xf32> to vector<64x1xi32>
    %swap3A_927 = arith.constant 0 : index
    %swap3A_928 = arith.constant 192 : index
    %swap3A_929 = arith.constant 9 : index
    %swap3A_930 = vector.load %arg4[%swap3A_927, %swap3A_928, %swap3A_929] : memref<1x256x16xi32, #tpu.memory_space<vmem>>, vector<1x64x1xi32>
    %swap3A_931 = vector.shape_cast %swap3A_930 : vector<1x64x1xi32> to vector<64x1xi32>
    %swap3A_932 = vector.shape_cast %convert_element_type3A_926 : vector<64x1xi32> to vector<1x64x1xi32>
    tpu.vector_store %arg4[%swap3A_927, %swap3A_928, %swap3A_929], %swap3A_932 {strides = array<i32>} : memref<1x256x16xi32, #tpu.memory_space<vmem>>, vector<1x64x1xi32>,
    %eq3A_933 = vector.broadcast %broadcast_in_dim3A_925 : vector<64x1xf32> to vector<64x4096xf32>
    %eq3A_934 = arith.cmpf oeq, %select_n3A_922, %eq3A_933 : vector<64x4096xf32>
    %jit3A_935 = arith.constant 0xFF800000 : f32
    %broadcast_in_dim3A_936 = vector.broadcast %jit3A_935 : f32 to vector<64x4096xf32>
    %select_n3A_937 = arith.select %eq3A_934, %broadcast_in_dim3A_936, %select_n3A_845 : vector<64x4096xi1>, vector<64x4096xf32>
    %reduce_max3A_938 = arith.constant dense<0xFF800000> : vector<64xf32>
    %reduce_max3A_939 = vector.multi_reduction <maximumf>, %select_n3A_868, %reduce_max3A_938 [1] : vector<64x4096xf32> to vector<64xf32>
    %broadcast_in_dim3A_940 = vector.shape_cast %reduce_max3A_939 : vector<64xf32> to vector<64x1xf32>
    %eq3A_941 = vector.broadcast %broadcast_in_dim3A_940 : vector<64x1xf32> to vector<64x4096xf32>
    %eq3A_942 = arith.cmpf oeq, %select_n3A_868, %eq3A_941 : vector<64x4096xf32>
    %jit3A_943 = arith.constant 4.096000e+03 : f32
    %broadcast_in_dim3A_944 = vector.broadcast %jit3A_943 : f32 to vector<64x4096xf32>
    %select_n3A_945 = arith.select %eq3A_942, %convert_element_type3A, %broadcast_in_dim3A_944 : vector<64x4096xi1>, vector<64x4096xf32>
    %reduce_min3A_946 = arith.constant dense<0x7F800000> : vector<64xf32>
    %reduce_min3A_947 = vector.multi_reduction <minimumf>, %select_n3A_945, %reduce_min3A_946 [1] : vector<64x4096xf32> to vector<64xf32>
    %broadcast_in_dim3A_948 = vector.shape_cast %reduce_min3A_947 : vector<64xf32> to vector<64x1xf32>
    %convert_element_type3A_949 = arith.fptosi %broadcast_in_dim3A_948 : vector<64x1xf32> to vector<64x1xi32>
    %swap3A_950 = arith.constant 0 : index
    %swap3A_951 = arith.constant 0 : index
    %swap3A_952 = arith.constant 10 : index
    %swap3A_953 = vector.load %arg4[%swap3A_950, %swap3A_951, %swap3A_952] : memref<1x256x16xi32, #tpu.memory_space<vmem>>, vector<1x64x1xi32>
    %swap3A_954 = vector.shape_cast %swap3A_953 : vector<1x64x1xi32> to vector<64x1xi32>
    %swap3A_955 = vector.shape_cast %convert_element_type3A_949 : vector<64x1xi32> to vector<1x64x1xi32>
    tpu.vector_store %arg4[%swap3A_950, %swap3A_951, %swap3A_952], %swap3A_955 {strides = array<i32>} : memref<1x256x16xi32, #tpu.memory_space<vmem>>, vector<1x64x1xi32>,
    %eq3A_956 = vector.broadcast %broadcast_in_dim3A_948 : vector<64x1xf32> to vector<64x4096xf32>
    %eq3A_957 = arith.cmpf oeq, %select_n3A_945, %eq3A_956 : vector<64x4096xf32>
    %jit3A_958 = arith.constant 0xFF800000 : f32
    %broadcast_in_dim3A_959 = vector.broadcast %jit3A_958 : f32 to vector<64x4096xf32>
    %select_n3A_960 = arith.select %eq3A_957, %broadcast_in_dim3A_959, %select_n3A_868 : vector<64x4096xi1>, vector<64x4096xf32>
    %reduce_max3A_961 = arith.constant dense<0xFF800000> : vector<64xf32>
    %reduce_max3A_962 = vector.multi_reduction <maximumf>, %select_n3A_891, %reduce_max3A_961 [1] : vector<64x4096xf32> to vector<64xf32>
    %broadcast_in_dim3A_963 = vector.shape_cast %reduce_max3A_962 : vector<64xf32> to vector<64x1xf32>
    %eq3A_964 = vector.broadcast %broadcast_in_dim3A_963 : vector<64x1xf32> to vector<64x4096xf32>
    %eq3A_965 = arith.cmpf oeq, %select_n3A_891, %eq3A_964 : vector<64x4096xf32>
    %jit3A_966 = arith.constant 4.096000e+03 : f32
    %broadcast_in_dim3A_967 = vector.broadcast %jit3A_966 : f32 to vector<64x4096xf32>
    %select_n3A_968 = arith.select %eq3A_965, %convert_element_type3A, %broadcast_in_dim3A_967 : vector<64x4096xi1>, vector<64x4096xf32>
    %reduce_min3A_969 = arith.constant dense<0x7F800000> : vector<64xf32>
    %reduce_min3A_970 = vector.multi_reduction <minimumf>, %select_n3A_968, %reduce_min3A_969 [1] : vector<64x4096xf32> to vector<64xf32>
    %broadcast_in_dim3A_971 = vector.shape_cast %reduce_min3A_970 : vector<64xf32> to vector<64x1xf32>
    %convert_element_type3A_972 = arith.fptosi %broadcast_in_dim3A_971 : vector<64x1xf32> to vector<64x1xi32>
    %swap3A_973 = arith.constant 0 : index
    %swap3A_974 = arith.constant 64 : index
    %swap3A_975 = arith.constant 10 : index
    %swap3A_976 = vector.load %arg4[%swap3A_973, %swap3A_974, %swap3A_975] : memref<1x256x16xi32, #tpu.memory_space<vmem>>, vector<1x64x1xi32>
    %swap3A_977 = vector.shape_cast %swap3A_976 : vector<1x64x1xi32> to vector<64x1xi32>
    %swap3A_978 = vector.shape_cast %convert_element_type3A_972 : vector<64x1xi32> to vector<1x64x1xi32>
    tpu.vector_store %arg4[%swap3A_973, %swap3A_974, %swap3A_975], %swap3A_978 {strides = array<i32>} : memref<1x256x16xi32, #tpu.memory_space<vmem>>, vector<1x64x1xi32>,
    %eq3A_979 = vector.broadcast %broadcast_in_dim3A_971 : vector<64x1xf32> to vector<64x4096xf32>
    %eq3A_980 = arith.cmpf oeq, %select_n3A_968, %eq3A_979 : vector<64x4096xf32>
    %jit3A_981 = arith.constant 0xFF800000 : f32
    %broadcast_in_dim3A_982 = vector.broadcast %jit3A_981 : f32 to vector<64x4096xf32>
    %select_n3A_983 = arith.select %eq3A_980, %broadcast_in_dim3A_982, %select_n3A_891 : vector<64x4096xi1>, vector<64x4096xf32>
    %reduce_max3A_984 = arith.constant dense<0xFF800000> : vector<64xf32>
    %reduce_max3A_985 = vector.multi_reduction <maximumf>, %select_n3A_914, %reduce_max3A_984 [1] : vector<64x4096xf32> to vector<64xf32>
    %broadcast_in_dim3A_986 = vector.shape_cast %reduce_max3A_985 : vector<64xf32> to vector<64x1xf32>
    %eq3A_987 = vector.broadcast %broadcast_in_dim3A_986 : vector<64x1xf32> to vector<64x4096xf32>
    %eq3A_988 = arith.cmpf oeq, %select_n3A_914, %eq3A_987 : vector<64x4096xf32>
    %jit3A_989 = arith.constant 4.096000e+03 : f32
    %broadcast_in_dim3A_990 = vector.broadcast %jit3A_989 : f32 to vector<64x4096xf32>
    %select_n3A_991 = arith.select %eq3A_988, %convert_element_type3A, %broadcast_in_dim3A_990 : vector<64x4096xi1>, vector<64x4096xf32>
    %reduce_min3A_992 = arith.constant dense<0x7F800000> : vector<64xf32>
    %reduce_min3A_993 = vector.multi_reduction <minimumf>, %select_n3A_991, %reduce_min3A_992 [1] : vector<64x4096xf32> to vector<64xf32>
    %broadcast_in_dim3A_994 = vector.shape_cast %reduce_min3A_993 : vector<64xf32> to vector<64x1xf32>
    %convert_element_type3A_995 = arith.fptosi %broadcast_in_dim3A_994 : vector<64x1xf32> to vector<64x1xi32>
    %swap3A_996 = arith.constant 0 : index
    %swap3A_997 = arith.constant 128 : index
    %swap3A_998 = arith.constant 10 : index
    %swap3A_999 = vector.load %arg4[%swap3A_996, %swap3A_997, %swap3A_998] : memref<1x256x16xi32, #tpu.memory_space<vmem>>, vector<1x64x1xi32>
    %swap3A_1000 = vector.shape_cast %swap3A_999 : vector<1x64x1xi32> to vector<64x1xi32>
    %swap3A_1001 = vector.shape_cast %convert_element_type3A_995 : vector<64x1xi32> to vector<1x64x1xi32>
    tpu.vector_store %arg4[%swap3A_996, %swap3A_997, %swap3A_998], %swap3A_1001 {strides = array<i32>} : memref<1x256x16xi32, #tpu.memory_space<vmem>>, vector<1x64x1xi32>,
    %eq3A_1002 = vector.broadcast %broadcast_in_dim3A_994 : vector<64x1xf32> to vector<64x4096xf32>
    %eq3A_1003 = arith.cmpf oeq, %select_n3A_991, %eq3A_1002 : vector<64x4096xf32>
    %jit3A_1004 = arith.constant 0xFF800000 : f32
    %broadcast_in_dim3A_1005 = vector.broadcast %jit3A_1004 : f32 to vector<64x4096xf32>
    %select_n3A_1006 = arith.select %eq3A_1003, %broadcast_in_dim3A_1005, %select_n3A_914 : vector<64x4096xi1>, vector<64x4096xf32>
    %reduce_max3A_1007 = arith.constant dense<0xFF800000> : vector<64xf32>
    %reduce_max3A_1008 = vector.multi_reduction <maximumf>, %select_n3A_937, %reduce_max3A_1007 [1] : vector<64x4096xf32> to vector<64xf32>
    %broadcast_in_dim3A_1009 = vector.shape_cast %reduce_max3A_1008 : vector<64xf32> to vector<64x1xf32>
    %eq3A_1010 = vector.broadcast %broadcast_in_dim3A_1009 : vector<64x1xf32> to vector<64x4096xf32>
    %eq3A_1011 = arith.cmpf oeq, %select_n3A_937, %eq3A_1010 : vector<64x4096xf32>
    %jit3A_1012 = arith.constant 4.096000e+03 : f32
    %broadcast_in_dim3A_1013 = vector.broadcast %jit3A_1012 : f32 to vector<64x4096xf32>
    %select_n3A_1014 = arith.select %eq3A_1011, %convert_element_type3A, %broadcast_in_dim3A_1013 : vector<64x4096xi1>, vector<64x4096xf32>
    %reduce_min3A_1015 = arith.constant dense<0x7F800000> : vector<64xf32>
    %reduce_min3A_1016 = vector.multi_reduction <minimumf>, %select_n3A_1014, %reduce_min3A_1015 [1] : vector<64x4096xf32> to vector<64xf32>
    %broadcast_in_dim3A_1017 = vector.shape_cast %reduce_min3A_1016 : vector<64xf32> to vector<64x1xf32>
    %convert_element_type3A_1018 = arith.fptosi %broadcast_in_dim3A_1017 : vector<64x1xf32> to vector<64x1xi32>
    %swap3A_1019 = arith.constant 0 : index
    %swap3A_1020 = arith.constant 192 : index
    %swap3A_1021 = arith.constant 10 : index
    %swap3A_1022 = vector.load %arg4[%swap3A_1019, %swap3A_1020, %swap3A_1021] : memref<1x256x16xi32, #tpu.memory_space<vmem>>, vector<1x64x1xi32>
    %swap3A_1023 = vector.shape_cast %swap3A_1022 : vector<1x64x1xi32> to vector<64x1xi32>
    %swap3A_1024 = vector.shape_cast %convert_element_type3A_1018 : vector<64x1xi32> to vector<1x64x1xi32>
    tpu.vector_store %arg4[%swap3A_1019, %swap3A_1020, %swap3A_1021], %swap3A_1024 {strides = array<i32>} : memref<1x256x16xi32, #tpu.memory_space<vmem>>, vector<1x64x1xi32>,
    %eq3A_1025 = vector.broadcast %broadcast_in_dim3A_1017 : vector<64x1xf32> to vector<64x4096xf32>
    %eq3A_1026 = arith.cmpf oeq, %select_n3A_1014, %eq3A_1025 : vector<64x4096xf32>
    %jit3A_1027 = arith.constant 0xFF800000 : f32
    %broadcast_in_dim3A_1028 = vector.broadcast %jit3A_1027 : f32 to vector<64x4096xf32>
    %select_n3A_1029 = arith.select %eq3A_1026, %broadcast_in_dim3A_1028, %select_n3A_937 : vector<64x4096xi1>, vector<64x4096xf32>
    %reduce_max3A_1030 = arith.constant dense<0xFF800000> : vector<64xf32>
    %reduce_max3A_1031 = vector.multi_reduction <maximumf>, %select_n3A_960, %reduce_max3A_1030 [1] : vector<64x4096xf32> to vector<64xf32>
    %broadcast_in_dim3A_1032 = vector.shape_cast %reduce_max3A_1031 : vector<64xf32> to vector<64x1xf32>
    %eq3A_1033 = vector.broadcast %broadcast_in_dim3A_1032 : vector<64x1xf32> to vector<64x4096xf32>
    %eq3A_1034 = arith.cmpf oeq, %select_n3A_960, %eq3A_1033 : vector<64x4096xf32>
    %jit3A_1035 = arith.constant 4.096000e+03 : f32
    %broadcast_in_dim3A_1036 = vector.broadcast %jit3A_1035 : f32 to vector<64x4096xf32>
    %select_n3A_1037 = arith.select %eq3A_1034, %convert_element_type3A, %broadcast_in_dim3A_1036 : vector<64x4096xi1>, vector<64x4096xf32>
    %reduce_min3A_1038 = arith.constant dense<0x7F800000> : vector<64xf32>
    %reduce_min3A_1039 = vector.multi_reduction <minimumf>, %select_n3A_1037, %reduce_min3A_1038 [1] : vector<64x4096xf32> to vector<64xf32>
    %broadcast_in_dim3A_1040 = vector.shape_cast %reduce_min3A_1039 : vector<64xf32> to vector<64x1xf32>
    %convert_element_type3A_1041 = arith.fptosi %broadcast_in_dim3A_1040 : vector<64x1xf32> to vector<64x1xi32>
    %swap3A_1042 = arith.constant 0 : index
    %swap3A_1043 = arith.constant 0 : index
    %swap3A_1044 = arith.constant 11 : index
    %swap3A_1045 = vector.load %arg4[%swap3A_1042, %swap3A_1043, %swap3A_1044] : memref<1x256x16xi32, #tpu.memory_space<vmem>>, vector<1x64x1xi32>
    %swap3A_1046 = vector.shape_cast %swap3A_1045 : vector<1x64x1xi32> to vector<64x1xi32>
    %swap3A_1047 = vector.shape_cast %convert_element_type3A_1041 : vector<64x1xi32> to vector<1x64x1xi32>
    tpu.vector_store %arg4[%swap3A_1042, %swap3A_1043, %swap3A_1044], %swap3A_1047 {strides = array<i32>} : memref<1x256x16xi32, #tpu.memory_space<vmem>>, vector<1x64x1xi32>,
    %eq3A_1048 = vector.broadcast %broadcast_in_dim3A_1040 : vector<64x1xf32> to vector<64x4096xf32>
    %eq3A_1049 = arith.cmpf oeq, %select_n3A_1037, %eq3A_1048 : vector<64x4096xf32>
    %jit3A_1050 = arith.constant 0xFF800000 : f32
    %broadcast_in_dim3A_1051 = vector.broadcast %jit3A_1050 : f32 to vector<64x4096xf32>
    %select_n3A_1052 = arith.select %eq3A_1049, %broadcast_in_dim3A_1051, %select_n3A_960 : vector<64x4096xi1>, vector<64x4096xf32>
    %reduce_max3A_1053 = arith.constant dense<0xFF800000> : vector<64xf32>
    %reduce_max3A_1054 = vector.multi_reduction <maximumf>, %select_n3A_983, %reduce_max3A_1053 [1] : vector<64x4096xf32> to vector<64xf32>
    %broadcast_in_dim3A_1055 = vector.shape_cast %reduce_max3A_1054 : vector<64xf32> to vector<64x1xf32>
    %eq3A_1056 = vector.broadcast %broadcast_in_dim3A_1055 : vector<64x1xf32> to vector<64x4096xf32>
    %eq3A_1057 = arith.cmpf oeq, %select_n3A_983, %eq3A_1056 : vector<64x4096xf32>
    %jit3A_1058 = arith.constant 4.096000e+03 : f32
    %broadcast_in_dim3A_1059 = vector.broadcast %jit3A_1058 : f32 to vector<64x4096xf32>
    %select_n3A_1060 = arith.select %eq3A_1057, %convert_element_type3A, %broadcast_in_dim3A_1059 : vector<64x4096xi1>, vector<64x4096xf32>
    %reduce_min3A_1061 = arith.constant dense<0x7F800000> : vector<64xf32>
    %reduce_min3A_1062 = vector.multi_reduction <minimumf>, %select_n3A_1060, %reduce_min3A_1061 [1] : vector<64x4096xf32> to vector<64xf32>
    %broadcast_in_dim3A_1063 = vector.shape_cast %reduce_min3A_1062 : vector<64xf32> to vector<64x1xf32>
    %convert_element_type3A_1064 = arith.fptosi %broadcast_in_dim3A_1063 : vector<64x1xf32> to vector<64x1xi32>
    %swap3A_1065 = arith.constant 0 : index
    %swap3A_1066 = arith.constant 64 : index
    %swap3A_1067 = arith.constant 11 : index
    %swap3A_1068 = vector.load %arg4[%swap3A_1065, %swap3A_1066, %swap3A_1067] : memref<1x256x16xi32, #tpu.memory_space<vmem>>, vector<1x64x1xi32>
    %swap3A_1069 = vector.shape_cast %swap3A_1068 : vector<1x64x1xi32> to vector<64x1xi32>
    %swap3A_1070 = vector.shape_cast %convert_element_type3A_1064 : vector<64x1xi32> to vector<1x64x1xi32>
    tpu.vector_store %arg4[%swap3A_1065, %swap3A_1066, %swap3A_1067], %swap3A_1070 {strides = array<i32>} : memref<1x256x16xi32, #tpu.memory_space<vmem>>, vector<1x64x1xi32>,
    %eq3A_1071 = vector.broadcast %broadcast_in_dim3A_1063 : vector<64x1xf32> to vector<64x4096xf32>
    %eq3A_1072 = arith.cmpf oeq, %select_n3A_1060, %eq3A_1071 : vector<64x4096xf32>
    %jit3A_1073 = arith.constant 0xFF800000 : f32
    %broadcast_in_dim3A_1074 = vector.broadcast %jit3A_1073 : f32 to vector<64x4096xf32>
    %select_n3A_1075 = arith.select %eq3A_1072, %broadcast_in_dim3A_1074, %select_n3A_983 : vector<64x4096xi1>, vector<64x4096xf32>
    %reduce_max3A_1076 = arith.constant dense<0xFF800000> : vector<64xf32>
    %reduce_max3A_1077 = vector.multi_reduction <maximumf>, %select_n3A_1006, %reduce_max3A_1076 [1] : vector<64x4096xf32> to vector<64xf32>
    %broadcast_in_dim3A_1078 = vector.shape_cast %reduce_max3A_1077 : vector<64xf32> to vector<64x1xf32>
    %eq3A_1079 = vector.broadcast %broadcast_in_dim3A_1078 : vector<64x1xf32> to vector<64x4096xf32>
    %eq3A_1080 = arith.cmpf oeq, %select_n3A_1006, %eq3A_1079 : vector<64x4096xf32>
    %jit3A_1081 = arith.constant 4.096000e+03 : f32
    %broadcast_in_dim3A_1082 = vector.broadcast %jit3A_1081 : f32 to vector<64x4096xf32>
    %select_n3A_1083 = arith.select %eq3A_1080, %convert_element_type3A, %broadcast_in_dim3A_1082 : vector<64x4096xi1>, vector<64x4096xf32>
    %reduce_min3A_1084 = arith.constant dense<0x7F800000> : vector<64xf32>
    %reduce_min3A_1085 = vector.multi_reduction <minimumf>, %select_n3A_1083, %reduce_min3A_1084 [1] : vector<64x4096xf32> to vector<64xf32>
    %broadcast_in_dim3A_1086 = vector.shape_cast %reduce_min3A_1085 : vector<64xf32> to vector<64x1xf32>
    %convert_element_type3A_1087 = arith.fptosi %broadcast_in_dim3A_1086 : vector<64x1xf32> to vector<64x1xi32>
    %swap3A_1088 = arith.constant 0 : index
    %swap3A_1089 = arith.constant 128 : index
    %swap3A_1090 = arith.constant 11 : index
    %swap3A_1091 = vector.load %arg4[%swap3A_1088, %swap3A_1089, %swap3A_1090] : memref<1x256x16xi32, #tpu.memory_space<vmem>>, vector<1x64x1xi32>
    %swap3A_1092 = vector.shape_cast %swap3A_1091 : vector<1x64x1xi32> to vector<64x1xi32>
    %swap3A_1093 = vector.shape_cast %convert_element_type3A_1087 : vector<64x1xi32> to vector<1x64x1xi32>
    tpu.vector_store %arg4[%swap3A_1088, %swap3A_1089, %swap3A_1090], %swap3A_1093 {strides = array<i32>} : memref<1x256x16xi32, #tpu.memory_space<vmem>>, vector<1x64x1xi32>,
    %eq3A_1094 = vector.broadcast %broadcast_in_dim3A_1086 : vector<64x1xf32> to vector<64x4096xf32>
    %eq3A_1095 = arith.cmpf oeq, %select_n3A_1083, %eq3A_1094 : vector<64x4096xf32>
    %jit3A_1096 = arith.constant 0xFF800000 : f32
    %broadcast_in_dim3A_1097 = vector.broadcast %jit3A_1096 : f32 to vector<64x4096xf32>
    %select_n3A_1098 = arith.select %eq3A_1095, %broadcast_in_dim3A_1097, %select_n3A_1006 : vector<64x4096xi1>, vector<64x4096xf32>
    %reduce_max3A_1099 = arith.constant dense<0xFF800000> : vector<64xf32>
    %reduce_max3A_1100 = vector.multi_reduction <maximumf>, %select_n3A_1029, %reduce_max3A_1099 [1] : vector<64x4096xf32> to vector<64xf32>
    %broadcast_in_dim3A_1101 = vector.shape_cast %reduce_max3A_1100 : vector<64xf32> to vector<64x1xf32>
    %eq3A_1102 = vector.broadcast %broadcast_in_dim3A_1101 : vector<64x1xf32> to vector<64x4096xf32>
    %eq3A_1103 = arith.cmpf oeq, %select_n3A_1029, %eq3A_1102 : vector<64x4096xf32>
    %jit3A_1104 = arith.constant 4.096000e+03 : f32
    %broadcast_in_dim3A_1105 = vector.broadcast %jit3A_1104 : f32 to vector<64x4096xf32>
    %select_n3A_1106 = arith.select %eq3A_1103, %convert_element_type3A, %broadcast_in_dim3A_1105 : vector<64x4096xi1>, vector<64x4096xf32>
    %reduce_min3A_1107 = arith.constant dense<0x7F800000> : vector<64xf32>
    %reduce_min3A_1108 = vector.multi_reduction <minimumf>, %select_n3A_1106, %reduce_min3A_1107 [1] : vector<64x4096xf32> to vector<64xf32>
    %broadcast_in_dim3A_1109 = vector.shape_cast %reduce_min3A_1108 : vector<64xf32> to vector<64x1xf32>
    %convert_element_type3A_1110 = arith.fptosi %broadcast_in_dim3A_1109 : vector<64x1xf32> to vector<64x1xi32>
    %swap3A_1111 = arith.constant 0 : index
    %swap3A_1112 = arith.constant 192 : index
    %swap3A_1113 = arith.constant 11 : index
    %swap3A_1114 = vector.load %arg4[%swap3A_1111, %swap3A_1112, %swap3A_1113] : memref<1x256x16xi32, #tpu.memory_space<vmem>>, vector<1x64x1xi32>
    %swap3A_1115 = vector.shape_cast %swap3A_1114 : vector<1x64x1xi32> to vector<64x1xi32>
    %swap3A_1116 = vector.shape_cast %convert_element_type3A_1110 : vector<64x1xi32> to vector<1x64x1xi32>
    tpu.vector_store %arg4[%swap3A_1111, %swap3A_1112, %swap3A_1113], %swap3A_1116 {strides = array<i32>} : memref<1x256x16xi32, #tpu.memory_space<vmem>>, vector<1x64x1xi32>,
    %eq3A_1117 = vector.broadcast %broadcast_in_dim3A_1109 : vector<64x1xf32> to vector<64x4096xf32>
    %eq3A_1118 = arith.cmpf oeq, %select_n3A_1106, %eq3A_1117 : vector<64x4096xf32>
    %jit3A_1119 = arith.constant 0xFF800000 : f32
    %broadcast_in_dim3A_1120 = vector.broadcast %jit3A_1119 : f32 to vector<64x4096xf32>
    %select_n3A_1121 = arith.select %eq3A_1118, %broadcast_in_dim3A_1120, %select_n3A_1029 : vector<64x4096xi1>, vector<64x4096xf32>
    %reduce_max3A_1122 = arith.constant dense<0xFF800000> : vector<64xf32>
    %reduce_max3A_1123 = vector.multi_reduction <maximumf>, %select_n3A_1052, %reduce_max3A_1122 [1] : vector<64x4096xf32> to vector<64xf32>
    %broadcast_in_dim3A_1124 = vector.shape_cast %reduce_max3A_1123 : vector<64xf32> to vector<64x1xf32>
    %eq3A_1125 = vector.broadcast %broadcast_in_dim3A_1124 : vector<64x1xf32> to vector<64x4096xf32>
    %eq3A_1126 = arith.cmpf oeq, %select_n3A_1052, %eq3A_1125 : vector<64x4096xf32>
    %jit3A_1127 = arith.constant 4.096000e+03 : f32
    %broadcast_in_dim3A_1128 = vector.broadcast %jit3A_1127 : f32 to vector<64x4096xf32>
    %select_n3A_1129 = arith.select %eq3A_1126, %convert_element_type3A, %broadcast_in_dim3A_1128 : vector<64x4096xi1>, vector<64x4096xf32>
    %reduce_min3A_1130 = arith.constant dense<0x7F800000> : vector<64xf32>
    %reduce_min3A_1131 = vector.multi_reduction <minimumf>, %select_n3A_1129, %reduce_min3A_1130 [1] : vector<64x4096xf32> to vector<64xf32>
    %broadcast_in_dim3A_1132 = vector.shape_cast %reduce_min3A_1131 : vector<64xf32> to vector<64x1xf32>
    %convert_element_type3A_1133 = arith.fptosi %broadcast_in_dim3A_1132 : vector<64x1xf32> to vector<64x1xi32>
    %swap3A_1134 = arith.constant 0 : index
    %swap3A_1135 = arith.constant 0 : index
    %swap3A_1136 = arith.constant 12 : index
    %swap3A_1137 = vector.load %arg4[%swap3A_1134, %swap3A_1135, %swap3A_1136] : memref<1x256x16xi32, #tpu.memory_space<vmem>>, vector<1x64x1xi32>
    %swap3A_1138 = vector.shape_cast %swap3A_1137 : vector<1x64x1xi32> to vector<64x1xi32>
    %swap3A_1139 = vector.shape_cast %convert_element_type3A_1133 : vector<64x1xi32> to vector<1x64x1xi32>
    tpu.vector_store %arg4[%swap3A_1134, %swap3A_1135, %swap3A_1136], %swap3A_1139 {strides = array<i32>} : memref<1x256x16xi32, #tpu.memory_space<vmem>>, vector<1x64x1xi32>,
    %eq3A_1140 = vector.broadcast %broadcast_in_dim3A_1132 : vector<64x1xf32> to vector<64x4096xf32>
    %eq3A_1141 = arith.cmpf oeq, %select_n3A_1129, %eq3A_1140 : vector<64x4096xf32>
    %jit3A_1142 = arith.constant 0xFF800000 : f32
    %broadcast_in_dim3A_1143 = vector.broadcast %jit3A_1142 : f32 to vector<64x4096xf32>
    %select_n3A_1144 = arith.select %eq3A_1141, %broadcast_in_dim3A_1143, %select_n3A_1052 : vector<64x4096xi1>, vector<64x4096xf32>
    %reduce_max3A_1145 = arith.constant dense<0xFF800000> : vector<64xf32>
    %reduce_max3A_1146 = vector.multi_reduction <maximumf>, %select_n3A_1075, %reduce_max3A_1145 [1] : vector<64x4096xf32> to vector<64xf32>
    %broadcast_in_dim3A_1147 = vector.shape_cast %reduce_max3A_1146 : vector<64xf32> to vector<64x1xf32>
    %eq3A_1148 = vector.broadcast %broadcast_in_dim3A_1147 : vector<64x1xf32> to vector<64x4096xf32>
    %eq3A_1149 = arith.cmpf oeq, %select_n3A_1075, %eq3A_1148 : vector<64x4096xf32>
    %jit3A_1150 = arith.constant 4.096000e+03 : f32
    %broadcast_in_dim3A_1151 = vector.broadcast %jit3A_1150 : f32 to vector<64x4096xf32>
    %select_n3A_1152 = arith.select %eq3A_1149, %convert_element_type3A, %broadcast_in_dim3A_1151 : vector<64x4096xi1>, vector<64x4096xf32>
    %reduce_min3A_1153 = arith.constant dense<0x7F800000> : vector<64xf32>
    %reduce_min3A_1154 = vector.multi_reduction <minimumf>, %select_n3A_1152, %reduce_min3A_1153 [1] : vector<64x4096xf32> to vector<64xf32>
    %broadcast_in_dim3A_1155 = vector.shape_cast %reduce_min3A_1154 : vector<64xf32> to vector<64x1xf32>
    %convert_element_type3A_1156 = arith.fptosi %broadcast_in_dim3A_1155 : vector<64x1xf32> to vector<64x1xi32>
    %swap3A_1157 = arith.constant 0 : index
    %swap3A_1158 = arith.constant 64 : index
    %swap3A_1159 = arith.constant 12 : index
    %swap3A_1160 = vector.load %arg4[%swap3A_1157, %swap3A_1158, %swap3A_1159] : memref<1x256x16xi32, #tpu.memory_space<vmem>>, vector<1x64x1xi32>
    %swap3A_1161 = vector.shape_cast %swap3A_1160 : vector<1x64x1xi32> to vector<64x1xi32>
    %swap3A_1162 = vector.shape_cast %convert_element_type3A_1156 : vector<64x1xi32> to vector<1x64x1xi32>
    tpu.vector_store %arg4[%swap3A_1157, %swap3A_1158, %swap3A_1159], %swap3A_1162 {strides = array<i32>} : memref<1x256x16xi32, #tpu.memory_space<vmem>>, vector<1x64x1xi32>,
    %eq3A_1163 = vector.broadcast %broadcast_in_dim3A_1155 : vector<64x1xf32> to vector<64x4096xf32>
    %eq3A_1164 = arith.cmpf oeq, %select_n3A_1152, %eq3A_1163 : vector<64x4096xf32>
    %jit3A_1165 = arith.constant 0xFF800000 : f32
    %broadcast_in_dim3A_1166 = vector.broadcast %jit3A_1165 : f32 to vector<64x4096xf32>
    %select_n3A_1167 = arith.select %eq3A_1164, %broadcast_in_dim3A_1166, %select_n3A_1075 : vector<64x4096xi1>, vector<64x4096xf32>
    %reduce_max3A_1168 = arith.constant dense<0xFF800000> : vector<64xf32>
    %reduce_max3A_1169 = vector.multi_reduction <maximumf>, %select_n3A_1098, %reduce_max3A_1168 [1] : vector<64x4096xf32> to vector<64xf32>
    %broadcast_in_dim3A_1170 = vector.shape_cast %reduce_max3A_1169 : vector<64xf32> to vector<64x1xf32>
    %eq3A_1171 = vector.broadcast %broadcast_in_dim3A_1170 : vector<64x1xf32> to vector<64x4096xf32>
    %eq3A_1172 = arith.cmpf oeq, %select_n3A_1098, %eq3A_1171 : vector<64x4096xf32>
    %jit3A_1173 = arith.constant 4.096000e+03 : f32
    %broadcast_in_dim3A_1174 = vector.broadcast %jit3A_1173 : f32 to vector<64x4096xf32>
    %select_n3A_1175 = arith.select %eq3A_1172, %convert_element_type3A, %broadcast_in_dim3A_1174 : vector<64x4096xi1>, vector<64x4096xf32>
    %reduce_min3A_1176 = arith.constant dense<0x7F800000> : vector<64xf32>
    %reduce_min3A_1177 = vector.multi_reduction <minimumf>, %select_n3A_1175, %reduce_min3A_1176 [1] : vector<64x4096xf32> to vector<64xf32>
    %broadcast_in_dim3A_1178 = vector.shape_cast %reduce_min3A_1177 : vector<64xf32> to vector<64x1xf32>
    %convert_element_type3A_1179 = arith.fptosi %broadcast_in_dim3A_1178 : vector<64x1xf32> to vector<64x1xi32>
    %swap3A_1180 = arith.constant 0 : index
    %swap3A_1181 = arith.constant 128 : index
    %swap3A_1182 = arith.constant 12 : index
    %swap3A_1183 = vector.load %arg4[%swap3A_1180, %swap3A_1181, %swap3A_1182] : memref<1x256x16xi32, #tpu.memory_space<vmem>>, vector<1x64x1xi32>
    %swap3A_1184 = vector.shape_cast %swap3A_1183 : vector<1x64x1xi32> to vector<64x1xi32>
    %swap3A_1185 = vector.shape_cast %convert_element_type3A_1179 : vector<64x1xi32> to vector<1x64x1xi32>
    tpu.vector_store %arg4[%swap3A_1180, %swap3A_1181, %swap3A_1182], %swap3A_1185 {strides = array<i32>} : memref<1x256x16xi32, #tpu.memory_space<vmem>>, vector<1x64x1xi32>,
    %eq3A_1186 = vector.broadcast %broadcast_in_dim3A_1178 : vector<64x1xf32> to vector<64x4096xf32>
    %eq3A_1187 = arith.cmpf oeq, %select_n3A_1175, %eq3A_1186 : vector<64x4096xf32>
    %jit3A_1188 = arith.constant 0xFF800000 : f32
    %broadcast_in_dim3A_1189 = vector.broadcast %jit3A_1188 : f32 to vector<64x4096xf32>
    %select_n3A_1190 = arith.select %eq3A_1187, %broadcast_in_dim3A_1189, %select_n3A_1098 : vector<64x4096xi1>, vector<64x4096xf32>
    %reduce_max3A_1191 = arith.constant dense<0xFF800000> : vector<64xf32>
    %reduce_max3A_1192 = vector.multi_reduction <maximumf>, %select_n3A_1121, %reduce_max3A_1191 [1] : vector<64x4096xf32> to vector<64xf32>
    %broadcast_in_dim3A_1193 = vector.shape_cast %reduce_max3A_1192 : vector<64xf32> to vector<64x1xf32>
    %eq3A_1194 = vector.broadcast %broadcast_in_dim3A_1193 : vector<64x1xf32> to vector<64x4096xf32>
    %eq3A_1195 = arith.cmpf oeq, %select_n3A_1121, %eq3A_1194 : vector<64x4096xf32>
    %jit3A_1196 = arith.constant 4.096000e+03 : f32
    %broadcast_in_dim3A_1197 = vector.broadcast %jit3A_1196 : f32 to vector<64x4096xf32>
    %select_n3A_1198 = arith.select %eq3A_1195, %convert_element_type3A, %broadcast_in_dim3A_1197 : vector<64x4096xi1>, vector<64x4096xf32>
    %reduce_min3A_1199 = arith.constant dense<0x7F800000> : vector<64xf32>
    %reduce_min3A_1200 = vector.multi_reduction <minimumf>, %select_n3A_1198, %reduce_min3A_1199 [1] : vector<64x4096xf32> to vector<64xf32>
    %broadcast_in_dim3A_1201 = vector.shape_cast %reduce_min3A_1200 : vector<64xf32> to vector<64x1xf32>
    %convert_element_type3A_1202 = arith.fptosi %broadcast_in_dim3A_1201 : vector<64x1xf32> to vector<64x1xi32>
    %swap3A_1203 = arith.constant 0 : index
    %swap3A_1204 = arith.constant 192 : index
    %swap3A_1205 = arith.constant 12 : index
    %swap3A_1206 = vector.load %arg4[%swap3A_1203, %swap3A_1204, %swap3A_1205] : memref<1x256x16xi32, #tpu.memory_space<vmem>>, vector<1x64x1xi32>
    %swap3A_1207 = vector.shape_cast %swap3A_1206 : vector<1x64x1xi32> to vector<64x1xi32>
    %swap3A_1208 = vector.shape_cast %convert_element_type3A_1202 : vector<64x1xi32> to vector<1x64x1xi32>
    tpu.vector_store %arg4[%swap3A_1203, %swap3A_1204, %swap3A_1205], %swap3A_1208 {strides = array<i32>} : memref<1x256x16xi32, #tpu.memory_space<vmem>>, vector<1x64x1xi32>,
    %eq3A_1209 = vector.broadcast %broadcast_in_dim3A_1201 : vector<64x1xf32> to vector<64x4096xf32>
    %eq3A_1210 = arith.cmpf oeq, %select_n3A_1198, %eq3A_1209 : vector<64x4096xf32>
    %jit3A_1211 = arith.constant 0xFF800000 : f32
    %broadcast_in_dim3A_1212 = vector.broadcast %jit3A_1211 : f32 to vector<64x4096xf32>
    %select_n3A_1213 = arith.select %eq3A_1210, %broadcast_in_dim3A_1212, %select_n3A_1121 : vector<64x4096xi1>, vector<64x4096xf32>
    %reduce_max3A_1214 = arith.constant dense<0xFF800000> : vector<64xf32>
    %reduce_max3A_1215 = vector.multi_reduction <maximumf>, %select_n3A_1144, %reduce_max3A_1214 [1] : vector<64x4096xf32> to vector<64xf32>
    %broadcast_in_dim3A_1216 = vector.shape_cast %reduce_max3A_1215 : vector<64xf32> to vector<64x1xf32>
    %eq3A_1217 = vector.broadcast %broadcast_in_dim3A_1216 : vector<64x1xf32> to vector<64x4096xf32>
    %eq3A_1218 = arith.cmpf oeq, %select_n3A_1144, %eq3A_1217 : vector<64x4096xf32>
    %jit3A_1219 = arith.constant 4.096000e+03 : f32
    %broadcast_in_dim3A_1220 = vector.broadcast %jit3A_1219 : f32 to vector<64x4096xf32>
    %select_n3A_1221 = arith.select %eq3A_1218, %convert_element_type3A, %broadcast_in_dim3A_1220 : vector<64x4096xi1>, vector<64x4096xf32>
    %reduce_min3A_1222 = arith.constant dense<0x7F800000> : vector<64xf32>
    %reduce_min3A_1223 = vector.multi_reduction <minimumf>, %select_n3A_1221, %reduce_min3A_1222 [1] : vector<64x4096xf32> to vector<64xf32>
    %broadcast_in_dim3A_1224 = vector.shape_cast %reduce_min3A_1223 : vector<64xf32> to vector<64x1xf32>
    %convert_element_type3A_1225 = arith.fptosi %broadcast_in_dim3A_1224 : vector<64x1xf32> to vector<64x1xi32>
    %swap3A_1226 = arith.constant 0 : index
    %swap3A_1227 = arith.constant 0 : index
    %swap3A_1228 = arith.constant 13 : index
    %swap3A_1229 = vector.load %arg4[%swap3A_1226, %swap3A_1227, %swap3A_1228] : memref<1x256x16xi32, #tpu.memory_space<vmem>>, vector<1x64x1xi32>
    %swap3A_1230 = vector.shape_cast %swap3A_1229 : vector<1x64x1xi32> to vector<64x1xi32>
    %swap3A_1231 = vector.shape_cast %convert_element_type3A_1225 : vector<64x1xi32> to vector<1x64x1xi32>
    tpu.vector_store %arg4[%swap3A_1226, %swap3A_1227, %swap3A_1228], %swap3A_1231 {strides = array<i32>} : memref<1x256x16xi32, #tpu.memory_space<vmem>>, vector<1x64x1xi32>,
    %eq3A_1232 = vector.broadcast %broadcast_in_dim3A_1224 : vector<64x1xf32> to vector<64x4096xf32>
    %eq3A_1233 = arith.cmpf oeq, %select_n3A_1221, %eq3A_1232 : vector<64x4096xf32>
    %jit3A_1234 = arith.constant 0xFF800000 : f32
    %broadcast_in_dim3A_1235 = vector.broadcast %jit3A_1234 : f32 to vector<64x4096xf32>
    %select_n3A_1236 = arith.select %eq3A_1233, %broadcast_in_dim3A_1235, %select_n3A_1144 : vector<64x4096xi1>, vector<64x4096xf32>
    %reduce_max3A_1237 = arith.constant dense<0xFF800000> : vector<64xf32>
    %reduce_max3A_1238 = vector.multi_reduction <maximumf>, %select_n3A_1167, %reduce_max3A_1237 [1] : vector<64x4096xf32> to vector<64xf32>
    %broadcast_in_dim3A_1239 = vector.shape_cast %reduce_max3A_1238 : vector<64xf32> to vector<64x1xf32>
    %eq3A_1240 = vector.broadcast %broadcast_in_dim3A_1239 : vector<64x1xf32> to vector<64x4096xf32>
    %eq3A_1241 = arith.cmpf oeq, %select_n3A_1167, %eq3A_1240 : vector<64x4096xf32>
    %jit3A_1242 = arith.constant 4.096000e+03 : f32
    %broadcast_in_dim3A_1243 = vector.broadcast %jit3A_1242 : f32 to vector<64x4096xf32>
    %select_n3A_1244 = arith.select %eq3A_1241, %convert_element_type3A, %broadcast_in_dim3A_1243 : vector<64x4096xi1>, vector<64x4096xf32>
    %reduce_min3A_1245 = arith.constant dense<0x7F800000> : vector<64xf32>
    %reduce_min3A_1246 = vector.multi_reduction <minimumf>, %select_n3A_1244, %reduce_min3A_1245 [1] : vector<64x4096xf32> to vector<64xf32>
    %broadcast_in_dim3A_1247 = vector.shape_cast %reduce_min3A_1246 : vector<64xf32> to vector<64x1xf32>
    %convert_element_type3A_1248 = arith.fptosi %broadcast_in_dim3A_1247 : vector<64x1xf32> to vector<64x1xi32>
    %swap3A_1249 = arith.constant 0 : index
    %swap3A_1250 = arith.constant 64 : index
    %swap3A_1251 = arith.constant 13 : index
    %swap3A_1252 = vector.load %arg4[%swap3A_1249, %swap3A_1250, %swap3A_1251] : memref<1x256x16xi32, #tpu.memory_space<vmem>>, vector<1x64x1xi32>
    %swap3A_1253 = vector.shape_cast %swap3A_1252 : vector<1x64x1xi32> to vector<64x1xi32>
    %swap3A_1254 = vector.shape_cast %convert_element_type3A_1248 : vector<64x1xi32> to vector<1x64x1xi32>
    tpu.vector_store %arg4[%swap3A_1249, %swap3A_1250, %swap3A_1251], %swap3A_1254 {strides = array<i32>} : memref<1x256x16xi32, #tpu.memory_space<vmem>>, vector<1x64x1xi32>,
    %eq3A_1255 = vector.broadcast %broadcast_in_dim3A_1247 : vector<64x1xf32> to vector<64x4096xf32>
    %eq3A_1256 = arith.cmpf oeq, %select_n3A_1244, %eq3A_1255 : vector<64x4096xf32>
    %jit3A_1257 = arith.constant 0xFF800000 : f32
    %broadcast_in_dim3A_1258 = vector.broadcast %jit3A_1257 : f32 to vector<64x4096xf32>
    %select_n3A_1259 = arith.select %eq3A_1256, %broadcast_in_dim3A_1258, %select_n3A_1167 : vector<64x4096xi1>, vector<64x4096xf32>
    %reduce_max3A_1260 = arith.constant dense<0xFF800000> : vector<64xf32>
    %reduce_max3A_1261 = vector.multi_reduction <maximumf>, %select_n3A_1190, %reduce_max3A_1260 [1] : vector<64x4096xf32> to vector<64xf32>
    %broadcast_in_dim3A_1262 = vector.shape_cast %reduce_max3A_1261 : vector<64xf32> to vector<64x1xf32>
    %eq3A_1263 = vector.broadcast %broadcast_in_dim3A_1262 : vector<64x1xf32> to vector<64x4096xf32>
    %eq3A_1264 = arith.cmpf oeq, %select_n3A_1190, %eq3A_1263 : vector<64x4096xf32>
    %jit3A_1265 = arith.constant 4.096000e+03 : f32
    %broadcast_in_dim3A_1266 = vector.broadcast %jit3A_1265 : f32 to vector<64x4096xf32>
    %select_n3A_1267 = arith.select %eq3A_1264, %convert_element_type3A, %broadcast_in_dim3A_1266 : vector<64x4096xi1>, vector<64x4096xf32>
    %reduce_min3A_1268 = arith.constant dense<0x7F800000> : vector<64xf32>
    %reduce_min3A_1269 = vector.multi_reduction <minimumf>, %select_n3A_1267, %reduce_min3A_1268 [1] : vector<64x4096xf32> to vector<64xf32>
    %broadcast_in_dim3A_1270 = vector.shape_cast %reduce_min3A_1269 : vector<64xf32> to vector<64x1xf32>
    %convert_element_type3A_1271 = arith.fptosi %broadcast_in_dim3A_1270 : vector<64x1xf32> to vector<64x1xi32>
    %swap3A_1272 = arith.constant 0 : index
    %swap3A_1273 = arith.constant 128 : index
    %swap3A_1274 = arith.constant 13 : index
    %swap3A_1275 = vector.load %arg4[%swap3A_1272, %swap3A_1273, %swap3A_1274] : memref<1x256x16xi32, #tpu.memory_space<vmem>>, vector<1x64x1xi32>
    %swap3A_1276 = vector.shape_cast %swap3A_1275 : vector<1x64x1xi32> to vector<64x1xi32>
    %swap3A_1277 = vector.shape_cast %convert_element_type3A_1271 : vector<64x1xi32> to vector<1x64x1xi32>
    tpu.vector_store %arg4[%swap3A_1272, %swap3A_1273, %swap3A_1274], %swap3A_1277 {strides = array<i32>} : memref<1x256x16xi32, #tpu.memory_space<vmem>>, vector<1x64x1xi32>,
    %eq3A_1278 = vector.broadcast %broadcast_in_dim3A_1270 : vector<64x1xf32> to vector<64x4096xf32>
    %eq3A_1279 = arith.cmpf oeq, %select_n3A_1267, %eq3A_1278 : vector<64x4096xf32>
    %jit3A_1280 = arith.constant 0xFF800000 : f32
    %broadcast_in_dim3A_1281 = vector.broadcast %jit3A_1280 : f32 to vector<64x4096xf32>
    %select_n3A_1282 = arith.select %eq3A_1279, %broadcast_in_dim3A_1281, %select_n3A_1190 : vector<64x4096xi1>, vector<64x4096xf32>
    %reduce_max3A_1283 = arith.constant dense<0xFF800000> : vector<64xf32>
    %reduce_max3A_1284 = vector.multi_reduction <maximumf>, %select_n3A_1213, %reduce_max3A_1283 [1] : vector<64x4096xf32> to vector<64xf32>
    %broadcast_in_dim3A_1285 = vector.shape_cast %reduce_max3A_1284 : vector<64xf32> to vector<64x1xf32>
    %eq3A_1286 = vector.broadcast %broadcast_in_dim3A_1285 : vector<64x1xf32> to vector<64x4096xf32>
    %eq3A_1287 = arith.cmpf oeq, %select_n3A_1213, %eq3A_1286 : vector<64x4096xf32>
    %jit3A_1288 = arith.constant 4.096000e+03 : f32
    %broadcast_in_dim3A_1289 = vector.broadcast %jit3A_1288 : f32 to vector<64x4096xf32>
    %select_n3A_1290 = arith.select %eq3A_1287, %convert_element_type3A, %broadcast_in_dim3A_1289 : vector<64x4096xi1>, vector<64x4096xf32>
    %reduce_min3A_1291 = arith.constant dense<0x7F800000> : vector<64xf32>
    %reduce_min3A_1292 = vector.multi_reduction <minimumf>, %select_n3A_1290, %reduce_min3A_1291 [1] : vector<64x4096xf32> to vector<64xf32>
    %broadcast_in_dim3A_1293 = vector.shape_cast %reduce_min3A_1292 : vector<64xf32> to vector<64x1xf32>
    %convert_element_type3A_1294 = arith.fptosi %broadcast_in_dim3A_1293 : vector<64x1xf32> to vector<64x1xi32>
    %swap3A_1295 = arith.constant 0 : index
    %swap3A_1296 = arith.constant 192 : index
    %swap3A_1297 = arith.constant 13 : index
    %swap3A_1298 = vector.load %arg4[%swap3A_1295, %swap3A_1296, %swap3A_1297] : memref<1x256x16xi32, #tpu.memory_space<vmem>>, vector<1x64x1xi32>
    %swap3A_1299 = vector.shape_cast %swap3A_1298 : vector<1x64x1xi32> to vector<64x1xi32>
    %swap3A_1300 = vector.shape_cast %convert_element_type3A_1294 : vector<64x1xi32> to vector<1x64x1xi32>
    tpu.vector_store %arg4[%swap3A_1295, %swap3A_1296, %swap3A_1297], %swap3A_1300 {strides = array<i32>} : memref<1x256x16xi32, #tpu.memory_space<vmem>>, vector<1x64x1xi32>,
    %eq3A_1301 = vector.broadcast %broadcast_in_dim3A_1293 : vector<64x1xf32> to vector<64x4096xf32>
    %eq3A_1302 = arith.cmpf oeq, %select_n3A_1290, %eq3A_1301 : vector<64x4096xf32>
    %jit3A_1303 = arith.constant 0xFF800000 : f32
    %broadcast_in_dim3A_1304 = vector.broadcast %jit3A_1303 : f32 to vector<64x4096xf32>
    %select_n3A_1305 = arith.select %eq3A_1302, %broadcast_in_dim3A_1304, %select_n3A_1213 : vector<64x4096xi1>, vector<64x4096xf32>
    %reduce_max3A_1306 = arith.constant dense<0xFF800000> : vector<64xf32>
    %reduce_max3A_1307 = vector.multi_reduction <maximumf>, %select_n3A_1236, %reduce_max3A_1306 [1] : vector<64x4096xf32> to vector<64xf32>
    %broadcast_in_dim3A_1308 = vector.shape_cast %reduce_max3A_1307 : vector<64xf32> to vector<64x1xf32>
    %eq3A_1309 = vector.broadcast %broadcast_in_dim3A_1308 : vector<64x1xf32> to vector<64x4096xf32>
    %eq3A_1310 = arith.cmpf oeq, %select_n3A_1236, %eq3A_1309 : vector<64x4096xf32>
    %jit3A_1311 = arith.constant 4.096000e+03 : f32
    %broadcast_in_dim3A_1312 = vector.broadcast %jit3A_1311 : f32 to vector<64x4096xf32>
    %select_n3A_1313 = arith.select %eq3A_1310, %convert_element_type3A, %broadcast_in_dim3A_1312 : vector<64x4096xi1>, vector<64x4096xf32>
    %reduce_min3A_1314 = arith.constant dense<0x7F800000> : vector<64xf32>
    %reduce_min3A_1315 = vector.multi_reduction <minimumf>, %select_n3A_1313, %reduce_min3A_1314 [1] : vector<64x4096xf32> to vector<64xf32>
    %broadcast_in_dim3A_1316 = vector.shape_cast %reduce_min3A_1315 : vector<64xf32> to vector<64x1xf32>
    %convert_element_type3A_1317 = arith.fptosi %broadcast_in_dim3A_1316 : vector<64x1xf32> to vector<64x1xi32>
    %swap3A_1318 = arith.constant 0 : index
    %swap3A_1319 = arith.constant 0 : index
    %swap3A_1320 = arith.constant 14 : index
    %swap3A_1321 = vector.load %arg4[%swap3A_1318, %swap3A_1319, %swap3A_1320] : memref<1x256x16xi32, #tpu.memory_space<vmem>>, vector<1x64x1xi32>
    %swap3A_1322 = vector.shape_cast %swap3A_1321 : vector<1x64x1xi32> to vector<64x1xi32>
    %swap3A_1323 = vector.shape_cast %convert_element_type3A_1317 : vector<64x1xi32> to vector<1x64x1xi32>
    tpu.vector_store %arg4[%swap3A_1318, %swap3A_1319, %swap3A_1320], %swap3A_1323 {strides = array<i32>} : memref<1x256x16xi32, #tpu.memory_space<vmem>>, vector<1x64x1xi32>,
    %eq3A_1324 = vector.broadcast %broadcast_in_dim3A_1316 : vector<64x1xf32> to vector<64x4096xf32>
    %eq3A_1325 = arith.cmpf oeq, %select_n3A_1313, %eq3A_1324 : vector<64x4096xf32>
    %jit3A_1326 = arith.constant 0xFF800000 : f32
    %broadcast_in_dim3A_1327 = vector.broadcast %jit3A_1326 : f32 to vector<64x4096xf32>
    %select_n3A_1328 = arith.select %eq3A_1325, %broadcast_in_dim3A_1327, %select_n3A_1236 : vector<64x4096xi1>, vector<64x4096xf32>
    %reduce_max3A_1329 = arith.constant dense<0xFF800000> : vector<64xf32>
    %reduce_max3A_1330 = vector.multi_reduction <maximumf>, %select_n3A_1259, %reduce_max3A_1329 [1] : vector<64x4096xf32> to vector<64xf32>
    %broadcast_in_dim3A_1331 = vector.shape_cast %reduce_max3A_1330 : vector<64xf32> to vector<64x1xf32>
    %eq3A_1332 = vector.broadcast %broadcast_in_dim3A_1331 : vector<64x1xf32> to vector<64x4096xf32>
    %eq3A_1333 = arith.cmpf oeq, %select_n3A_1259, %eq3A_1332 : vector<64x4096xf32>
    %jit3A_1334 = arith.constant 4.096000e+03 : f32
    %broadcast_in_dim3A_1335 = vector.broadcast %jit3A_1334 : f32 to vector<64x4096xf32>
    %select_n3A_1336 = arith.select %eq3A_1333, %convert_element_type3A, %broadcast_in_dim3A_1335 : vector<64x4096xi1>, vector<64x4096xf32>
    %reduce_min3A_1337 = arith.constant dense<0x7F800000> : vector<64xf32>
    %reduce_min3A_1338 = vector.multi_reduction <minimumf>, %select_n3A_1336, %reduce_min3A_1337 [1] : vector<64x4096xf32> to vector<64xf32>
    %broadcast_in_dim3A_1339 = vector.shape_cast %reduce_min3A_1338 : vector<64xf32> to vector<64x1xf32>
    %convert_element_type3A_1340 = arith.fptosi %broadcast_in_dim3A_1339 : vector<64x1xf32> to vector<64x1xi32>
    %swap3A_1341 = arith.constant 0 : index
    %swap3A_1342 = arith.constant 64 : index
    %swap3A_1343 = arith.constant 14 : index
    %swap3A_1344 = vector.load %arg4[%swap3A_1341, %swap3A_1342, %swap3A_1343] : memref<1x256x16xi32, #tpu.memory_space<vmem>>, vector<1x64x1xi32>
    %swap3A_1345 = vector.shape_cast %swap3A_1344 : vector<1x64x1xi32> to vector<64x1xi32>
    %swap3A_1346 = vector.shape_cast %convert_element_type3A_1340 : vector<64x1xi32> to vector<1x64x1xi32>
    tpu.vector_store %arg4[%swap3A_1341, %swap3A_1342, %swap3A_1343], %swap3A_1346 {strides = array<i32>} : memref<1x256x16xi32, #tpu.memory_space<vmem>>, vector<1x64x1xi32>,
    %eq3A_1347 = vector.broadcast %broadcast_in_dim3A_1339 : vector<64x1xf32> to vector<64x4096xf32>
    %eq3A_1348 = arith.cmpf oeq, %select_n3A_1336, %eq3A_1347 : vector<64x4096xf32>
    %jit3A_1349 = arith.constant 0xFF800000 : f32
    %broadcast_in_dim3A_1350 = vector.broadcast %jit3A_1349 : f32 to vector<64x4096xf32>
    %select_n3A_1351 = arith.select %eq3A_1348, %broadcast_in_dim3A_1350, %select_n3A_1259 : vector<64x4096xi1>, vector<64x4096xf32>
    %reduce_max3A_1352 = arith.constant dense<0xFF800000> : vector<64xf32>
    %reduce_max3A_1353 = vector.multi_reduction <maximumf>, %select_n3A_1282, %reduce_max3A_1352 [1] : vector<64x4096xf32> to vector<64xf32>
    %broadcast_in_dim3A_1354 = vector.shape_cast %reduce_max3A_1353 : vector<64xf32> to vector<64x1xf32>
    %eq3A_1355 = vector.broadcast %broadcast_in_dim3A_1354 : vector<64x1xf32> to vector<64x4096xf32>
    %eq3A_1356 = arith.cmpf oeq, %select_n3A_1282, %eq3A_1355 : vector<64x4096xf32>
    %jit3A_1357 = arith.constant 4.096000e+03 : f32
    %broadcast_in_dim3A_1358 = vector.broadcast %jit3A_1357 : f32 to vector<64x4096xf32>
    %select_n3A_1359 = arith.select %eq3A_1356, %convert_element_type3A, %broadcast_in_dim3A_1358 : vector<64x4096xi1>, vector<64x4096xf32>
    %reduce_min3A_1360 = arith.constant dense<0x7F800000> : vector<64xf32>
    %reduce_min3A_1361 = vector.multi_reduction <minimumf>, %select_n3A_1359, %reduce_min3A_1360 [1] : vector<64x4096xf32> to vector<64xf32>
    %broadcast_in_dim3A_1362 = vector.shape_cast %reduce_min3A_1361 : vector<64xf32> to vector<64x1xf32>
    %convert_element_type3A_1363 = arith.fptosi %broadcast_in_dim3A_1362 : vector<64x1xf32> to vector<64x1xi32>
    %swap3A_1364 = arith.constant 0 : index
    %swap3A_1365 = arith.constant 128 : index
    %swap3A_1366 = arith.constant 14 : index
    %swap3A_1367 = vector.load %arg4[%swap3A_1364, %swap3A_1365, %swap3A_1366] : memref<1x256x16xi32, #tpu.memory_space<vmem>>, vector<1x64x1xi32>
    %swap3A_1368 = vector.shape_cast %swap3A_1367 : vector<1x64x1xi32> to vector<64x1xi32>
    %swap3A_1369 = vector.shape_cast %convert_element_type3A_1363 : vector<64x1xi32> to vector<1x64x1xi32>
    tpu.vector_store %arg4[%swap3A_1364, %swap3A_1365, %swap3A_1366], %swap3A_1369 {strides = array<i32>} : memref<1x256x16xi32, #tpu.memory_space<vmem>>, vector<1x64x1xi32>,
    %eq3A_1370 = vector.broadcast %broadcast_in_dim3A_1362 : vector<64x1xf32> to vector<64x4096xf32>
    %eq3A_1371 = arith.cmpf oeq, %select_n3A_1359, %eq3A_1370 : vector<64x4096xf32>
    %jit3A_1372 = arith.constant 0xFF800000 : f32
    %broadcast_in_dim3A_1373 = vector.broadcast %jit3A_1372 : f32 to vector<64x4096xf32>
    %select_n3A_1374 = arith.select %eq3A_1371, %broadcast_in_dim3A_1373, %select_n3A_1282 : vector<64x4096xi1>, vector<64x4096xf32>
    %reduce_max3A_1375 = arith.constant dense<0xFF800000> : vector<64xf32>
    %reduce_max3A_1376 = vector.multi_reduction <maximumf>, %select_n3A_1305, %reduce_max3A_1375 [1] : vector<64x4096xf32> to vector<64xf32>
    %broadcast_in_dim3A_1377 = vector.shape_cast %reduce_max3A_1376 : vector<64xf32> to vector<64x1xf32>
    %eq3A_1378 = vector.broadcast %broadcast_in_dim3A_1377 : vector<64x1xf32> to vector<64x4096xf32>
    %eq3A_1379 = arith.cmpf oeq, %select_n3A_1305, %eq3A_1378 : vector<64x4096xf32>
    %jit3A_1380 = arith.constant 4.096000e+03 : f32
    %broadcast_in_dim3A_1381 = vector.broadcast %jit3A_1380 : f32 to vector<64x4096xf32>
    %select_n3A_1382 = arith.select %eq3A_1379, %convert_element_type3A, %broadcast_in_dim3A_1381 : vector<64x4096xi1>, vector<64x4096xf32>
    %reduce_min3A_1383 = arith.constant dense<0x7F800000> : vector<64xf32>
    %reduce_min3A_1384 = vector.multi_reduction <minimumf>, %select_n3A_1382, %reduce_min3A_1383 [1] : vector<64x4096xf32> to vector<64xf32>
    %broadcast_in_dim3A_1385 = vector.shape_cast %reduce_min3A_1384 : vector<64xf32> to vector<64x1xf32>
    %convert_element_type3A_1386 = arith.fptosi %broadcast_in_dim3A_1385 : vector<64x1xf32> to vector<64x1xi32>
    %swap3A_1387 = arith.constant 0 : index
    %swap3A_1388 = arith.constant 192 : index
    %swap3A_1389 = arith.constant 14 : index
    %swap3A_1390 = vector.load %arg4[%swap3A_1387, %swap3A_1388, %swap3A_1389] : memref<1x256x16xi32, #tpu.memory_space<vmem>>, vector<1x64x1xi32>
    %swap3A_1391 = vector.shape_cast %swap3A_1390 : vector<1x64x1xi32> to vector<64x1xi32>
    %swap3A_1392 = vector.shape_cast %convert_element_type3A_1386 : vector<64x1xi32> to vector<1x64x1xi32>
    tpu.vector_store %arg4[%swap3A_1387, %swap3A_1388, %swap3A_1389], %swap3A_1392 {strides = array<i32>} : memref<1x256x16xi32, #tpu.memory_space<vmem>>, vector<1x64x1xi32>,
    %eq3A_1393 = vector.broadcast %broadcast_in_dim3A_1385 : vector<64x1xf32> to vector<64x4096xf32>
    %eq3A_1394 = arith.cmpf oeq, %select_n3A_1382, %eq3A_1393 : vector<64x4096xf32>
    %jit3A_1395 = arith.constant 0xFF800000 : f32
    %broadcast_in_dim3A_1396 = vector.broadcast %jit3A_1395 : f32 to vector<64x4096xf32>
    %select_n3A_1397 = arith.select %eq3A_1394, %broadcast_in_dim3A_1396, %select_n3A_1305 : vector<64x4096xi1>, vector<64x4096xf32>
    %reduce_max3A_1398 = arith.constant dense<0xFF800000> : vector<64xf32>
    %reduce_max3A_1399 = vector.multi_reduction <maximumf>, %select_n3A_1328, %reduce_max3A_1398 [1] : vector<64x4096xf32> to vector<64xf32>
    %broadcast_in_dim3A_1400 = vector.shape_cast %reduce_max3A_1399 : vector<64xf32> to vector<64x1xf32>
    %eq3A_1401 = vector.broadcast %broadcast_in_dim3A_1400 : vector<64x1xf32> to vector<64x4096xf32>
    %eq3A_1402 = arith.cmpf oeq, %select_n3A_1328, %eq3A_1401 : vector<64x4096xf32>
    %jit3A_1403 = arith.constant 4.096000e+03 : f32
    %broadcast_in_dim3A_1404 = vector.broadcast %jit3A_1403 : f32 to vector<64x4096xf32>
    %select_n3A_1405 = arith.select %eq3A_1402, %convert_element_type3A, %broadcast_in_dim3A_1404 : vector<64x4096xi1>, vector<64x4096xf32>
    %reduce_min3A_1406 = arith.constant dense<0x7F800000> : vector<64xf32>
    %reduce_min3A_1407 = vector.multi_reduction <minimumf>, %select_n3A_1405, %reduce_min3A_1406 [1] : vector<64x4096xf32> to vector<64xf32>
    %broadcast_in_dim3A_1408 = vector.shape_cast %reduce_min3A_1407 : vector<64xf32> to vector<64x1xf32>
    %convert_element_type3A_1409 = arith.fptosi %broadcast_in_dim3A_1408 : vector<64x1xf32> to vector<64x1xi32>
    %swap3A_1410 = arith.constant 0 : index
    %swap3A_1411 = arith.constant 0 : index
    %swap3A_1412 = arith.constant 15 : index
    %swap3A_1413 = vector.load %arg4[%swap3A_1410, %swap3A_1411, %swap3A_1412] : memref<1x256x16xi32, #tpu.memory_space<vmem>>, vector<1x64x1xi32>
    %swap3A_1414 = vector.shape_cast %swap3A_1413 : vector<1x64x1xi32> to vector<64x1xi32>
    %swap3A_1415 = vector.shape_cast %convert_element_type3A_1409 : vector<64x1xi32> to vector<1x64x1xi32>
    tpu.vector_store %arg4[%swap3A_1410, %swap3A_1411, %swap3A_1412], %swap3A_1415 {strides = array<i32>} : memref<1x256x16xi32, #tpu.memory_space<vmem>>, vector<1x64x1xi32>,
    %reduce_max3A_1416 = arith.constant dense<0xFF800000> : vector<64xf32>
    %reduce_max3A_1417 = vector.multi_reduction <maximumf>, %select_n3A_1351, %reduce_max3A_1416 [1] : vector<64x4096xf32> to vector<64xf32>
    %broadcast_in_dim3A_1418 = vector.shape_cast %reduce_max3A_1417 : vector<64xf32> to vector<64x1xf32>
    %eq3A_1419 = vector.broadcast %broadcast_in_dim3A_1418 : vector<64x1xf32> to vector<64x4096xf32>
    %eq3A_1420 = arith.cmpf oeq, %select_n3A_1351, %eq3A_1419 : vector<64x4096xf32>
    %jit3A_1421 = arith.constant 4.096000e+03 : f32
    %broadcast_in_dim3A_1422 = vector.broadcast %jit3A_1421 : f32 to vector<64x4096xf32>
    %select_n3A_1423 = arith.select %eq3A_1420, %convert_element_type3A, %broadcast_in_dim3A_1422 : vector<64x4096xi1>, vector<64x4096xf32>
    %reduce_min3A_1424 = arith.constant dense<0x7F800000> : vector<64xf32>
    %reduce_min3A_1425 = vector.multi_reduction <minimumf>, %select_n3A_1423, %reduce_min3A_1424 [1] : vector<64x4096xf32> to vector<64xf32>
    %broadcast_in_dim3A_1426 = vector.shape_cast %reduce_min3A_1425 : vector<64xf32> to vector<64x1xf32>
    %convert_element_type3A_1427 = arith.fptosi %broadcast_in_dim3A_1426 : vector<64x1xf32> to vector<64x1xi32>
    %swap3A_1428 = arith.constant 0 : index
    %swap3A_1429 = arith.constant 64 : index
    %swap3A_1430 = arith.constant 15 : index
    %swap3A_1431 = vector.load %arg4[%swap3A_1428, %swap3A_1429, %swap3A_1430] : memref<1x256x16xi32, #tpu.memory_space<vmem>>, vector<1x64x1xi32>
    %swap3A_1432 = vector.shape_cast %swap3A_1431 : vector<1x64x1xi32> to vector<64x1xi32>
    %swap3A_1433 = vector.shape_cast %convert_element_type3A_1427 : vector<64x1xi32> to vector<1x64x1xi32>
    tpu.vector_store %arg4[%swap3A_1428, %swap3A_1429, %swap3A_1430], %swap3A_1433 {strides = array<i32>} : memref<1x256x16xi32, #tpu.memory_space<vmem>>, vector<1x64x1xi32>,
    %reduce_max3A_1434 = arith.constant dense<0xFF800000> : vector<64xf32>
    %reduce_max3A_1435 = vector.multi_reduction <maximumf>, %select_n3A_1374, %reduce_max3A_1434 [1] : vector<64x4096xf32> to vector<64xf32>
    %broadcast_in_dim3A_1436 = vector.shape_cast %reduce_max3A_1435 : vector<64xf32> to vector<64x1xf32>
    %eq3A_1437 = vector.broadcast %broadcast_in_dim3A_1436 : vector<64x1xf32> to vector<64x4096xf32>
    %eq3A_1438 = arith.cmpf oeq, %select_n3A_1374, %eq3A_1437 : vector<64x4096xf32>
    %jit3A_1439 = arith.constant 4.096000e+03 : f32
    %broadcast_in_dim3A_1440 = vector.broadcast %jit3A_1439 : f32 to vector<64x4096xf32>
    %select_n3A_1441 = arith.select %eq3A_1438, %convert_element_type3A, %broadcast_in_dim3A_1440 : vector<64x4096xi1>, vector<64x4096xf32>
    %reduce_min3A_1442 = arith.constant dense<0x7F800000> : vector<64xf32>
    %reduce_min3A_1443 = vector.multi_reduction <minimumf>, %select_n3A_1441, %reduce_min3A_1442 [1] : vector<64x4096xf32> to vector<64xf32>
    %broadcast_in_dim3A_1444 = vector.shape_cast %reduce_min3A_1443 : vector<64xf32> to vector<64x1xf32>
    %convert_element_type3A_1445 = arith.fptosi %broadcast_in_dim3A_1444 : vector<64x1xf32> to vector<64x1xi32>
    %swap3A_1446 = arith.constant 0 : index
    %swap3A_1447 = arith.constant 128 : index
    %swap3A_1448 = arith.constant 15 : index
    %swap3A_1449 = vector.load %arg4[%swap3A_1446, %swap3A_1447, %swap3A_1448] : memref<1x256x16xi32, #tpu.memory_space<vmem>>, vector<1x64x1xi32>
    %swap3A_1450 = vector.shape_cast %swap3A_1449 : vector<1x64x1xi32> to vector<64x1xi32>
    %swap3A_1451 = vector.shape_cast %convert_element_type3A_1445 : vector<64x1xi32> to vector<1x64x1xi32>
    tpu.vector_store %arg4[%swap3A_1446, %swap3A_1447, %swap3A_1448], %swap3A_1451 {strides = array<i32>} : memref<1x256x16xi32, #tpu.memory_space<vmem>>, vector<1x64x1xi32>,
    %reduce_max3A_1452 = arith.constant dense<0xFF800000> : vector<64xf32>
    %reduce_max3A_1453 = vector.multi_reduction <maximumf>, %select_n3A_1397, %reduce_max3A_1452 [1] : vector<64x4096xf32> to vector<64xf32>
    %broadcast_in_dim3A_1454 = vector.shape_cast %reduce_max3A_1453 : vector<64xf32> to vector<64x1xf32>
    %eq3A_1455 = vector.broadcast %broadcast_in_dim3A_1454 : vector<64x1xf32> to vector<64x4096xf32>
    %eq3A_1456 = arith.cmpf oeq, %select_n3A_1397, %eq3A_1455 : vector<64x4096xf32>
    %jit3A_1457 = arith.constant 4.096000e+03 : f32
    %broadcast_in_dim3A_1458 = vector.broadcast %jit3A_1457 : f32 to vector<64x4096xf32>
    %select_n3A_1459 = arith.select %eq3A_1456, %convert_element_type3A, %broadcast_in_dim3A_1458 : vector<64x4096xi1>, vector<64x4096xf32>
    %reduce_min3A_1460 = arith.constant dense<0x7F800000> : vector<64xf32>
    %reduce_min3A_1461 = vector.multi_reduction <minimumf>, %select_n3A_1459, %reduce_min3A_1460 [1] : vector<64x4096xf32> to vector<64xf32>
    %broadcast_in_dim3A_1462 = vector.shape_cast %reduce_min3A_1461 : vector<64xf32> to vector<64x1xf32>
    %convert_element_type3A_1463 = arith.fptosi %broadcast_in_dim3A_1462 : vector<64x1xf32> to vector<64x1xi32>
    %swap3A_1464 = arith.constant 0 : index
    %swap3A_1465 = arith.constant 192 : index
    %swap3A_1466 = arith.constant 15 : index
    %swap3A_1467 = vector.load %arg4[%swap3A_1464, %swap3A_1465, %swap3A_1466] : memref<1x256x16xi32, #tpu.memory_space<vmem>>, vector<1x64x1xi32>
    %swap3A_1468 = vector.shape_cast %swap3A_1467 : vector<1x64x1xi32> to vector<64x1xi32>
    %swap3A_1469 = vector.shape_cast %convert_element_type3A_1463 : vector<64x1xi32> to vector<1x64x1xi32>
    tpu.vector_store %arg4[%swap3A_1464, %swap3A_1465, %swap3A_1466], %swap3A_1469 {strides = array<i32>} : memref<1x256x16xi32, #tpu.memory_space<vmem>>, vector<1x64x1xi32>,
    return
  }
  func.func @transform_0(%arg0: i32, %arg1: i32) -> (i32, i32, i32) {
    %c0_i32 = arith.constant 0 : i32
    %c0_i32_0 = arith.constant 0 : i32
    %c0_i32_1 = arith.constant 0 : i32
    return %arg0, %c0_i32, %c0_i32_0 : i32, i32, i32
  }
  func.func @transform_1(%arg0: i32, %arg1: i32) -> (i32, i32, i32) {
    %c0_i32 = arith.constant 0 : i32
    %c0_i32_0 = arith.constant 0 : i32
    return %arg0, %c0_i32, %arg1 : i32, i32, i32
  }
  func.func @transform_2(%arg0: i32, %arg1: i32) -> (i32, i32, i32) {
    %c0_i32 = arith.constant 0 : i32
    %c0_i32_0 = arith.constant 0 : i32
    return %arg0, %arg1, %c0_i32 : i32, i32, i32
  }
}

module attributes {stable_mosaic.version = 14 : i64} {
  func.func @_stats_body(%arg0: i32, %arg1: memref<2048x128xf32, #tpu.memory_space<vmem>>, %arg2: memref<8x128xf32, #tpu.memory_space<vmem>>) attributes {dimension_semantics = [#tpu.dimension_semantics<arbitrary>], iteration_bounds = array<i64: 8>, scalar_prefetch = 0 : i64, scratch_operands = 0 : i64, tpu.core_type = #tpu.core_type<tc>, window_params = [{transform_indices = @transform_0, window_bounds = array<i64: 2048, 128>}, {pipeline_mode = #tpu.pipeline_mode<synchronous>, transform_indices = @transform_1, window_bounds = array<i64: 8, 128>}]} {
    %eq3A = arith.constant 0 : i32
    %eq3A_0 = arith.cmpi eq, %arg0, %eq3A : i32
    %convert_element_type3A = arith.extui %eq3A_0 : i1 to i32
    %cond3A = arith.constant 0 : i32
    %cond3A_1 = arith.cmpi ne, %convert_element_type3A, %cond3A : i32
    scf.if %cond3A_1 {
      %broadcast_in_dim3A_20 = arith.constant 0.000000e+00 : f32
      %broadcast_in_dim3A_21 = vector.broadcast %broadcast_in_dim3A_20 : f32 to vector<8x128xf32>
      %swap3A_22 = arith.constant 0 : index
      %swap3A_23 = arith.constant 0 : index
      %swap3A_24 = vector.load %arg2[%swap3A_22, %swap3A_23] : memref<8x128xf32, #tpu.memory_space<vmem>>, vector<8x128xf32>
      tpu.vector_store %arg2[%swap3A_22, %swap3A_23], %broadcast_in_dim3A_21 {strides = array<i32>} : memref<8x128xf32, #tpu.memory_space<vmem>>, vector<8x128xf32>,
    } else {
    }
    %get3A = arith.constant 0 : index
    %get3A_2 = arith.constant 0 : index
    %get3A_3 = vector.load %arg1[%get3A, %get3A_2] : memref<2048x128xf32, #tpu.memory_space<vmem>>, vector<2048x128xf32>
    %get3A_4 = arith.constant 0 : index
    %get3A_5 = arith.constant 0 : index
    %get3A_6 = vector.load %arg2[%get3A_4, %get3A_5] : memref<8x128xf32, #tpu.memory_space<vmem>>, vector<1x128xf32>
    %reduce_sum3A = arith.constant dense<0.000000e+00> : vector<128xf32>
    %reduce_sum3A_7 = vector.multi_reduction <add>, %get3A_3, %reduce_sum3A [0] : vector<2048x128xf32> to vector<128xf32>
    %broadcast_in_dim3A = vector.shape_cast %reduce_sum3A_7 : vector<128xf32> to vector<1x128xf32>
    %add3A = arith.addf %get3A_6, %broadcast_in_dim3A : vector<1x128xf32>
    %swap3A = arith.constant 0 : index
    %swap3A_8 = arith.constant 0 : index
    %swap3A_9 = vector.load %arg2[%swap3A, %swap3A_8] : memref<8x128xf32, #tpu.memory_space<vmem>>, vector<1x128xf32>
    tpu.vector_store %arg2[%swap3A, %swap3A_8], %add3A {strides = array<i32>} : memref<8x128xf32, #tpu.memory_space<vmem>>, vector<1x128xf32>,
    %get3A_10 = arith.constant 1 : index
    %get3A_11 = arith.constant 0 : index
    %get3A_12 = vector.load %arg2[%get3A_10, %get3A_11] : memref<8x128xf32, #tpu.memory_space<vmem>>, vector<1x128xf32>
    %mul3A = arith.mulf %get3A_3, %get3A_3 : vector<2048x128xf32>
    %reduce_sum3A_13 = arith.constant dense<0.000000e+00> : vector<128xf32>
    %reduce_sum3A_14 = vector.multi_reduction <add>, %mul3A, %reduce_sum3A_13 [0] : vector<2048x128xf32> to vector<128xf32>
    %broadcast_in_dim3A_15 = vector.shape_cast %reduce_sum3A_14 : vector<128xf32> to vector<1x128xf32>
    %add3A_16 = arith.addf %get3A_12, %broadcast_in_dim3A_15 : vector<1x128xf32>
    %swap3A_17 = arith.constant 1 : index
    %swap3A_18 = arith.constant 0 : index
    %swap3A_19 = vector.load %arg2[%swap3A_17, %swap3A_18] : memref<8x128xf32, #tpu.memory_space<vmem>>, vector<1x128xf32>
    tpu.vector_store %arg2[%swap3A_17, %swap3A_18], %add3A_16 {strides = array<i32>} : memref<8x128xf32, #tpu.memory_space<vmem>>, vector<1x128xf32>,
    return
  }
  func.func @transform_0(%arg0: i32) -> (i32, i32) {
    %c0_i32 = arith.constant 0 : i32
    %c0_i32_0 = arith.constant 0 : i32
    return %arg0, %c0_i32 : i32, i32
  }
  func.func @transform_1(%arg0: i32) -> (i32, i32) {
    %c0_i32 = arith.constant 0 : i32
    %c0_i32_0 = arith.constant 0 : i32
    %c0_i32_1 = arith.constant 0 : i32
    return %c0_i32, %c0_i32_0 : i32, i32
  }
}

module attributes {stable_mosaic.version = 14 : i64} {
  func.func @_proj_body(%arg0: i32, %arg1: i32, %arg2: memref<1x128x512xf32, #tpu.memory_space<vmem>>, %arg3: memref<16x128x128xf32, #tpu.memory_space<vmem>>, %arg4: memref<1x16x512x128xf32, #tpu.memory_space<vmem>>, %arg5: memref<1x512x128xf32, #tpu.memory_space<vmem>>) attributes {dimension_semantics = [#tpu.dimension_semantics<arbitrary>, #tpu.dimension_semantics<arbitrary>], iteration_bounds = array<i64: 4, 8>, scalar_prefetch = 0 : i64, scratch_operands = 0 : i64, tpu.core_type = #tpu.core_type<tc>, window_params = [{transform_indices = @transform_0, window_bounds = array<i64: 1, 128, 512>}, {pipeline_mode = #tpu.pipeline_mode<synchronous>, transform_indices = @transform_1, window_bounds = array<i64: 16, 128, 128>}, {transform_indices = @transform_2, window_bounds = array<i64: 1, 16, 512, 128>}, {transform_indices = @transform_3, window_bounds = array<i64: 1, 512, 128>}]} {
    %get3A = arith.constant 0 : index
    %get3A_0 = arith.constant 0 : index
    %get3A_1 = arith.constant 0 : index
    %get3A_2 = vector.load %arg2[%get3A, %get3A_0, %get3A_1] : memref<1x128x512xf32, #tpu.memory_space<vmem>>, vector<1x128x512xf32>
    %get3A_3 = vector.shape_cast %get3A_2 : vector<1x128x512xf32> to vector<128x512xf32>
    %get3A_4 = arith.constant 0 : index
    %get3A_5 = arith.constant 0 : index
    %get3A_6 = arith.constant 0 : index
    %get3A_7 = vector.load %arg3[%get3A_4, %get3A_5, %get3A_6] : memref<16x128x128xf32, #tpu.memory_space<vmem>>, vector<16x128x128xf32>
    %slice3A = vector.extract_strided_slice %get3A_7 {offsets = [0, 0, 0], sizes = [1, 128, 128], strides = [1, 1, 1]} : vector<16x128x128xf32> to vector<1x128x128xf32>
    %squeeze3A = vector.shape_cast %slice3A : vector<1x128x128xf32> to vector<128x128xf32>
    %dot_general3A = arith.constant dense<0.000000e+00> : vector<512x128xf32>
    %dot_general3A_8 = tpu.matmul %get3A_3, %squeeze3A, %dot_general3A {dimension_numbers = #tpu.dot_dimension_numbers<[0], [0], [1], [1], [0, 1, 1, 1], [], []>, transpose_lhs_hint = false} : vector<128x512xf32>, vector<128x128xf32>, vector<512x128xf32> -> vector<512x128xf32>
    %swap3A = arith.constant 0 : index
    %swap3A_9 = arith.constant 0 : index
    %swap3A_10 = arith.constant 0 : index
    %swap3A_11 = arith.constant 0 : index
    %swap3A_12 = vector.load %arg4[%swap3A, %swap3A_9, %swap3A_10, %swap3A_11] : memref<1x16x512x128xf32, #tpu.memory_space<vmem>>, vector<1x1x512x128xf32>
    %swap3A_13 = vector.shape_cast %swap3A_12 : vector<1x1x512x128xf32> to vector<512x128xf32>
    %swap3A_14 = vector.shape_cast %dot_general3A_8 : vector<512x128xf32> to vector<1x1x512x128xf32>
    tpu.vector_store %arg4[%swap3A, %swap3A_9, %swap3A_10, %swap3A_11], %swap3A_14 {strides = array<i32>} : memref<1x16x512x128xf32, #tpu.memory_space<vmem>>, vector<1x1x512x128xf32>,
    %slice3A_15 = vector.extract_strided_slice %get3A_7 {offsets = [1, 0, 0], sizes = [1, 128, 128], strides = [1, 1, 1]} : vector<16x128x128xf32> to vector<1x128x128xf32>
    %squeeze3A_16 = vector.shape_cast %slice3A_15 : vector<1x128x128xf32> to vector<128x128xf32>
    %dot_general3A_17 = arith.constant dense<0.000000e+00> : vector<512x128xf32>
    %dot_general3A_18 = tpu.matmul %get3A_3, %squeeze3A_16, %dot_general3A_17 {dimension_numbers = #tpu.dot_dimension_numbers<[0], [0], [1], [1], [0, 1, 1, 1], [], []>, transpose_lhs_hint = false} : vector<128x512xf32>, vector<128x128xf32>, vector<512x128xf32> -> vector<512x128xf32>
    %swap3A_19 = arith.constant 0 : index
    %swap3A_20 = arith.constant 1 : index
    %swap3A_21 = arith.constant 0 : index
    %swap3A_22 = arith.constant 0 : index
    %swap3A_23 = vector.load %arg4[%swap3A_19, %swap3A_20, %swap3A_21, %swap3A_22] : memref<1x16x512x128xf32, #tpu.memory_space<vmem>>, vector<1x1x512x128xf32>
    %swap3A_24 = vector.shape_cast %swap3A_23 : vector<1x1x512x128xf32> to vector<512x128xf32>
    %swap3A_25 = vector.shape_cast %dot_general3A_18 : vector<512x128xf32> to vector<1x1x512x128xf32>
    tpu.vector_store %arg4[%swap3A_19, %swap3A_20, %swap3A_21, %swap3A_22], %swap3A_25 {strides = array<i32>} : memref<1x16x512x128xf32, #tpu.memory_space<vmem>>, vector<1x1x512x128xf32>,
    %slice3A_26 = vector.extract_strided_slice %get3A_7 {offsets = [2, 0, 0], sizes = [1, 128, 128], strides = [1, 1, 1]} : vector<16x128x128xf32> to vector<1x128x128xf32>
    %squeeze3A_27 = vector.shape_cast %slice3A_26 : vector<1x128x128xf32> to vector<128x128xf32>
    %dot_general3A_28 = arith.constant dense<0.000000e+00> : vector<512x128xf32>
    %dot_general3A_29 = tpu.matmul %get3A_3, %squeeze3A_27, %dot_general3A_28 {dimension_numbers = #tpu.dot_dimension_numbers<[0], [0], [1], [1], [0, 1, 1, 1], [], []>, transpose_lhs_hint = false} : vector<128x512xf32>, vector<128x128xf32>, vector<512x128xf32> -> vector<512x128xf32>
    %swap3A_30 = arith.constant 0 : index
    %swap3A_31 = arith.constant 2 : index
    %swap3A_32 = arith.constant 0 : index
    %swap3A_33 = arith.constant 0 : index
    %swap3A_34 = vector.load %arg4[%swap3A_30, %swap3A_31, %swap3A_32, %swap3A_33] : memref<1x16x512x128xf32, #tpu.memory_space<vmem>>, vector<1x1x512x128xf32>
    %swap3A_35 = vector.shape_cast %swap3A_34 : vector<1x1x512x128xf32> to vector<512x128xf32>
    %swap3A_36 = vector.shape_cast %dot_general3A_29 : vector<512x128xf32> to vector<1x1x512x128xf32>
    tpu.vector_store %arg4[%swap3A_30, %swap3A_31, %swap3A_32, %swap3A_33], %swap3A_36 {strides = array<i32>} : memref<1x16x512x128xf32, #tpu.memory_space<vmem>>, vector<1x1x512x128xf32>,
    %slice3A_37 = vector.extract_strided_slice %get3A_7 {offsets = [3, 0, 0], sizes = [1, 128, 128], strides = [1, 1, 1]} : vector<16x128x128xf32> to vector<1x128x128xf32>
    %squeeze3A_38 = vector.shape_cast %slice3A_37 : vector<1x128x128xf32> to vector<128x128xf32>
    %dot_general3A_39 = arith.constant dense<0.000000e+00> : vector<512x128xf32>
    %dot_general3A_40 = tpu.matmul %get3A_3, %squeeze3A_38, %dot_general3A_39 {dimension_numbers = #tpu.dot_dimension_numbers<[0], [0], [1], [1], [0, 1, 1, 1], [], []>, transpose_lhs_hint = false} : vector<128x512xf32>, vector<128x128xf32>, vector<512x128xf32> -> vector<512x128xf32>
    %swap3A_41 = arith.constant 0 : index
    %swap3A_42 = arith.constant 3 : index
    %swap3A_43 = arith.constant 0 : index
    %swap3A_44 = arith.constant 0 : index
    %swap3A_45 = vector.load %arg4[%swap3A_41, %swap3A_42, %swap3A_43, %swap3A_44] : memref<1x16x512x128xf32, #tpu.memory_space<vmem>>, vector<1x1x512x128xf32>
    %swap3A_46 = vector.shape_cast %swap3A_45 : vector<1x1x512x128xf32> to vector<512x128xf32>
    %swap3A_47 = vector.shape_cast %dot_general3A_40 : vector<512x128xf32> to vector<1x1x512x128xf32>
    tpu.vector_store %arg4[%swap3A_41, %swap3A_42, %swap3A_43, %swap3A_44], %swap3A_47 {strides = array<i32>} : memref<1x16x512x128xf32, #tpu.memory_space<vmem>>, vector<1x1x512x128xf32>,
    %slice3A_48 = vector.extract_strided_slice %get3A_7 {offsets = [4, 0, 0], sizes = [1, 128, 128], strides = [1, 1, 1]} : vector<16x128x128xf32> to vector<1x128x128xf32>
    %squeeze3A_49 = vector.shape_cast %slice3A_48 : vector<1x128x128xf32> to vector<128x128xf32>
    %dot_general3A_50 = arith.constant dense<0.000000e+00> : vector<512x128xf32>
    %dot_general3A_51 = tpu.matmul %get3A_3, %squeeze3A_49, %dot_general3A_50 {dimension_numbers = #tpu.dot_dimension_numbers<[0], [0], [1], [1], [0, 1, 1, 1], [], []>, transpose_lhs_hint = false} : vector<128x512xf32>, vector<128x128xf32>, vector<512x128xf32> -> vector<512x128xf32>
    %swap3A_52 = arith.constant 0 : index
    %swap3A_53 = arith.constant 4 : index
    %swap3A_54 = arith.constant 0 : index
    %swap3A_55 = arith.constant 0 : index
    %swap3A_56 = vector.load %arg4[%swap3A_52, %swap3A_53, %swap3A_54, %swap3A_55] : memref<1x16x512x128xf32, #tpu.memory_space<vmem>>, vector<1x1x512x128xf32>
    %swap3A_57 = vector.shape_cast %swap3A_56 : vector<1x1x512x128xf32> to vector<512x128xf32>
    %swap3A_58 = vector.shape_cast %dot_general3A_51 : vector<512x128xf32> to vector<1x1x512x128xf32>
    tpu.vector_store %arg4[%swap3A_52, %swap3A_53, %swap3A_54, %swap3A_55], %swap3A_58 {strides = array<i32>} : memref<1x16x512x128xf32, #tpu.memory_space<vmem>>, vector<1x1x512x128xf32>,
    %slice3A_59 = vector.extract_strided_slice %get3A_7 {offsets = [5, 0, 0], sizes = [1, 128, 128], strides = [1, 1, 1]} : vector<16x128x128xf32> to vector<1x128x128xf32>
    %squeeze3A_60 = vector.shape_cast %slice3A_59 : vector<1x128x128xf32> to vector<128x128xf32>
    %dot_general3A_61 = arith.constant dense<0.000000e+00> : vector<512x128xf32>
    %dot_general3A_62 = tpu.matmul %get3A_3, %squeeze3A_60, %dot_general3A_61 {dimension_numbers = #tpu.dot_dimension_numbers<[0], [0], [1], [1], [0, 1, 1, 1], [], []>, transpose_lhs_hint = false} : vector<128x512xf32>, vector<128x128xf32>, vector<512x128xf32> -> vector<512x128xf32>
    %swap3A_63 = arith.constant 0 : index
    %swap3A_64 = arith.constant 5 : index
    %swap3A_65 = arith.constant 0 : index
    %swap3A_66 = arith.constant 0 : index
    %swap3A_67 = vector.load %arg4[%swap3A_63, %swap3A_64, %swap3A_65, %swap3A_66] : memref<1x16x512x128xf32, #tpu.memory_space<vmem>>, vector<1x1x512x128xf32>
    %swap3A_68 = vector.shape_cast %swap3A_67 : vector<1x1x512x128xf32> to vector<512x128xf32>
    %swap3A_69 = vector.shape_cast %dot_general3A_62 : vector<512x128xf32> to vector<1x1x512x128xf32>
    tpu.vector_store %arg4[%swap3A_63, %swap3A_64, %swap3A_65, %swap3A_66], %swap3A_69 {strides = array<i32>} : memref<1x16x512x128xf32, #tpu.memory_space<vmem>>, vector<1x1x512x128xf32>,
    %slice3A_70 = vector.extract_strided_slice %get3A_7 {offsets = [6, 0, 0], sizes = [1, 128, 128], strides = [1, 1, 1]} : vector<16x128x128xf32> to vector<1x128x128xf32>
    %squeeze3A_71 = vector.shape_cast %slice3A_70 : vector<1x128x128xf32> to vector<128x128xf32>
    %dot_general3A_72 = arith.constant dense<0.000000e+00> : vector<512x128xf32>
    %dot_general3A_73 = tpu.matmul %get3A_3, %squeeze3A_71, %dot_general3A_72 {dimension_numbers = #tpu.dot_dimension_numbers<[0], [0], [1], [1], [0, 1, 1, 1], [], []>, transpose_lhs_hint = false} : vector<128x512xf32>, vector<128x128xf32>, vector<512x128xf32> -> vector<512x128xf32>
    %swap3A_74 = arith.constant 0 : index
    %swap3A_75 = arith.constant 6 : index
    %swap3A_76 = arith.constant 0 : index
    %swap3A_77 = arith.constant 0 : index
    %swap3A_78 = vector.load %arg4[%swap3A_74, %swap3A_75, %swap3A_76, %swap3A_77] : memref<1x16x512x128xf32, #tpu.memory_space<vmem>>, vector<1x1x512x128xf32>
    %swap3A_79 = vector.shape_cast %swap3A_78 : vector<1x1x512x128xf32> to vector<512x128xf32>
    %swap3A_80 = vector.shape_cast %dot_general3A_73 : vector<512x128xf32> to vector<1x1x512x128xf32>
    tpu.vector_store %arg4[%swap3A_74, %swap3A_75, %swap3A_76, %swap3A_77], %swap3A_80 {strides = array<i32>} : memref<1x16x512x128xf32, #tpu.memory_space<vmem>>, vector<1x1x512x128xf32>,
    %slice3A_81 = vector.extract_strided_slice %get3A_7 {offsets = [7, 0, 0], sizes = [1, 128, 128], strides = [1, 1, 1]} : vector<16x128x128xf32> to vector<1x128x128xf32>
    %squeeze3A_82 = vector.shape_cast %slice3A_81 : vector<1x128x128xf32> to vector<128x128xf32>
    %dot_general3A_83 = arith.constant dense<0.000000e+00> : vector<512x128xf32>
    %dot_general3A_84 = tpu.matmul %get3A_3, %squeeze3A_82, %dot_general3A_83 {dimension_numbers = #tpu.dot_dimension_numbers<[0], [0], [1], [1], [0, 1, 1, 1], [], []>, transpose_lhs_hint = false} : vector<128x512xf32>, vector<128x128xf32>, vector<512x128xf32> -> vector<512x128xf32>
    %swap3A_85 = arith.constant 0 : index
    %swap3A_86 = arith.constant 7 : index
    %swap3A_87 = arith.constant 0 : index
    %swap3A_88 = arith.constant 0 : index
    %swap3A_89 = vector.load %arg4[%swap3A_85, %swap3A_86, %swap3A_87, %swap3A_88] : memref<1x16x512x128xf32, #tpu.memory_space<vmem>>, vector<1x1x512x128xf32>
    %swap3A_90 = vector.shape_cast %swap3A_89 : vector<1x1x512x128xf32> to vector<512x128xf32>
    %swap3A_91 = vector.shape_cast %dot_general3A_84 : vector<512x128xf32> to vector<1x1x512x128xf32>
    tpu.vector_store %arg4[%swap3A_85, %swap3A_86, %swap3A_87, %swap3A_88], %swap3A_91 {strides = array<i32>} : memref<1x16x512x128xf32, #tpu.memory_space<vmem>>, vector<1x1x512x128xf32>,
    %slice3A_92 = vector.extract_strided_slice %get3A_7 {offsets = [8, 0, 0], sizes = [1, 128, 128], strides = [1, 1, 1]} : vector<16x128x128xf32> to vector<1x128x128xf32>
    %squeeze3A_93 = vector.shape_cast %slice3A_92 : vector<1x128x128xf32> to vector<128x128xf32>
    %dot_general3A_94 = arith.constant dense<0.000000e+00> : vector<512x128xf32>
    %dot_general3A_95 = tpu.matmul %get3A_3, %squeeze3A_93, %dot_general3A_94 {dimension_numbers = #tpu.dot_dimension_numbers<[0], [0], [1], [1], [0, 1, 1, 1], [], []>, transpose_lhs_hint = false} : vector<128x512xf32>, vector<128x128xf32>, vector<512x128xf32> -> vector<512x128xf32>
    %swap3A_96 = arith.constant 0 : index
    %swap3A_97 = arith.constant 8 : index
    %swap3A_98 = arith.constant 0 : index
    %swap3A_99 = arith.constant 0 : index
    %swap3A_100 = vector.load %arg4[%swap3A_96, %swap3A_97, %swap3A_98, %swap3A_99] : memref<1x16x512x128xf32, #tpu.memory_space<vmem>>, vector<1x1x512x128xf32>
    %swap3A_101 = vector.shape_cast %swap3A_100 : vector<1x1x512x128xf32> to vector<512x128xf32>
    %swap3A_102 = vector.shape_cast %dot_general3A_95 : vector<512x128xf32> to vector<1x1x512x128xf32>
    tpu.vector_store %arg4[%swap3A_96, %swap3A_97, %swap3A_98, %swap3A_99], %swap3A_102 {strides = array<i32>} : memref<1x16x512x128xf32, #tpu.memory_space<vmem>>, vector<1x1x512x128xf32>,
    %slice3A_103 = vector.extract_strided_slice %get3A_7 {offsets = [9, 0, 0], sizes = [1, 128, 128], strides = [1, 1, 1]} : vector<16x128x128xf32> to vector<1x128x128xf32>
    %squeeze3A_104 = vector.shape_cast %slice3A_103 : vector<1x128x128xf32> to vector<128x128xf32>
    %dot_general3A_105 = arith.constant dense<0.000000e+00> : vector<512x128xf32>
    %dot_general3A_106 = tpu.matmul %get3A_3, %squeeze3A_104, %dot_general3A_105 {dimension_numbers = #tpu.dot_dimension_numbers<[0], [0], [1], [1], [0, 1, 1, 1], [], []>, transpose_lhs_hint = false} : vector<128x512xf32>, vector<128x128xf32>, vector<512x128xf32> -> vector<512x128xf32>
    %swap3A_107 = arith.constant 0 : index
    %swap3A_108 = arith.constant 9 : index
    %swap3A_109 = arith.constant 0 : index
    %swap3A_110 = arith.constant 0 : index
    %swap3A_111 = vector.load %arg4[%swap3A_107, %swap3A_108, %swap3A_109, %swap3A_110] : memref<1x16x512x128xf32, #tpu.memory_space<vmem>>, vector<1x1x512x128xf32>
    %swap3A_112 = vector.shape_cast %swap3A_111 : vector<1x1x512x128xf32> to vector<512x128xf32>
    %swap3A_113 = vector.shape_cast %dot_general3A_106 : vector<512x128xf32> to vector<1x1x512x128xf32>
    tpu.vector_store %arg4[%swap3A_107, %swap3A_108, %swap3A_109, %swap3A_110], %swap3A_113 {strides = array<i32>} : memref<1x16x512x128xf32, #tpu.memory_space<vmem>>, vector<1x1x512x128xf32>,
    %slice3A_114 = vector.extract_strided_slice %get3A_7 {offsets = [10, 0, 0], sizes = [1, 128, 128], strides = [1, 1, 1]} : vector<16x128x128xf32> to vector<1x128x128xf32>
    %squeeze3A_115 = vector.shape_cast %slice3A_114 : vector<1x128x128xf32> to vector<128x128xf32>
    %dot_general3A_116 = arith.constant dense<0.000000e+00> : vector<512x128xf32>
    %dot_general3A_117 = tpu.matmul %get3A_3, %squeeze3A_115, %dot_general3A_116 {dimension_numbers = #tpu.dot_dimension_numbers<[0], [0], [1], [1], [0, 1, 1, 1], [], []>, transpose_lhs_hint = false} : vector<128x512xf32>, vector<128x128xf32>, vector<512x128xf32> -> vector<512x128xf32>
    %swap3A_118 = arith.constant 0 : index
    %swap3A_119 = arith.constant 10 : index
    %swap3A_120 = arith.constant 0 : index
    %swap3A_121 = arith.constant 0 : index
    %swap3A_122 = vector.load %arg4[%swap3A_118, %swap3A_119, %swap3A_120, %swap3A_121] : memref<1x16x512x128xf32, #tpu.memory_space<vmem>>, vector<1x1x512x128xf32>
    %swap3A_123 = vector.shape_cast %swap3A_122 : vector<1x1x512x128xf32> to vector<512x128xf32>
    %swap3A_124 = vector.shape_cast %dot_general3A_117 : vector<512x128xf32> to vector<1x1x512x128xf32>
    tpu.vector_store %arg4[%swap3A_118, %swap3A_119, %swap3A_120, %swap3A_121], %swap3A_124 {strides = array<i32>} : memref<1x16x512x128xf32, #tpu.memory_space<vmem>>, vector<1x1x512x128xf32>,
    %slice3A_125 = vector.extract_strided_slice %get3A_7 {offsets = [11, 0, 0], sizes = [1, 128, 128], strides = [1, 1, 1]} : vector<16x128x128xf32> to vector<1x128x128xf32>
    %squeeze3A_126 = vector.shape_cast %slice3A_125 : vector<1x128x128xf32> to vector<128x128xf32>
    %dot_general3A_127 = arith.constant dense<0.000000e+00> : vector<512x128xf32>
    %dot_general3A_128 = tpu.matmul %get3A_3, %squeeze3A_126, %dot_general3A_127 {dimension_numbers = #tpu.dot_dimension_numbers<[0], [0], [1], [1], [0, 1, 1, 1], [], []>, transpose_lhs_hint = false} : vector<128x512xf32>, vector<128x128xf32>, vector<512x128xf32> -> vector<512x128xf32>
    %swap3A_129 = arith.constant 0 : index
    %swap3A_130 = arith.constant 11 : index
    %swap3A_131 = arith.constant 0 : index
    %swap3A_132 = arith.constant 0 : index
    %swap3A_133 = vector.load %arg4[%swap3A_129, %swap3A_130, %swap3A_131, %swap3A_132] : memref<1x16x512x128xf32, #tpu.memory_space<vmem>>, vector<1x1x512x128xf32>
    %swap3A_134 = vector.shape_cast %swap3A_133 : vector<1x1x512x128xf32> to vector<512x128xf32>
    %swap3A_135 = vector.shape_cast %dot_general3A_128 : vector<512x128xf32> to vector<1x1x512x128xf32>
    tpu.vector_store %arg4[%swap3A_129, %swap3A_130, %swap3A_131, %swap3A_132], %swap3A_135 {strides = array<i32>} : memref<1x16x512x128xf32, #tpu.memory_space<vmem>>, vector<1x1x512x128xf32>,
    %slice3A_136 = vector.extract_strided_slice %get3A_7 {offsets = [12, 0, 0], sizes = [1, 128, 128], strides = [1, 1, 1]} : vector<16x128x128xf32> to vector<1x128x128xf32>
    %squeeze3A_137 = vector.shape_cast %slice3A_136 : vector<1x128x128xf32> to vector<128x128xf32>
    %dot_general3A_138 = arith.constant dense<0.000000e+00> : vector<512x128xf32>
    %dot_general3A_139 = tpu.matmul %get3A_3, %squeeze3A_137, %dot_general3A_138 {dimension_numbers = #tpu.dot_dimension_numbers<[0], [0], [1], [1], [0, 1, 1, 1], [], []>, transpose_lhs_hint = false} : vector<128x512xf32>, vector<128x128xf32>, vector<512x128xf32> -> vector<512x128xf32>
    %swap3A_140 = arith.constant 0 : index
    %swap3A_141 = arith.constant 12 : index
    %swap3A_142 = arith.constant 0 : index
    %swap3A_143 = arith.constant 0 : index
    %swap3A_144 = vector.load %arg4[%swap3A_140, %swap3A_141, %swap3A_142, %swap3A_143] : memref<1x16x512x128xf32, #tpu.memory_space<vmem>>, vector<1x1x512x128xf32>
    %swap3A_145 = vector.shape_cast %swap3A_144 : vector<1x1x512x128xf32> to vector<512x128xf32>
    %swap3A_146 = vector.shape_cast %dot_general3A_139 : vector<512x128xf32> to vector<1x1x512x128xf32>
    tpu.vector_store %arg4[%swap3A_140, %swap3A_141, %swap3A_142, %swap3A_143], %swap3A_146 {strides = array<i32>} : memref<1x16x512x128xf32, #tpu.memory_space<vmem>>, vector<1x1x512x128xf32>,
    %slice3A_147 = vector.extract_strided_slice %get3A_7 {offsets = [13, 0, 0], sizes = [1, 128, 128], strides = [1, 1, 1]} : vector<16x128x128xf32> to vector<1x128x128xf32>
    %squeeze3A_148 = vector.shape_cast %slice3A_147 : vector<1x128x128xf32> to vector<128x128xf32>
    %dot_general3A_149 = arith.constant dense<0.000000e+00> : vector<512x128xf32>
    %dot_general3A_150 = tpu.matmul %get3A_3, %squeeze3A_148, %dot_general3A_149 {dimension_numbers = #tpu.dot_dimension_numbers<[0], [0], [1], [1], [0, 1, 1, 1], [], []>, transpose_lhs_hint = false} : vector<128x512xf32>, vector<128x128xf32>, vector<512x128xf32> -> vector<512x128xf32>
    %swap3A_151 = arith.constant 0 : index
    %swap3A_152 = arith.constant 13 : index
    %swap3A_153 = arith.constant 0 : index
    %swap3A_154 = arith.constant 0 : index
    %swap3A_155 = vector.load %arg4[%swap3A_151, %swap3A_152, %swap3A_153, %swap3A_154] : memref<1x16x512x128xf32, #tpu.memory_space<vmem>>, vector<1x1x512x128xf32>
    %swap3A_156 = vector.shape_cast %swap3A_155 : vector<1x1x512x128xf32> to vector<512x128xf32>
    %swap3A_157 = vector.shape_cast %dot_general3A_150 : vector<512x128xf32> to vector<1x1x512x128xf32>
    tpu.vector_store %arg4[%swap3A_151, %swap3A_152, %swap3A_153, %swap3A_154], %swap3A_157 {strides = array<i32>} : memref<1x16x512x128xf32, #tpu.memory_space<vmem>>, vector<1x1x512x128xf32>,
    %slice3A_158 = vector.extract_strided_slice %get3A_7 {offsets = [14, 0, 0], sizes = [1, 128, 128], strides = [1, 1, 1]} : vector<16x128x128xf32> to vector<1x128x128xf32>
    %squeeze3A_159 = vector.shape_cast %slice3A_158 : vector<1x128x128xf32> to vector<128x128xf32>
    %dot_general3A_160 = arith.constant dense<0.000000e+00> : vector<512x128xf32>
    %dot_general3A_161 = tpu.matmul %get3A_3, %squeeze3A_159, %dot_general3A_160 {dimension_numbers = #tpu.dot_dimension_numbers<[0], [0], [1], [1], [0, 1, 1, 1], [], []>, transpose_lhs_hint = false} : vector<128x512xf32>, vector<128x128xf32>, vector<512x128xf32> -> vector<512x128xf32>
    %swap3A_162 = arith.constant 0 : index
    %swap3A_163 = arith.constant 14 : index
    %swap3A_164 = arith.constant 0 : index
    %swap3A_165 = arith.constant 0 : index
    %swap3A_166 = vector.load %arg4[%swap3A_162, %swap3A_163, %swap3A_164, %swap3A_165] : memref<1x16x512x128xf32, #tpu.memory_space<vmem>>, vector<1x1x512x128xf32>
    %swap3A_167 = vector.shape_cast %swap3A_166 : vector<1x1x512x128xf32> to vector<512x128xf32>
    %swap3A_168 = vector.shape_cast %dot_general3A_161 : vector<512x128xf32> to vector<1x1x512x128xf32>
    tpu.vector_store %arg4[%swap3A_162, %swap3A_163, %swap3A_164, %swap3A_165], %swap3A_168 {strides = array<i32>} : memref<1x16x512x128xf32, #tpu.memory_space<vmem>>, vector<1x1x512x128xf32>,
    %slice3A_169 = vector.extract_strided_slice %get3A_7 {offsets = [15, 0, 0], sizes = [1, 128, 128], strides = [1, 1, 1]} : vector<16x128x128xf32> to vector<1x128x128xf32>
    %squeeze3A_170 = vector.shape_cast %slice3A_169 : vector<1x128x128xf32> to vector<128x128xf32>
    %dot_general3A_171 = arith.constant dense<0.000000e+00> : vector<512x128xf32>
    %dot_general3A_172 = tpu.matmul %get3A_3, %squeeze3A_170, %dot_general3A_171 {dimension_numbers = #tpu.dot_dimension_numbers<[0], [0], [1], [1], [0, 1, 1, 1], [], []>, transpose_lhs_hint = false} : vector<128x512xf32>, vector<128x128xf32>, vector<512x128xf32> -> vector<512x128xf32>
    %swap3A_173 = arith.constant 0 : index
    %swap3A_174 = arith.constant 15 : index
    %swap3A_175 = arith.constant 0 : index
    %swap3A_176 = arith.constant 0 : index
    %swap3A_177 = vector.load %arg4[%swap3A_173, %swap3A_174, %swap3A_175, %swap3A_176] : memref<1x16x512x128xf32, #tpu.memory_space<vmem>>, vector<1x1x512x128xf32>
    %swap3A_178 = vector.shape_cast %swap3A_177 : vector<1x1x512x128xf32> to vector<512x128xf32>
    %swap3A_179 = vector.shape_cast %dot_general3A_172 : vector<512x128xf32> to vector<1x1x512x128xf32>
    tpu.vector_store %arg4[%swap3A_173, %swap3A_174, %swap3A_175, %swap3A_176], %swap3A_179 {strides = array<i32>} : memref<1x16x512x128xf32, #tpu.memory_space<vmem>>, vector<1x1x512x128xf32>,
    %reduce_sum3A = arith.constant dense<0.000000e+00> : vector<128x128xf32>
    %reduce_sum3A_180 = vector.multi_reduction <add>, %get3A_7, %reduce_sum3A [0] : vector<16x128x128xf32> to vector<128x128xf32>
    %dot_general3A_181 = arith.constant dense<0.000000e+00> : vector<512x128xf32>
    %dot_general3A_182 = tpu.matmul %get3A_3, %reduce_sum3A_180, %dot_general3A_181 {dimension_numbers = #tpu.dot_dimension_numbers<[0], [0], [1], [1], [0, 1, 1, 1], [], []>, transpose_lhs_hint = false} : vector<128x512xf32>, vector<128x128xf32>, vector<512x128xf32> -> vector<512x128xf32>
    %neg3A = arith.constant 0.000000e+00 : f32
    %neg3A_183 = vector.broadcast %neg3A : f32 to vector<512x128xf32>
    %neg3A_184 = arith.subf %neg3A_183, %dot_general3A_182 : vector<512x128xf32>
    %swap3A_185 = arith.constant 0 : index
    %swap3A_186 = arith.constant 0 : index
    %swap3A_187 = arith.constant 0 : index
    %swap3A_188 = vector.load %arg5[%swap3A_185, %swap3A_186, %swap3A_187] : memref<1x512x128xf32, #tpu.memory_space<vmem>>, vector<1x512x128xf32>
    %swap3A_189 = vector.shape_cast %swap3A_188 : vector<1x512x128xf32> to vector<512x128xf32>
    %swap3A_190 = vector.shape_cast %neg3A_184 : vector<512x128xf32> to vector<1x512x128xf32>
    tpu.vector_store %arg5[%swap3A_185, %swap3A_186, %swap3A_187], %swap3A_190 {strides = array<i32>} : memref<1x512x128xf32, #tpu.memory_space<vmem>>, vector<1x512x128xf32>,
    return
  }
  func.func @transform_0(%arg0: i32, %arg1: i32) -> (i32, i32, i32) {
    %c0_i32 = arith.constant 0 : i32
    %c0_i32_0 = arith.constant 0 : i32
    return %arg0, %c0_i32, %arg1 : i32, i32, i32
  }
  func.func @transform_1(%arg0: i32, %arg1: i32) -> (i32, i32, i32) {
    %c0_i32 = arith.constant 0 : i32
    %c0_i32_0 = arith.constant 0 : i32
    %c0_i32_1 = arith.constant 0 : i32
    %c0_i32_2 = arith.constant 0 : i32
    return %c0_i32, %c0_i32_0, %c0_i32_1 : i32, i32, i32
  }
  func.func @transform_2(%arg0: i32, %arg1: i32) -> (i32, i32, i32, i32) {
    %c0_i32 = arith.constant 0 : i32
    %c0_i32_0 = arith.constant 0 : i32
    %c0_i32_1 = arith.constant 0 : i32
    return %arg0, %c0_i32, %arg1, %c0_i32_0 : i32, i32, i32, i32
  }
  func.func @transform_3(%arg0: i32, %arg1: i32) -> (i32, i32, i32) {
    %c0_i32 = arith.constant 0 : i32
    %c0_i32_0 = arith.constant 0 : i32
    return %arg0, %arg1, %c0_i32 : i32, i32, i32
  }
}

module attributes {stable_mosaic.version = 14 : i64} {
  func.func @_norm_body(%arg0: i32, %arg1: i32, %arg2: memref<1x2048x128xf32, #tpu.memory_space<vmem>>, %arg3: memref<8x128xf32, #tpu.memory_space<vmem>>, %arg4: memref<8x128xf32, #tpu.memory_space<vmem>>, %arg5: memref<1x128x2048xf32, #tpu.memory_space<vmem>>) attributes {dimension_semantics = [#tpu.dimension_semantics<arbitrary>, #tpu.dimension_semantics<arbitrary>], iteration_bounds = array<i64: 4, 2>, scalar_prefetch = 0 : i64, scratch_operands = 0 : i64, tpu.core_type = #tpu.core_type<tc>, window_params = [{transform_indices = @transform_0, window_bounds = array<i64: 1, 2048, 128>}, {pipeline_mode = #tpu.pipeline_mode<synchronous>, transform_indices = @transform_1, window_bounds = array<i64: 8, 128>}, {pipeline_mode = #tpu.pipeline_mode<synchronous>, transform_indices = @transform_2, window_bounds = array<i64: 8, 128>}, {transform_indices = @transform_3, window_bounds = array<i64: 1, 128, 2048>}]} {
    %get3A = arith.constant 0 : index
    %get3A_0 = arith.constant 0 : index
    %get3A_1 = vector.load %arg3[%get3A, %get3A_0] : memref<8x128xf32, #tpu.memory_space<vmem>>, vector<1x128xf32>
    %mul3A = arith.constant 6.10351563E-5 : f32
    %mul3A_2 = vector.broadcast %mul3A : f32 to vector<1x128xf32>
    %mul3A_3 = arith.mulf %get3A_1, %mul3A_2 : vector<1x128xf32>
    %get3A_4 = arith.constant 1 : index
    %get3A_5 = arith.constant 0 : index
    %get3A_6 = vector.load %arg3[%get3A_4, %get3A_5] : memref<8x128xf32, #tpu.memory_space<vmem>>, vector<1x128xf32>
    %mul3A_7 = arith.constant 6.10351563E-5 : f32
    %mul3A_8 = vector.broadcast %mul3A_7 : f32 to vector<1x128xf32>
    %mul3A_9 = arith.mulf %get3A_6, %mul3A_8 : vector<1x128xf32>
    %mul3A_10 = arith.mulf %mul3A_3, %mul3A_3 : vector<1x128xf32>
    %sub3A = arith.subf %mul3A_9, %mul3A_10 : vector<1x128xf32>
    %get3A_11 = arith.constant 0 : index
    %get3A_12 = arith.constant 0 : index
    %get3A_13 = vector.load %arg4[%get3A_11, %get3A_12] : memref<8x128xf32, #tpu.memory_space<vmem>>, vector<1x128xf32>
    %add3A = arith.constant 9.99999974E-6 : f32
    %add3A_14 = vector.broadcast %add3A : f32 to vector<1x128xf32>
    %add3A_15 = arith.addf %sub3A, %add3A_14 : vector<1x128xf32>
    %rsqrt3A = math.rsqrt %add3A_15 : vector<1x128xf32>
    %mul3A_16 = arith.mulf %get3A_13, %rsqrt3A : vector<1x128xf32>
    %get3A_17 = arith.constant 1 : index
    %get3A_18 = arith.constant 0 : index
    %get3A_19 = vector.load %arg4[%get3A_17, %get3A_18] : memref<8x128xf32, #tpu.memory_space<vmem>>, vector<1x128xf32>
    %mul3A_20 = arith.mulf %mul3A_16, %mul3A_3 : vector<1x128xf32>
    %sub3A_21 = arith.subf %get3A_19, %mul3A_20 : vector<1x128xf32>
    %get3A_22 = arith.constant 0 : index
    %get3A_23 = arith.constant 0 : index
    %get3A_24 = arith.constant 0 : index
    %get3A_25 = vector.load %arg2[%get3A_22, %get3A_23, %get3A_24] : memref<1x2048x128xf32, #tpu.memory_space<vmem>>, vector<1x2048x128xf32>
    %get3A_26 = vector.shape_cast %get3A_25 : vector<1x2048x128xf32> to vector<2048x128xf32>
    %mul3A_27 = vector.broadcast %mul3A_16 : vector<1x128xf32> to vector<2048x128xf32>
    %mul3A_28 = arith.mulf %get3A_26, %mul3A_27 : vector<2048x128xf32>
    %add3A_29 = vector.broadcast %sub3A_21 : vector<1x128xf32> to vector<2048x128xf32>
    %add3A_30 = arith.addf %mul3A_28, %add3A_29 : vector<2048x128xf32>
    %transpose3A = tpu.transpose %add3A_30, [1, 0] : vector<2048x128xf32> -> vector<128x2048xf32>
    %swap3A = arith.constant 0 : index
    %swap3A_31 = arith.constant 0 : index
    %swap3A_32 = arith.constant 0 : index
    %swap3A_33 = vector.load %arg5[%swap3A, %swap3A_31, %swap3A_32] : memref<1x128x2048xf32, #tpu.memory_space<vmem>>, vector<1x128x2048xf32>
    %swap3A_34 = vector.shape_cast %swap3A_33 : vector<1x128x2048xf32> to vector<128x2048xf32>
    %swap3A_35 = vector.shape_cast %transpose3A : vector<128x2048xf32> to vector<1x128x2048xf32>
    tpu.vector_store %arg5[%swap3A, %swap3A_31, %swap3A_32], %swap3A_35 {strides = array<i32>} : memref<1x128x2048xf32, #tpu.memory_space<vmem>>, vector<1x128x2048xf32>,
    return
  }
  func.func @transform_0(%arg0: i32, %arg1: i32) -> (i32, i32, i32) {
    %c0_i32 = arith.constant 0 : i32
    %c0_i32_0 = arith.constant 0 : i32
    return %arg0, %arg1, %c0_i32 : i32, i32, i32
  }
  func.func @transform_1(%arg0: i32, %arg1: i32) -> (i32, i32) {
    %c0_i32 = arith.constant 0 : i32
    %c0_i32_0 = arith.constant 0 : i32
    %c0_i32_1 = arith.constant 0 : i32
    return %c0_i32, %c0_i32_0 : i32, i32
  }
  func.func @transform_2(%arg0: i32, %arg1: i32) -> (i32, i32) {
    %c0_i32 = arith.constant 0 : i32
    %c0_i32_0 = arith.constant 0 : i32
    %c0_i32_1 = arith.constant 0 : i32
    return %c0_i32, %c0_i32_0 : i32, i32
  }
  func.func @transform_3(%arg0: i32, %arg1: i32) -> (i32, i32, i32) {
    %c0_i32 = arith.constant 0 : i32
    %c0_i32_0 = arith.constant 0 : i32
    return %arg0, %c0_i32, %arg1 : i32, i32, i32
  }
}

</mosaic_0001>

<sc_bundles>
// kernel: kernel.7.cloned.1.call-start
scs
__scs_entry_jumppad:
0x0: {  	(pc) =	sbr.rel $0x88, $3  }
0x1: {  	(tag) =	ssettag $0x0;
	lr =	simm.s32 $0x1  }
0x2: {  	[smem:$0x3F9C] =	sst lr;
	_ =	strace $0xD0000000  }
0x3: {  	_ = 	snop  }
0x4: {  	_ = 	snop  }
0x5: {  	_ = 	snop  }
0x6: {  	_ = 	snop  }
0x7: {  	_ = 	snop  }
__scs_overlays_trampoline_lowered:
0x8: {  	[smem:$0x3FAB] =	sst s0  }
0x9: {  	[smem:$0x3FAC] =	sst s1  }
0xa: {  	[smem:$0x3FAD] =	sst s2  }
0xb: {  	[smem:$0x3FAE] =	sst s3  }
0xc: {  	[smem:$0x3FAF] =	sst s4  }
0xd: {  	[smem:$0x3FB0] =	sst s5  }
0xe: {  	[smem:$0x3FB1] =	sst s6  }
0xf: {  	[smem:$0x3FB2] =	sst s7  }
0x10: {  	[smem:$0x3FB3] =	sst s8  }
0x11: {  	[smem:$0x3FB4] =	sst s9;
	s0 =	simm.s32 @!p0 $0x0  }
0x12: {  	s1 =	sld [smem:$0x3F9A];
	s0 =	simm.s32 @p0 $0x1  }
0x13: {  	[smem:$0x3FB5] =	sst s0;
	s0 =	simm.s32 @!p1 $0x0  }
0x14: {  	s2 =	sld [smem:$0x3F99];
	s0 =	simm.s32 @p1 $0x1  }
0x15: {  	[smem:$0x3FB6] =	sst s0;
	s0 =	simm.s32 @!p2 $0x0  }
0x16: {  	s3 =	sld [smem:$0x3FDB];
	s0 =	simm.s32 @p2 $0x1  }
0x17: {  	s4 =	simm.s32 $0x1BF5;
	[smem:$0x3FB8] =	sst s0  }
0x18: {  	s0 =	sld [smem:$0x3F9B];
	_ =	swait.ge [sflag:s4], $0x0  }
0x19: {  	s7 =	sld [smem:$0x3F9C]  }
0x1a: {  	s8 =	sadd.s32 $0xFFFFE003, lr  }
0x1b: {  	s9 =	sadd.s32 $0xFFFFFEF7, lr;
	s5 =	simm.s32 $0xFFFFFFFF;
	p2 =	slt.u32 s8, $0xFFFFF086  }
0x1c: {  	p1 =	slt.u32 s9, $0xF7A;
	s5 =	simm.s32 @!p2 $0x0  }
0x1d: {  	s5 =	simm.s32 @p1 $0x1;
	p0 =	seq.s32 s7, s2  }
0x1e: {  	s7 =	smul.u32 @!p0 $0xF7A, s2;
	p2 =	seq.s32 @!p0 s5, $0x0  }
0x1f: {  	s9 =	smul.u32 $0xF7A, s1;
	s8 =	simm.s32 @!p0 $0x1BF5;
	p2 =	por !p2, p0  }
0x20: {  	[sflag:s8] =	ssyncset.s32 @!p0 $0xFFFFF086;
	s6 =	sadd.s32 @!p0 s3, s7;
	s7 =	simm.s32 @!p0 $0x108  }
0x21: {  	s3 =	sadd.s32 s3, s9;
	s6 =	sadd.s32 @!p0 $0x88, s6;
	s7 =	simm.s32 @p2 $0x1082  }
0x22: {  	[simem:s7], [sflag:s8] =	dma.local @!p0 [hbm:s6], $0xF7A  }
0x23: {  	s9 =	sor.u32 $0xD0000000, s2;
	s6 =	simm.s32 $0x108;
	_ =	swait.ge @!p0 [sflag:s8], $0x0  }
0x24: {  	s3 =	sadd.s32 $0x88, s3;
	s6 =	simm.s32 @!p1 $0x1082;
	[sflag:s4] =	ssyncset.s32 $0xFFFFF086  }
0x25: {  	[simem:s6], [sflag:s4] =	dma.local [hbm:s3], $0xF7A  }
0x26: {  	[smem:$0x3F9C] =	sst s1;
	(tag) =	ssettag s2;
	_ =	strace s9  }
0x27: {  	s1 =	sld [smem:$0x3FAC]  }
0x28: {  	s2 =	sld [smem:$0x3FAD]  }
0x29: {  	s4 =	sld [smem:$0x3FAF]  }
0x2a: {  	p0 =	seq.s32 s5, $0x0;
	s5 =	sld [smem:$0x3FB0]  }
0x2b: {  	s6 =	sld [smem:$0x3FB1]  }
0x2c: {  	s7 =	sld [smem:$0x3FB2]  }
0x2d: {  	s3 =	simm.s32 $0x108;
	s8 =	sld [smem:$0x3FB3]  }
0x2e: {  	s3 =	simm.s32 @!p0 $0x1082;
	s9 =	sld [smem:$0x3FB4]  }
0x2f: {  	lr =	sadd.s32 s0, s3;
	s0 =	sld [smem:$0x3FAB]  }
0x30: {  	s3 =	sld [smem:$0x3FAE]  }
0x31: {  	[smem:$0x3FB7] =	sst s10  }
0x32: {  	s10 =	sld [smem:$0x3FB5];
	_ =	sdelay $0x3  }
0x33: {  	p0 =	seq.s32 s10, $0x1;
	s10 =	sld [smem:$0x3FB7];
	_ =	sdelay $0x3  }
0x34: {  	[smem:$0x3FB7] =	sst s10  }
0x35: {  	s10 =	sld [smem:$0x3FB6];
	_ =	sdelay $0x3  }
0x36: {  	p1 =	seq.s32 s10, $0x1;
	s10 =	sld [smem:$0x3FB7];
	_ =	sdelay $0x3  }
0x37: {  	[smem:$0x3FB7] =	sst s10  }
0x38: {  	s10 =	sld [smem:$0x3FB8]  }
0x39: {  	_ = 	snop;
	(pc) =	sbr.ind lr, $3  }
0x3a: {  	_ = 	snop  }
0x3b: {  	_ = 	snop  }
0x3c: {  	p2 =	seq.s32 s10, $0x1;
	s10 =	sld [smem:$0x3FB7]  }
0x3d: {  	_ =	shalt  }
0x3e: {  	_ =	shalt  }
0x3f: {  	_ =	shalt  }
0x40: {  	_ =	shalt  }
0x41: {  	_ =	shalt  }
0x42: {  	_ =	shalt  }
0x43: {  	_ =	shalt  }
0x44: {  	_ =	shalt  }
0x45: {  	_ =	shalt  }
0x46: {  	_ =	shalt  }
0x47: {  	_ =	shalt  }
0x48: {  	_ =	shalt  }
0x49: {  	_ =	shalt  }
0x4a: {  	_ =	shalt  }
0x4b: {  	_ =	shalt  }
0x4c: {  	_ =	shalt  }
0x4d: {  	_ =	shalt  }
0x4e: {  	_ =	shalt  }
0x4f: {  	_ =	shalt  }
0x50: {  	_ =	shalt  }
0x51: {  	_ =	shalt  }
0x52: {  	_ =	shalt  }
0x53: {  	_ =	shalt  }
0x54: {  	_ =	shalt  }
0x55: {  	_ =	shalt  }
0x56: {  	_ =	shalt  }
0x57: {  	_ =	shalt  }
0x58: {  	_ =	shalt  }
0x59: {  	_ =	shalt  }
0x5a: {  	_ =	shalt  }
0x5b: {  	_ =	shalt  }
0x5c: {  	_ =	shalt  }
0x5d: {  	_ =	shalt  }
0x5e: {  	_ =	shalt  }
0x5f: {  	_ =	shalt  }
0x60: {  	_ =	shalt  }
0x61: {  	_ =	shalt  }
0x62: {  	_ =	shalt  }
0x63: {  	_ =	shalt  }
0x64: {  	_ =	shalt  }
0x65: {  	_ =	shalt  }
0x66: {  	_ =	shalt  }
0x67: {  	_ =	shalt  }
0x68: {  	_ =	shalt  }
0x69: {  	_ =	shalt  }
0x6a: {  	_ =	shalt  }
0x6b: {  	_ =	shalt  }
0x6c: {  	_ =	shalt  }
0x6d: {  	_ =	shalt  }
0x6e: {  	_ =	shalt  }
0x6f: {  	_ =	shalt  }
0x70: {  	_ =	shalt  }
0x71: {  	_ =	shalt  }
0x72: {  	_ =	shalt  }
0x73: {  	_ =	shalt  }
0x74: {  	_ =	shalt  }
0x75: {  	_ =	shalt  }
0x76: {  	_ =	shalt  }
0x77: {  	_ =	shalt  }
0x78: {  	_ =	shalt  }
0x79: {  	_ =	shalt  }
0x7a: {  	_ =	shalt  }
0x7b: {  	_ =	shalt  }
0x7c: {  	_ =	shalt  }
0x7d: {  	_ =	shalt  }
0x7e: {  	_ =	shalt  }
0x7f: {  	_ =	shalt  }
0x80: {  	_ =	shalt  }
0x81: {  	_ =	shalt  }
0x82: {  	_ =	shalt  }
0x83: {  	_ =	shalt  }
0x84: {  	_ =	shalt  }
0x85: {  	_ =	shalt  }
0x86: {  	_ =	shalt  }
0x87: {  	_ =	shalt  }
.Lfunc_end0:
.L_simem_size_0:
called_computation_lowered:
.L_overlay_start_0:
0x88: {  	s2 =	sld [smem:$0x3FD9]  }
0x89: {  	s3 =	sld [smem:$0x3FFE];
	_ =	sdelay $0x1  }
0x8a: {  	s1 =	srdreg.scid  }
0x8b: {  	s0 =	sand.u32 $0x1, s1  }
0x8c: {  	s17 =	sshll.u32 s0, $0xA;
	s2 =	sadd.s32 s3, s2  }
0x8d: {  	s2 =	sadd.s32 s2, s17  }
0x8e: {  	[smem:$0x3FC3] =	sst s2  }
0x8f: {  	_ = 	snop  }
0x90: {  	s2 =	sld [smem:$0x3FD0];
	(tm) =	ssettm $0x1  }
0x91: {  	s18 =	sld [smem:$0x3FFB];
	_ =	sdelay $0x3  }
0x92: {  	_ =	strace s18  }
0x93: {  	s3 =	sld [smem:$0x3FFC];
	_ =	sdelay $0x3  }
0x94: {  	_ =	strace s3  }
0x95: {  	s3 =	sld [smem:$0x3FFD];
	_ =	sdelay $0x3  }
0x96: {  	_ =	strace s3  }
0x97: {  	_ =	strace $0x8FFFFFFF  }
0x98: {  	s19 =	sld [smem:$0x3FDB];
	_ =	sdelay $0x1  }
0x99: {  	s4 =	simm.s32 $_scs_section_size  }
0x9a: {  	s5 =	simm.s32 $_size__tile_overlayer_lowered;
	s6 =	simm.s32 $_tile_overlayer_lowered  }
0x9b: {  	s22 =	simm.s32 $0x1BFF;
	s21 =	sshll.u32 s6, $0x1;
	s3 =	sadd.s32 s4, s19  }
0x9c: {  	s7 =	simm.s32 $0x0;
	s20 =	sshll.u32 s5, $0x1;
	s5 =	sadd.s32 s21, s3  }
0x9d: {  	[timem:s7], [sflag:s22] =	dma.local [hbm:s5], s20  }
0x9e: {  	_ =	swait.ge [sflag:s22], s20  }
0x9f: {  	s4 =	ssub.s32 $0x0, s20;
	[sflag:s22] =	ssyncset.done $0x0  }
0xa0: {  	[sflag:s22] =	ssyncadd.s32 s4;
	_ =	sdelay $0x1  }
0xa1: {  	s23 =	simm.s32 $0x1B8B  }
0xa2: {  	_ =	swait.ge [sflag:s23], $0x1  }
0xa3: {  	[sflag:s23] =	ssyncset.done $0x0  }
0xa4: {  	s25 =	simm.s32 $0x1B8E;
	s24 =	sld [smem:$0x3FFE];
	[sflag:s23] =	ssyncadd.s32 $0xFFFFFFFF  }
0xa5: {  	s26 =	simm.s32 $execute0_lowered;
	[smem:$0x3FD2] =	sst s25  }
0xa6: {  	s5 =	sshll.u32 s26, $0x1;
	_ =	strace $0x80000046;
	[dreg:$0x1] =	wrdreg $0xFFFFFFFF  }
0xa7: {  	s28 =	simm.s32 $_size_execute0_lowered;
	s3 =	sadd.s32 s3, s5;
	[dreg:$0x0] =	wrdreg $0x0  }
0xa8: {  	s5 =	sshll.u32 s28, $0x1;
	[dreg:$0x2] =	wrdreg s3  }
0xa9: {  	[dreg:$0x3] =	wrdreg s5  }
0xaa: {  	[dreg:$0x4] =	wrdreg $0xC0  }
0xab: {  	_ =	task [dreg:s7], $0x5FFFF  }
0xac: {  	[dreg:$0x1] =	wrdreg $0xFFFFFFFF  }
0xad: {  	[dreg:$0x0] =	wrdreg $0x60  }
0xae: {  	[dreg:$0x2] =	wrdreg s24  }
0xaf: {  	[dreg:$0x3] =	wrdreg s2  }
0xb0: {  	[dreg:$0x4] =	wrdreg $0x9  }
0xb1: {  	_ =	task.clear_ibuf [dreg:s7], $0x5FFFF;
	_ =	strace $0x90000046  }
0xb2: {  	s29 =	simm.s32 $0x9;
	_ =	strace $0x80000048  }
0xb3: {  	_ =	swait.ge [sflag:s29], $0x1  }
0xb4: {  	[sflag:s29] =	ssyncadd.s32 $0xFFFFFFFF  }
0xb5: {  	_ =	strace $0x90000048  }
0xb6: {  	_ =	sfence  }
0xb7: {  	s30 =	sld [smem:$0x0];
	_ =	sdelay $0x2  }
0xb8: {  	s31 =	sshll.u32 s1, $0xD;
	s1 =	sshrl.u32 s1, $0x2  }
0xb9: {  	s3 =	sand.u32 $0x4000, s31;
	s1 =	sadd.s32 s1, s30  }
0xba: {  	s0 =	sor.u32 s3, s0;
	s1 =	sshll.u32 s1, $0x11  }
0xbb: {  	s0 =	sor.u32 s1, s0  }
0xbc: {  	s0 =	sadd.s32 $0x8F2B, s0  }
0xbd: {  	[sflag:s0] =	ssyncadd.remote.s32 $0x1  }
0xbe: {  	_ =	sfence.sel $0xFFFF  }
0xbf: {  	[dreg:$0x0] =	wrdreg $0xFFFFFFFF;
	(pc) =	sbr.abs _section_cstart, $3  }
0xc0: {  	[dreg:$0x1] =	wrdreg $0xFFFFFFFF  }
0xc1: {  	_ =	task.clear_ibuf [dreg:s7], $0x2FFFF;
	_ =	strace $0x9FFFFFFF  }
0xc2: {  	(tm) =	ssettm $0x7FFFFFFF  }
0xc3: {  	_ =	shalt  }
tec
execute0_lowered:
.L_overlay_start_1:
0x0: {  	(tag) =	ssettag $0x1  }
0x1: {  	s10 =	stileid.u32  }
0x2: {  	s3 =	sshrl.u32 s10, $0x2  }
0x3: {  	s0 =	rddreg [dreg:$0x0];
	s4 =	sshll.u32 s3, $0x14  }
0x4: {  	s1 =	rddreg [dreg:$0x1];
	s2 =	simm.s32 $0x0;
	s5 =	sadd.s32 s4, s0  }
0x5: {  	[smem:$0x7FF] =	sst s2;
	s4 =	sadd.s32 $0x9800, s5  }
0x6: {  	_ =	strace $0x80000047;
	s9 =	sadd.s32 $0x19800, s5;
	[dreg:$0x3] =	wrdreg s4  }
0x7: {  	s17 =	srdreg.scid;
	s11 =	sadd.s32 $0x29800, s5;
	[dreg:$0x4] =	wrdreg s9  }
0x8: {  	s28 =	simm.s32 $0x780;
	s12 =	sadd.s32 $0x39800, s5;
	[dreg:$0x5] =	wrdreg s11  }
0x9: {  	s29 =	simm.s32 $0x1;
	s13 =	sadd.s32 $0x49800, s5;
	[dreg:$0x6] =	wrdreg s12  }
0xa: {  	s30 =	simm.s32 $0x0;
	s14 =	sadd.s32 $0x59800, s5;
	[dreg:$0x7] =	wrdreg s13  }
0xb: {  	s10 =	sand.u32 $0x3, s10;
	s15 =	sadd.s32 $0x69800, s5;
	[dreg:$0x8] =	wrdreg s14  }
0xc: {  	s6 =	sshll.u32 s3, $0xD;
	s16 =	sadd.s32 $0x79800, s5;
	[dreg:$0x9] =	wrdreg s15  }
0xd: {  	s8 =	sshll.u32 s3, $0x10;
	s18 =	sadd.s32 $0x89800, s5;
	[dreg:$0xa] =	wrdreg s16  }
0xe: {  	s7 =	sadd.s32 s6, s0;
	s19 =	sadd.s32 $0x99800, s5;
	[dreg:$0xb] =	wrdreg s18  }
0xf: {  	s0 =	sadd.s32 s8, s0;
	s20 =	sadd.s32 $0xA9800, s5;
	[dreg:$0xc] =	wrdreg s19  }
0x10: {  	s25 =	sadd.s32 s8, s1;
	s22 =	sadd.s32 $0xB9800, s5;
	[dreg:$0xd] =	wrdreg s20  }
0x11: {  	s23 =	sadd.s32 $0xC9800, s5;
	s3 =	sadd.s32 $0xD9800, s5;
	[dreg:$0xe] =	wrdreg s22  }
0x12: {  	s9 =	sand.u32 $0x1, s17;
	[dreg:$0xf] =	wrdreg s23;
	s11 =	sshll.u32 s10, $0xA  }
0x13: {  	s10 =	sshll.u32 s10, $0xE;
	s12 =	simm.s32 $0x2;
	s13 =	simm.s32 $0x800  }
0x14: {  	s14 =	simm.s32 $0x80;
	s15 =	simm.s32 $0x100;
	s16 =	simm.s32 $0x180  }
0x15: {  	s17 =	simm.s32 $0x200;
	s18 =	simm.s32 $0x280;
	s19 =	simm.s32 $0x300  }
0x16: {  	s20 =	simm.s32 $0x380;
	s22 =	simm.s32 $0x500;
	s23 =	simm.s32 $0x580  }
0x17: {  	s4 =	ssub.s32 $0x2, s9;
	s7 =	sadd.s32 s11, s7;
	s24 =	sshll.u32 s9, $0x9  }
0x18: {  	s0 =	sadd.s32 s10, s0;
	s9 =	sshll.u32 s9, $0xD;
	s31 =	sadd.s32 s10, s25  }
0x19: {  	s10 =	simm.s32 $0x400;
	s11 =	simm.s32 $0x8000;
	s25 =	simm.s32 $0x680  }
0x1a: {  	s21 =	sshrl.u32 s4, $0x1;
	s7 =	sadd.s32 s24, s7;
	s0 =	sadd.s32 s9, s0  }
0x1b: {  	s9 =	sadd.s32 s9, s31;
	s24 =	simm.s32 $0x600;
	s6 =	ssub.s32 s4, s21  }
0x1c: {  	s4 =	sadd.s32 $0xE9800, s5;
	s5 =	sadd.s32 $0xF9800, s5;
	s26 =	sadd.s32 $0x1800, s7  }
0x1d: {  	s8 =	sadd.s32 $0x409800, s0;
	s6 =	smax.u32 s6, $0x1;
	[dreg:$0x11] =	wrdreg s26  }
0x1e: {  	s21 =	simm.s32 $0x480;
	s26 =	simm.s32 $0x700;
	[dreg:$0x10] =	wrdreg s6  }
.LBB2_1:
0x1f: {  	s1 =	rddreg [dreg:$0x11]  }
0x20: {  	[tilespmem:s2], [sflag:$0x2] =	stream.strided.gather [hbm4b:s1+s10], $0x800, s11, s10, $0x38;
	[tilespmem:$0x4800] =	vst v63  }
0x21: {  	_ =	swait.ge [sflag:s12], $0x800  }
0x22: {  	[sflag:s12] =	ssyncset.done $0x0  }
0x23: {  	s0 =	sadd.s32 $0x0, s9;
	[sflag:s12] =	ssyncadd.s32 $0xFFFFF800  }
0x24: {  	[tilespmem:s13], [sflag:$0x2] =	stream.linear.gather [hbm4b:s0+s2], $0x4000, $0x38;
	[tilespmem:$0x4800] =	vst v63  }
0x25: {  	_ =	swait.ge [sflag:s12], $0x4000  }
0x26: {  	[sflag:s12] =	ssyncset.done $0x0  }
0x27: {  	s6 =	rddreg [dreg:$0x3];
	[sflag:s12] =	ssyncadd.s32 $0xFFFFC000  }
0x28: {  	[tilespmem:s13], [sflag:$0x1] =	stream.indirect.gather.add.f32 [hbm:s6], $0x80, s2, s14, $0xb8;
	[tilespmem:$0x4800] =	vst v63  }
0x29: {  	s7 =	rddreg [dreg:$0x4]  }
0x2a: {  	[tilespmem:s13], [sflag:$0x1] =	stream.indirect.gather.add.f32 [hbm:s7], $0x80, s14, s14, $0xb8;
	[tilespmem:$0x4800] =	vst v63  }
0x2b: {  	s6 =	rddreg [dreg:$0x5]  }
0x2c: {  	[tilespmem:s13], [sflag:$0x1] =	stream.indirect.gather.add.f32 [hbm:s6], $0x80, s15, s14, $0xb8;
	[tilespmem:$0x4800] =	vst v63  }
0x2d: {  	s7 =	rddreg [dreg:$0x6]  }
0x2e: {  	[tilespmem:s13], [sflag:$0x1] =	stream.indirect.gather.add.f32 [hbm:s7], $0x80, s16, s14, $0xb8;
	[tilespmem:$0x4800] =	vst v63  }
0x2f: {  	s6 =	rddreg [dreg:$0x7]  }
0x30: {  	[tilespmem:s13], [sflag:$0x1] =	stream.indirect.gather.add.f32 [hbm:s6], $0x80, s17, s14, $0xb8;
	[tilespmem:$0x4800] =	vst v63  }
0x31: {  	s7 =	rddreg [dreg:$0x8]  }
0x32: {  	[tilespmem:s13], [sflag:$0x1] =	stream.indirect.gather.add.f32 [hbm:s7], $0x80, s18, s14, $0xb8;
	[tilespmem:$0x4800] =	vst v63  }
0x33: {  	s6 =	rddreg [dreg:$0x9]  }
0x34: {  	[tilespmem:s13], [sflag:$0x1] =	stream.indirect.gather.add.f32 [hbm:s6], $0x80, s19, s14, $0xb8;
	[tilespmem:$0x4800] =	vst v63  }
0x35: {  	s7 =	rddreg [dreg:$0xa]  }
0x36: {  	[tilespmem:s13], [sflag:$0x1] =	stream.indirect.gather.add.f32 [hbm:s7], $0x80, s20, s14, $0xb8;
	[tilespmem:$0x4800] =	vst v63  }
0x37: {  	s6 =	rddreg [dreg:$0xb]  }
0x38: {  	[tilespmem:s13], [sflag:$0x1] =	stream.indirect.gather.add.f32 [hbm:s6], $0x80, s10, s14, $0xb8;
	[tilespmem:$0x4800] =	vst v63  }
0x39: {  	s7 =	rddreg [dreg:$0xc]  }
0x3a: {  	[tilespmem:s13], [sflag:$0x1] =	stream.indirect.gather.add.f32 [hbm:s7], $0x80, s21, s14, $0xb8;
	[tilespmem:$0x4800] =	vst v63  }
0x3b: {  	s6 =	rddreg [dreg:$0xd]  }
0x3c: {  	[tilespmem:s13], [sflag:$0x1] =	stream.indirect.gather.add.f32 [hbm:s6], $0x80, s22, s14, $0xb8;
	[tilespmem:$0x4800] =	vst v63  }
0x3d: {  	s7 =	rddreg [dreg:$0xe]  }
0x3e: {  	[tilespmem:s13], [sflag:$0x1] =	stream.indirect.gather.add.f32 [hbm:s7], $0x80, s23, s14, $0xb8;
	[tilespmem:$0x4800] =	vst v63  }
0x3f: {  	s6 =	rddreg [dreg:$0xf]  }
0x40: {  	[tilespmem:s13], [sflag:$0x1] =	stream.indirect.gather.add.f32 [hbm:s6], $0x80, s24, s14, $0xb8;
	[tilespmem:$0x4800] =	vst v63  }
0x41: {  	_ = 	snop  }
0x42: {  	[tilespmem:s13], [sflag:$0x1] =	stream.indirect.gather.add.f32 [hbm:s3], $0x80, s25, s14, $0xb8;
	[tilespmem:$0x4800] =	vst v63  }
0x43: {  	_ = 	snop  }
0x44: {  	[tilespmem:s13], [sflag:$0x1] =	stream.indirect.gather.add.f32 [hbm:s4], $0x80, s26, s14, $0xb8;
	[tilespmem:$0x4800] =	vst v63  }
0x45: {  	_ = 	snop  }
0x46: {  	[tilespmem:s13], [sflag:$0x1] =	stream.indirect.gather.add.f32 [hbm:s5], $0x80, s28, s14, $0xb8;
	[tilespmem:$0x4800] =	vst v63  }
0x47: {  	_ =	swait.ge [sflag:s29], $0x4000  }
0x48: {  	[sflag:s29] =	ssyncset.done $0x0  }
0x49: {  	[sflag:s29] =	ssyncadd.s32 $0xFFFFC000  }
0x4a: {  	_ =	swait.ge [sflag:s29], $0x4000  }
0x4b: {  	[sflag:s29] =	ssyncset.done $0x0  }
0x4c: {  	[sflag:s29] =	ssyncadd.s32 $0xFFFFC000  }
0x4d: {  	_ =	swait.ge [sflag:s29], $0x4000  }
0x4e: {  	[sflag:s29] =	ssyncset.done $0x0  }
0x4f: {  	[sflag:s29] =	ssyncadd.s32 $0xFFFFC000  }
0x50: {  	_ =	swait.ge [sflag:s29], $0x4000  }
0x51: {  	[sflag:s29] =	ssyncset.done $0x0  }
0x52: {  	[sflag:s29] =	ssyncadd.s32 $0xFFFFC000  }
0x53: {  	_ =	swait.ge [sflag:s29], $0x4000  }
0x54: {  	[sflag:s29] =	ssyncset.done $0x0  }
0x55: {  	[sflag:s29] =	ssyncadd.s32 $0xFFFFC000  }
0x56: {  	_ =	swait.ge [sflag:s29], $0x4000  }
0x57: {  	[sflag:s29] =	ssyncset.done $0x0  }
0x58: {  	[sflag:s29] =	ssyncadd.s32 $0xFFFFC000  }
0x59: {  	_ =	swait.ge [sflag:s29], $0x4000  }
0x5a: {  	[sflag:s29] =	ssyncset.done $0x0  }
0x5b: {  	[sflag:s29] =	ssyncadd.s32 $0xFFFFC000  }
0x5c: {  	_ =	swait.ge [sflag:s29], $0x4000  }
0x5d: {  	[sflag:s29] =	ssyncset.done $0x0  }
0x5e: {  	[sflag:s29] =	ssyncadd.s32 $0xFFFFC000  }
0x5f: {  	_ =	swait.ge [sflag:s29], $0x4000  }
0x60: {  	[sflag:s29] =	ssyncset.done $0x0  }
0x61: {  	[sflag:s29] =	ssyncadd.s32 $0xFFFFC000  }
0x62: {  	_ =	swait.ge [sflag:s29], $0x4000  }
0x63: {  	[sflag:s29] =	ssyncset.done $0x0  }
0x64: {  	[sflag:s29] =	ssyncadd.s32 $0xFFFFC000  }
0x65: {  	_ =	swait.ge [sflag:s29], $0x4000  }
0x66: {  	[sflag:s29] =	ssyncset.done $0x0  }
0x67: {  	[sflag:s29] =	ssyncadd.s32 $0xFFFFC000  }
0x68: {  	_ =	swait.ge [sflag:s29], $0x4000  }
0x69: {  	[sflag:s29] =	ssyncset.done $0x0  }
0x6a: {  	[sflag:s29] =	ssyncadd.s32 $0xFFFFC000  }
0x6b: {  	_ =	swait.ge [sflag:s29], $0x4000  }
0x6c: {  	[sflag:s29] =	ssyncset.done $0x0  }
0x6d: {  	[sflag:s29] =	ssyncadd.s32 $0xFFFFC000  }
0x6e: {  	_ =	swait.ge [sflag:s29], $0x4000  }
0x6f: {  	[sflag:s29] =	ssyncset.done $0x0  }
0x70: {  	[sflag:s29] =	ssyncadd.s32 $0xFFFFC000  }
0x71: {  	_ =	swait.ge [sflag:s29], $0x4000  }
0x72: {  	[sflag:s29] =	ssyncset.done $0x0  }
0x73: {  	[sflag:s29] =	ssyncadd.s32 $0xFFFFC000  }
0x74: {  	_ =	swait.ge [sflag:s29], $0x4000  }
0x75: {  	[sflag:s29] =	ssyncset.done $0x0  }
0x76: {  	s7 =	sadd.s32 $0x0, s8;
	[sflag:s29] =	ssyncadd.s32 $0xFFFFC000  }
0x77: {  	[hbm4b:s7+s2] =	stream.linear.scatter [tilespmem:s13], [sflag:$0x2], $0x4000, $0x38;
	[tilespmem:$0x4800] =	vst v63  }
0x78: {  	_ =	swait.ge [sflag:s12], $0x4000  }
0x79: {  	s31 =	simm.s32 $0x800;
	s7 =	smov.u32 s1;
	[sflag:s12] =	ssyncset.done $0x0  }
.LBB2_2:
0x7a: {  	[sflag:s12] =	ssyncadd.s32 $0xFFFFC000;
	s7 =	sadd.s32 $0x80, s7  }
0x7b: {  	[tilespmem:s2], [sflag:$0x2] =	stream.strided.gather [hbm4b:s7+s10], $0x800, s11, s10, $0x38;
	[tilespmem:$0x4800] =	vst v63  }
0x7c: {  	_ =	swait.ge [sflag:s12], $0x800  }
0x7d: {  	s0 =	smov.u32 s31;
	[sflag:s12] =	ssyncset.done $0x0  }
0x7e: {  	s6 =	sadd.s32 s0, s9;
	[sflag:s12] =	ssyncadd.s32 $0xFFFFF800  }
0x7f: {  	[tilespmem:s13], [sflag:$0x2] =	stream.linear.gather [hbm4b:s6+s2], $0x4000, $0x38;
	[tilespmem:$0x4800] =	vst v63  }
0x80: {  	_ =	swait.ge [sflag:s12], $0x4000  }
0x81: {  	[sflag:s12] =	ssyncset.done $0x0  }
0x82: {  	s6 =	rddreg [dreg:$0x3];
	[sflag:s12] =	ssyncadd.s32 $0xFFFFC000  }
0x83: {  	[tilespmem:s13], [sflag:$0x1] =	stream.indirect.gather.add.f32 [hbm:s6], $0x80, s2, s14, $0xb8;
	[tilespmem:$0x4800] =	vst v63  }
0x84: {  	s1 =	rddreg [dreg:$0x4]  }
0x85: {  	[tilespmem:s13], [sflag:$0x1] =	stream.indirect.gather.add.f32 [hbm:s1], $0x80, s14, s14, $0xb8;
	[tilespmem:$0x4800] =	vst v63  }
0x86: {  	s6 =	rddreg [dreg:$0x5]  }
0x87: {  	[tilespmem:s13], [sflag:$0x1] =	stream.indirect.gather.add.f32 [hbm:s6], $0x80, s15, s14, $0xb8;
	[tilespmem:$0x4800] =	vst v63  }
0x88: {  	s1 =	rddreg [dreg:$0x6]  }
0x89: {  	[tilespmem:s13], [sflag:$0x1] =	stream.indirect.gather.add.f32 [hbm:s1], $0x80, s16, s14, $0xb8;
	[tilespmem:$0x4800] =	vst v63  }
0x8a: {  	s6 =	rddreg [dreg:$0x7]  }
0x8b: {  	[tilespmem:s13], [sflag:$0x1] =	stream.indirect.gather.add.f32 [hbm:s6], $0x80, s17, s14, $0xb8;
	[tilespmem:$0x4800] =	vst v63  }
0x8c: {  	s1 =	rddreg [dreg:$0x8]  }
0x8d: {  	[tilespmem:s13], [sflag:$0x1] =	stream.indirect.gather.add.f32 [hbm:s1], $0x80, s18, s14, $0xb8;
	[tilespmem:$0x4800] =	vst v63  }
0x8e: {  	s6 =	rddreg [dreg:$0x9]  }
0x8f: {  	[tilespmem:s13], [sflag:$0x1] =	stream.indirect.gather.add.f32 [hbm:s6], $0x80, s19, s14, $0xb8;
	[tilespmem:$0x4800] =	vst v63  }
0x90: {  	s1 =	rddreg [dreg:$0xa]  }
0x91: {  	[tilespmem:s13], [sflag:$0x1] =	stream.indirect.gather.add.f32 [hbm:s1], $0x80, s20, s14, $0xb8;
	[tilespmem:$0x4800] =	vst v63  }
0x92: {  	s6 =	rddreg [dreg:$0xb]  }
0x93: {  	[tilespmem:s13], [sflag:$0x1] =	stream.indirect.gather.add.f32 [hbm:s6], $0x80, s10, s14, $0xb8;
	[tilespmem:$0x4800] =	vst v63  }
0x94: {  	s1 =	rddreg [dreg:$0xc]  }
0x95: {  	[tilespmem:s13], [sflag:$0x1] =	stream.indirect.gather.add.f32 [hbm:s1], $0x80, s21, s14, $0xb8;
	[tilespmem:$0x4800] =	vst v63  }
0x96: {  	s6 =	rddreg [dreg:$0xd]  }
0x97: {  	[tilespmem:s13], [sflag:$0x1] =	stream.indirect.gather.add.f32 [hbm:s6], $0x80, s22, s14, $0xb8;
	[tilespmem:$0x4800] =	vst v63  }
0x98: {  	s1 =	rddreg [dreg:$0xe]  }
0x99: {  	[tilespmem:s13], [sflag:$0x1] =	stream.indirect.gather.add.f32 [hbm:s1], $0x80, s23, s14, $0xb8;
	[tilespmem:$0x4800] =	vst v63  }
0x9a: {  	s6 =	rddreg [dreg:$0xf]  }
0x9b: {  	[tilespmem:s13], [sflag:$0x1] =	stream.indirect.gather.add.f32 [hbm:s6], $0x80, s24, s14, $0xb8;
	[tilespmem:$0x4800] =	vst v63  }
0x9c: {  	_ = 	snop  }
0x9d: {  	[tilespmem:s13], [sflag:$0x1] =	stream.indirect.gather.add.f32 [hbm:s3], $0x80, s25, s14, $0xb8;
	[tilespmem:$0x4800] =	vst v63  }
0x9e: {  	_ = 	snop  }
0x9f: {  	[tilespmem:s13], [sflag:$0x1] =	stream.indirect.gather.add.f32 [hbm:s4], $0x80, s26, s14, $0xb8;
	[tilespmem:$0x4800] =	vst v63  }
0xa0: {  	_ = 	snop  }
0xa1: {  	[tilespmem:s13], [sflag:$0x1] =	stream.indirect.gather.add.f32 [hbm:s5], $0x80, s28, s14, $0xb8;
	[tilespmem:$0x4800] =	vst v63  }
0xa2: {  	_ =	swait.ge [sflag:s29], $0x4000  }
0xa3: {  	[sflag:s29] =	ssyncset.done $0x0  }
0xa4: {  	[sflag:s29] =	ssyncadd.s32 $0xFFFFC000  }
0xa5: {  	_ =	swait.ge [sflag:s29], $0x4000  }
0xa6: {  	[sflag:s29] =	ssyncset.done $0x0  }
0xa7: {  	[sflag:s29] =	ssyncadd.s32 $0xFFFFC000  }
0xa8: {  	_ =	swait.ge [sflag:s29], $0x4000  }
0xa9: {  	[sflag:s29] =	ssyncset.done $0x0  }
0xaa: {  	[sflag:s29] =	ssyncadd.s32 $0xFFFFC000  }
0xab: {  	_ =	swait.ge [sflag:s29], $0x4000  }
0xac: {  	[sflag:s29] =	ssyncset.done $0x0  }
0xad: {  	[sflag:s29] =	ssyncadd.s32 $0xFFFFC000  }
0xae: {  	_ =	swait.ge [sflag:s29], $0x4000  }
0xaf: {  	[sflag:s29] =	ssyncset.done $0x0  }
0xb0: {  	[sflag:s29] =	ssyncadd.s32 $0xFFFFC000  }
0xb1: {  	_ =	swait.ge [sflag:s29], $0x4000  }
0xb2: {  	[sflag:s29] =	ssyncset.done $0x0  }
0xb3: {  	[sflag:s29] =	ssyncadd.s32 $0xFFFFC000  }
0xb4: {  	_ =	swait.ge [sflag:s29], $0x4000  }
0xb5: {  	[sflag:s29] =	ssyncset.done $0x0  }
0xb6: {  	[sflag:s29] =	ssyncadd.s32 $0xFFFFC000  }
0xb7: {  	_ =	swait.ge [sflag:s29], $0x4000  }
0xb8: {  	[sflag:s29] =	ssyncset.done $0x0  }
0xb9: {  	[sflag:s29] =	ssyncadd.s32 $0xFFFFC000  }
0xba: {  	_ =	swait.ge [sflag:s29], $0x4000  }
0xbb: {  	[sflag:s29] =	ssyncset.done $0x0  }
0xbc: {  	[sflag:s29] =	ssyncadd.s32 $0xFFFFC000  }
0xbd: {  	_ =	swait.ge [sflag:s29], $0x4000  }
0xbe: {  	[sflag:s29] =	ssyncset.done $0x0  }
0xbf: {  	[sflag:s29] =	ssyncadd.s32 $0xFFFFC000  }
0xc0: {  	_ =	swait.ge [sflag:s29], $0x4000  }
0xc1: {  	[sflag:s29] =	ssyncset.done $0x0  }
0xc2: {  	[sflag:s29] =	ssyncadd.s32 $0xFFFFC000  }
0xc3: {  	_ =	swait.ge [sflag:s29], $0x4000  }
0xc4: {  	[sflag:s29] =	ssyncset.done $0x0  }
0xc5: {  	[sflag:s29] =	ssyncadd.s32 $0xFFFFC000  }
0xc6: {  	_ =	swait.ge [sflag:s29], $0x4000  }
0xc7: {  	[sflag:s29] =	ssyncset.done $0x0  }
0xc8: {  	[sflag:s29] =	ssyncadd.s32 $0xFFFFC000  }
0xc9: {  	_ =	swait.ge [sflag:s29], $0x4000  }
0xca: {  	[sflag:s29] =	ssyncset.done $0x0  }
0xcb: {  	[sflag:s29] =	ssyncadd.s32 $0xFFFFC000  }
0xcc: {  	_ =	swait.ge [sflag:s29], $0x4000  }
0xcd: {  	[sflag:s29] =	ssyncset.done $0x0  }
0xce: {  	[sflag:s29] =	ssyncadd.s32 $0xFFFFC000  }
0xcf: {  	p0 =	sne.s32 s31, $0x1800;
	_ =	swait.ge [sflag:s29], $0x4000  }
.Ltmp0:
0xd0: {  	[sflag:s29] =	ssyncset.done $0x0;
	(pc) =	sbr.rel @p0 .LBB2_2-.Ltmp0, $4  }
0xd1: {  	s0 =	sadd.s32 s0, s8;
	[sflag:s29] =	ssyncadd.s32 $0xFFFFC000  }
0xd2: {  	[hbm4b:s0+s2] =	stream.linear.scatter [tilespmem:s13], [sflag:$0x2], $0x4000, $0x38;
	[tilespmem:$0x4800] =	vst v63  }
0xd3: {  	_ =	swait.ge [sflag:s12], $0x4000  }
0xd4: {  	s31 =	sadd.s32 $0x800, s31;
	[sflag:s12] =	ssyncset.done $0x0  }
0xd5: {  	s30 =	sadd.s32 $0x1, s30;
	s0 =	rddreg [dreg:$0x10]  }
0xd6: {  	p0 =	sne.s32 s30, s0  }
.Ltmp1:
0xd7: {  	_ = 	snop;
	(pc) =	sbr.rel @p0 .LBB2_1-.Ltmp1, $2  }
0xd8: {  	_ =	sdelay $0x2  }
0xd9: {  	[sflag:s12] =	ssyncadd.s32 $0xFFFFC000  }
0xda: {  	_ =	sfence.sel $0x180000  }
0xdb: {  	[bflag:$0x0] =	sbarrier.arrive $0xFFFF  }
0xdc: {  	_ =	strace $0x90000047  }
0xdd: {  	s0 =	stileid.u32;
	[bflag:$0x2] =	sbarrier.arrive $0xFFFF  }
0xde: {  	p0 =	sne.s32 s0, $0x0;
	s0 =	rddreg [dreg:$0x2]  }
0xdf: {  	s0 =	sadd.s32 @!p0 $0x100000, s0  }
0xe0: {  	[sflag:s0] =	ssyncadd.tile.s32 @!p0 $0x1;
	_ =	shalt  }
.Lfunc_end2:
_tile_overlayer_lowered:
.L_overlay_start_2:
0xe1: {  	(tag) =	ssettag $0x2  }
0xe2: {  	s0 =	rddreg [dreg:$0x0];
	s2 =	stileid.u32  }
0xe3: {  	s1 =	rddreg [dreg:$0x1];
	p0 =	sne.s32 s2, $0x0  }
0xe4: {  	s3 =	rddreg [dreg:$0x2];
	[bflag:$0x3] =	sbarrier.arrive $0xFFFF;
	s2 =	simm.s32 @!p0 $0x1C02  }
0xe5: {  	[timem:s3], [sflag:s2] =	dma.local @!p0 [hbm:s0], s1  }
0xe6: {  	s0 =	simm.s32 @!p0 $0x2  }
0xe7: {  	_ =	swait.ge @!p0 [sflag:s0], s1  }
0xe8: {  	s1 =	ssub.s32 @!p0 $0x0, s1;
	[sflag:s0] =	ssyncset.done @!p0 $0x0  }
0xe9: {  	[sflag:s0] =	ssyncadd.s32 @!p0 s1  }
0xea: {  	[bflag:$0x3] =	sbarrier.arrive $0xFFFF  }
0xeb: {  	_ =	shalt  }

</sc_bundles>
